<compile_context>
chip_gen: v7x
topology: tpu7x:2x2x1
jax: 0.10.2.dev20260603
libtpu: 0.0.44.dev20260713+nightly
codegen_flags: <defaults>
</compile_context>

<pallas_src>
import jax
import jax.numpy as jnp
from jax import lax
from jax.experimental import pallas as pl
from jax.experimental.pallas import tpu as pltpu
from jax.experimental.pallas import tpu_sc as plsc

N = 10000
E = 320000
D = 128
NC = 2
NS = 16
NW = NC * NS
C = 128
K0 = 124
K1 = 34
KC = (K0 + K1) // 2
E_PAD = NS * (K0 + K1) * C
N_PAD = 10112
RPT = N_PAD // NS
CHUNKS = (C, C, C, C, RPT - 4 * C)

_MESH = plsc.VectorSubcoreMesh(core_axis_name="c", subcore_axis_name="s")
_OUT = jax.ShapeDtypeStruct((NC, N_PAD, D), jnp.float32)


def _zero_acc(zf, rows_v, acc, r0):
    pltpu.sync_copy(zf, rows_v)
    off = r0
    for ch in CHUNKS:
        pltpu.sync_copy(rows_v.at[pl.ds(0, ch)], acc.at[pl.ds(off, ch)])
        off += ch


def _drain_acc(acc, rows_v, out, cid, r0):
    off = r0
    for ch in CHUNKS:
        pltpu.sync_copy(acc.at[pl.ds(off, ch)], rows_v.at[pl.ds(0, ch)])
        pltpu.sync_copy(rows_v.at[pl.ds(0, ch)], out.at[cid, pl.ds(off, ch)])
        off += ch


def _feat_body(*refs):
        (feat, src1d, dst1d, zf, out, acc,
         src0, dst0, rows0, sem0, src1, dst1, rows1, sem1) = refs
        cid = lax.axis_index("c")
        sid = lax.axis_index("s")
        r0 = sid * RPT

        base = jnp.where(cid == 0, sid * K0, NS * K0 + sid * K1)
        half = jnp.where(cid == 0, K0 // 2, K1 // 2)

        _zero_acc(zf, rows0, acc, r0)
        plsc.subcore_barrier()

        def fill(b, src_v, dst_v, rows_v, sem):
            e = (base + b) * C
            pltpu.sync_copy(src1d.at[pl.ds(e, C)], src_v)
            pltpu.sync_copy(dst1d.at[pl.ds(e, C)], dst_v)
            pltpu.async_copy(feat.at[src_v], rows_v, sem)

        fill(0, src0, dst0, rows0, sem0)
        fill(1, src1, dst1, rows1, sem1)

        def pair(p, carry):
            pltpu.make_async_copy(feat.at[src0], rows0, sem0).wait()
            pltpu.sync_copy(rows0, acc.at[dst0], add=True)

            @pl.when(p < half - 1)
            def _():
                fill(2 * p + 2, src0, dst0, rows0, sem0)

            pltpu.make_async_copy(feat.at[src1], rows1, sem1).wait()
            pltpu.sync_copy(rows1, acc.at[dst1], add=True)

            @pl.when(p < half - 1)
            def _():
                fill(2 * p + 3, src1, dst1, rows1, sem1)

            return carry

        lax.fori_loop(0, half, pair, 0)

        plsc.subcore_barrier()
        _drain_acc(acc, rows0, out, cid, r0)


def _count_body(dst1d, zf, ones_h, out, acc, dst_v, rows_v, sem):
    cid = lax.axis_index("c")
    sid = lax.axis_index("s")
    wid = cid * NS + sid
    r0 = sid * RPT

    _zero_acc(zf, rows_v, acc, r0)
    plsc.subcore_barrier()
    pltpu.sync_copy(ones_h, rows_v)

    def step(j, carry):
        eoff = (wid * KC + j) * C
        pltpu.sync_copy(dst1d.at[pl.ds(eoff, C)], dst_v)
        pltpu.sync_copy(rows_v, acc.at[dst_v], add=True)
        return carry

    lax.fori_loop(0, KC, step, 0)

    plsc.subcore_barrier()
    _drain_acc(acc, rows_v, out, cid, r0)


_PIPE_SCRATCH = [
    pltpu.VMEM((C,), jnp.int32),
    pltpu.VMEM((C,), jnp.int32),
    pltpu.VMEM((C, D), jnp.float32),
    pltpu.SemaphoreType.DMA,
    pltpu.VMEM((C,), jnp.int32),
    pltpu.VMEM((C,), jnp.int32),
    pltpu.VMEM((C, D), jnp.float32),
    pltpu.SemaphoreType.DMA,
]

_sc_feat = pl.kernel(
    _feat_body,
    out_type=_OUT,
    mesh=_MESH,
    scratch_types=[pltpu.VMEM_SHARED((N_PAD, D), jnp.float32)] + _PIPE_SCRATCH,
)

_sc_count = pl.kernel(
    _count_body,
    out_type=_OUT,
    mesh=_MESH,
    scratch_types=[
        pltpu.VMEM_SHARED((N_PAD, D), jnp.float32),
        pltpu.VMEM((C,), jnp.int32),
        pltpu.VMEM((C, D), jnp.float32),
        pltpu.SemaphoreType.DMA,
    ],
)

BN = 1000


def _dense1_body(s1, c1, x, w1l, b1l, w1r, w2l, w2r, g, hr):
    cnt = c1[0][:, 0:1] + c1[1][:, 0:1]
    mean = (s1[0] + s1[1]) / jnp.maximum(cnt, 1.0)
    dims = (((1,), (1,)), ((), ()))
    h = (lax.dot_general(mean, w1l[...], dims, preferred_element_type=jnp.float32)
         + b1l[...]
         + lax.dot_general(x[...], w1r[...], dims, preferred_element_type=jnp.float32))
    h = jnp.maximum(h, 0.0)
    g[...] = lax.dot_general(h, w2l[...], dims, preferred_element_type=jnp.float32)
    hr[...] = lax.dot_general(h, w2r[...], dims, preferred_element_type=jnp.float32)


def _dense2_body(s2, c1, hr, b2l, out):
    cnt = c1[0][:, 0:1] + c1[1][:, 0:1]
    o = (s2[0] + s2[1]) / jnp.maximum(cnt, 1.0) + hr[...] + b2l[...]
    m = jnp.max(o, axis=1, keepdims=True)
    e = jnp.exp(o - m)
    out[...] = (o - m) - jnp.log(jnp.sum(e, axis=1, keepdims=True))


_dense1 = pl.pallas_call(
    _dense1_body,
    grid=(N // BN,),
    in_specs=[
        pl.BlockSpec((NC, BN, D), lambda i: (0, i, 0)),
        pl.BlockSpec((NC, BN, D), lambda i: (0, i, 0)),
        pl.BlockSpec((BN, D), lambda i: (i, 0)),
        pl.BlockSpec((256, D), lambda i: (0, 0)),
        pl.BlockSpec((1, 256), lambda i: (0, 0)),
        pl.BlockSpec((256, D), lambda i: (0, 0)),
        pl.BlockSpec((D, 256), lambda i: (0, 0)),
        pl.BlockSpec((D, 256), lambda i: (0, 0)),
    ],
    out_specs=[
        pl.BlockSpec((BN, D), lambda i: (i, 0)),
        pl.BlockSpec((BN, D), lambda i: (i, 0)),
    ],
    out_shape=[
        jax.ShapeDtypeStruct((N, D), jnp.float32),
        jax.ShapeDtypeStruct((N, D), jnp.float32),
    ],
)

_dense2 = pl.pallas_call(
    _dense2_body,
    grid=(N // BN,),
    in_specs=[
        pl.BlockSpec((NC, BN, D), lambda i: (0, i, 0)),
        pl.BlockSpec((NC, BN, D), lambda i: (0, i, 0)),
        pl.BlockSpec((BN, D), lambda i: (i, 0)),
        pl.BlockSpec((1, D), lambda i: (0, 0)),
    ],
    out_specs=pl.BlockSpec((BN, D), lambda i: (i, 0)),
    out_shape=jax.ShapeDtypeStruct((N, D), jnp.float32),
)


def kernel(x, edge_index, W1l, b1l, W1r, W2l, b2l, W2r):
    src = edge_index[0]
    dst = edge_index[1]
    pad = E_PAD - E
    src1d = jnp.concatenate([src, jnp.zeros((pad,), jnp.int32)])
    dst1d = jnp.concatenate([dst, jnp.full((pad,), N, jnp.int32)])
    zf = jnp.zeros((C, D), jnp.float32)
    ones = jnp.ones((C, D), jnp.float32)

    c1 = _sc_count(dst1d, zf, ones)
    s1 = _sc_feat(x, src1d, dst1d, zf)
    g, hr = _dense1(s1, c1, x, W1l, b1l.reshape(1, -1), W1r, W2l, W2r)
    s2 = _sc_feat(g, src1d, dst1d, zf)
    return _dense2(s2, c1, hr, b2l.reshape(1, -1))

# --- scband reference (transcript-rebuilt; emitter-appended) ---
"""Pipeline reference for scband-sagenet-74354473828738 (READ-ONLY COPY).

The authoritative reference and input builder live on the scoring server;
editing this copy changes nothing except your own understanding.
"""

import jax, jax.numpy as jnp
import numpy as np

N = 10000
E = 320000
D_IN = 128
D_HID = 256
D_OUT = 128


def setup_inputs(seed: int = 0) -> dict:
    key = jax.random.key(seed)
    ks = jax.random.split(key, 8)
    x = jax.random.normal(ks[0], (N, D_IN), dtype=jnp.float32)
    edge_index = jax.random.randint(ks[1], (2, E), 0, N, dtype=jnp.int32)
    W1l = jax.random.normal(ks[2], (D_HID, D_IN), dtype=jnp.float32) * (1.0 / np.sqrt(D_IN))
    b1l = jnp.zeros((D_HID,), dtype=jnp.float32)
    W1r = jax.random.normal(ks[3], (D_HID, D_IN), dtype=jnp.float32) * (1.0 / np.sqrt(D_IN))
    W2l = jax.random.normal(ks[4], (D_OUT, D_HID), dtype=jnp.float32) * (1.0 / np.sqrt(D_HID))
    b2l = jnp.zeros((D_OUT,), dtype=jnp.float32)
    W2r = jax.random.normal(ks[5], (D_OUT, D_HID), dtype=jnp.float32) * (1.0 / np.sqrt(D_HID))
    return {"x": x, "edge_index": edge_index, "W1l": W1l, "b1l": b1l, "W1r": W1r, "W2l": W2l, "b2l": b2l, "W2r": W2r}


def _sage_conv(x, src, dst, Wl, bl, Wr):
    # PyG SAGEConv (aggr='mean'): out = lin_l(mean_{j in N(i)} x_j) + lin_r(x_i)
    msg = jnp.take(x, src, axis=0)
    summed = jax.ops.segment_sum(msg, dst, num_segments=N)
    cnt = jax.ops.segment_sum(jnp.ones((src.shape[0],), dtype=x.dtype), dst, num_segments=N)
    mean = summed / jnp.maximum(cnt, 1.0)[:, None]
    return mean @ Wl.T + bl + x @ Wr.T


def reference(x, edge_index, W1l, b1l, W1r, W2l, b2l, W2r):
    src = edge_index[0]
    dst = edge_index[1]
    h = jax.nn.relu(_sage_conv(x, src, dst, W1l, b1l, W1r))
    # F.dropout(p=0.5, training=self.training): identity in eval mode
    out = _sage_conv(h, src, dst, W2l, b2l, W2r)
    return jax.nn.log_softmax(out, axis=1)

if __name__ == "__main__":
    import jax
    _d = setup_inputs()
    print(jax.jit(kernel)(*tuple(_d.values())))

</pallas_src>

<mosaic_0001>
#map = affine_map<(d0, d1) -> (0, 0)>
#map1 = affine_map<(d0, d1) -> (0)>
#map2 = affine_map<(d0, d1) -> (0, 0, 0)>
module attributes {stable_mosaic.version = 14 : i64} {
  func.func @_feat_body(%arg0: i32, %arg1: i32, %arg2: memref<10000x128xf32, #tpu.memory_space<hbm>>, %arg3: memref<323584xi32, #tpu.memory_space<hbm>>, %arg4: memref<323584xi32, #tpu.memory_space<hbm>>, %arg5: memref<128x128xf32, #tpu.memory_space<hbm>>, %arg6: memref<2x10112x128xf32, #tpu.memory_space<hbm>>, %arg7: memref<10112x128xf32, #tpu.memory_space<vmem_shared>>, %arg8: memref<128xi32, #tpu.memory_space<vmem>>, %arg9: memref<128xi32, #tpu.memory_space<vmem>>, %arg10: memref<128x128xf32, #tpu.memory_space<vmem>>, %arg11: memref<!tpu.dma_semaphore, #tpu.memory_space<semaphore_mem>>, %arg12: memref<128xi32, #tpu.memory_space<vmem>>, %arg13: memref<128xi32, #tpu.memory_space<vmem>>, %arg14: memref<128x128xf32, #tpu.memory_space<vmem>>, %arg15: memref<!tpu.dma_semaphore, #tpu.memory_space<semaphore_mem>>) attributes {dimension_semantics = [#tpu.dimension_semantics<core_parallel>, #tpu.dimension_semantics<subcore_parallel>], iteration_bounds = array<i64: 2, 16>, scalar_prefetch = 0 : i64, scratch_operands = 9 : i64, tpu.core_type = #tpu.core_type<sc_vector_subcore>, window_params = [{transform_indices = #map}, {transform_indices = #map1}, {transform_indices = #map1}, {transform_indices = #map}, {transform_indices = #map2}]} {
    %mul3A = arith.constant 632 : i32
    %mul3A_0 = arith.muli %arg1, %mul3A : i32
    %eq3A = arith.constant 0 : i32
    %eq3A_1 = arith.cmpi eq, %arg0, %eq3A : i32
    %mul3A_2 = arith.constant 124 : i32
    %mul3A_3 = arith.muli %arg1, %mul3A_2 : i32
    %mul3A_4 = arith.constant 34 : i32
    %mul3A_5 = arith.muli %arg1, %mul3A_4 : i32
    %add3A = arith.constant 1984 : i32
    %add3A_6 = arith.addi %add3A, %mul3A_5 : i32
    %select_n3A = arith.select %eq3A_1, %mul3A_3, %add3A_6 : i32
    %eq3A_7 = arith.constant 0 : i32
    %eq3A_8 = arith.cmpi eq, %arg0, %eq3A_7 : i32
    %jit3A = arith.constant 62 : i32
    %jit3A_9 = arith.constant 17 : i32
    %select_n3A_10 = arith.select %eq3A_8, %jit3A, %jit3A_9 : i32
    "tpu.region"() ({
      %run_scoped3A = tpu.sem_alloc : memref<!tpu.dma_semaphore, #tpu.memory_space<semaphore_mem>>
      tpu.enqueue_dma source(%arg5 : memref<128x128xf32, #tpu.memory_space<hbm>>) target(%arg10 : memref<128x128xf32, #tpu.memory_space<vmem>>) target_semaphore(%run_scoped3A : memref<!tpu.dma_semaphore, #tpu.memory_space<semaphore_mem>>)
      tpu.wait_dma2 semaphore(%run_scoped3A : memref<!tpu.dma_semaphore, #tpu.memory_space<semaphore_mem>>) src(%arg5 : memref<128x128xf32, #tpu.memory_space<hbm>>) dst(%arg10 : memref<128x128xf32, #tpu.memory_space<vmem>>)
      tpu.yield
    }) : () -> ()
    "tpu.region"() ({
      %run_scoped3A = tpu.sem_alloc : memref<!tpu.dma_semaphore, #tpu.memory_space<semaphore_mem>>
      %dma_start3A_54 = arith.constant 0 : i32
      %dma_start3A_55 = arith.constant 0 : i32
      %dma_start3A_56 = tpu.memref_slice %arg10[%dma_start3A_54, %dma_start3A_55] : memref<128x128xf32, #tpu.memory_space<vmem>> -> memref<128x128xf32, #tpu.memory_space<vmem>>
      %dma_start3A_57 = arith.constant 0 : i32
      %dma_start3A_58 = tpu.memref_slice %arg7[%mul3A_0, %dma_start3A_57] : memref<10112x128xf32, #tpu.memory_space<vmem_shared>> -> memref<128x128xf32, #tpu.memory_space<vmem_shared>>
      %dma_start3A_59 = arith.constant 0 : i32
      %dma_start3A_60 = tpu.memref_slice %arg7[%mul3A_0, %dma_start3A_59] : memref<10112x128xf32, #tpu.memory_space<vmem_shared>> -> memref<128x128xf32, #tpu.memory_space<vmem_shared>>
      %dma_start3A_61 = arith.constant 0 : i32
      %dma_start3A_62 = arith.constant 0 : i32
      %dma_start3A_63 = tpu.memref_slice %arg10[%dma_start3A_61, %dma_start3A_62] : memref<128x128xf32, #tpu.memory_space<vmem>> -> memref<128x128xf32, #tpu.memory_space<vmem>>
      tpu.enqueue_dma source(%dma_start3A_63 : memref<128x128xf32, #tpu.memory_space<vmem>>) target(%dma_start3A_60 : memref<128x128xf32, #tpu.memory_space<vmem_shared>>) target_semaphore(%run_scoped3A : memref<!tpu.dma_semaphore, #tpu.memory_space<semaphore_mem>>)
      %dma_wait3A = arith.constant 0 : i32
      %dma_wait3A_64 = arith.constant 0 : i32
      %dma_wait3A_65 = tpu.memref_slice %arg10[%dma_wait3A, %dma_wait3A_64] : memref<128x128xf32, #tpu.memory_space<vmem>> -> memref<128x128xf32, #tpu.memory_space<vmem>>
      %dma_wait3A_66 = arith.constant 0 : i32
      %dma_wait3A_67 = tpu.memref_slice %arg7[%mul3A_0, %dma_wait3A_66] : memref<10112x128xf32, #tpu.memory_space<vmem_shared>> -> memref<128x128xf32, #tpu.memory_space<vmem_shared>>
      %dma_wait3A_68 = arith.constant 0 : i32
      %dma_wait3A_69 = tpu.memref_slice %arg7[%mul3A_0, %dma_wait3A_68] : memref<10112x128xf32, #tpu.memory_space<vmem_shared>> -> memref<128x128xf32, #tpu.memory_space<vmem_shared>>
      %dma_wait3A_70 = arith.constant 0 : i32
      %dma_wait3A_71 = arith.constant 0 : i32
      %dma_wait3A_72 = tpu.memref_slice %arg10[%dma_wait3A_70, %dma_wait3A_71] : memref<128x128xf32, #tpu.memory_space<vmem>> -> memref<128x128xf32, #tpu.memory_space<vmem>>
      tpu.wait_dma2 semaphore(%run_scoped3A : memref<!tpu.dma_semaphore, #tpu.memory_space<semaphore_mem>>) src(%dma_wait3A_72 : memref<128x128xf32, #tpu.memory_space<vmem>>) dst(%dma_wait3A_69 : memref<128x128xf32, #tpu.memory_space<vmem_shared>>)
      tpu.yield
    }) : () -> ()
    %add3A_11 = arith.constant 128 : i32
    %add3A_12 = arith.addi %mul3A_0, %add3A_11 : i32
    "tpu.region"() ({
      %run_scoped3A = tpu.sem_alloc : memref<!tpu.dma_semaphore, #tpu.memory_space<semaphore_mem>>
      %dma_start3A_54 = arith.constant 0 : i32
      %dma_start3A_55 = arith.constant 0 : i32
      %dma_start3A_56 = tpu.memref_slice %arg10[%dma_start3A_54, %dma_start3A_55] : memref<128x128xf32, #tpu.memory_space<vmem>> -> memref<128x128xf32, #tpu.memory_space<vmem>>
      %dma_start3A_57 = arith.constant 0 : i32
      %dma_start3A_58 = tpu.memref_slice %arg7[%add3A_12, %dma_start3A_57] : memref<10112x128xf32, #tpu.memory_space<vmem_shared>> -> memref<128x128xf32, #tpu.memory_space<vmem_shared>>
      %dma_start3A_59 = arith.constant 0 : i32
      %dma_start3A_60 = tpu.memref_slice %arg7[%add3A_12, %dma_start3A_59] : memref<10112x128xf32, #tpu.memory_space<vmem_shared>> -> memref<128x128xf32, #tpu.memory_space<vmem_shared>>
      %dma_start3A_61 = arith.constant 0 : i32
      %dma_start3A_62 = arith.constant 0 : i32
      %dma_start3A_63 = tpu.memref_slice %arg10[%dma_start3A_61, %dma_start3A_62] : memref<128x128xf32, #tpu.memory_space<vmem>> -> memref<128x128xf32, #tpu.memory_space<vmem>>
      tpu.enqueue_dma source(%dma_start3A_63 : memref<128x128xf32, #tpu.memory_space<vmem>>) target(%dma_start3A_60 : memref<128x128xf32, #tpu.memory_space<vmem_shared>>) target_semaphore(%run_scoped3A : memref<!tpu.dma_semaphore, #tpu.memory_space<semaphore_mem>>)
      %dma_wait3A = arith.constant 0 : i32
      %dma_wait3A_64 = arith.constant 0 : i32
      %dma_wait3A_65 = tpu.memref_slice %arg10[%dma_wait3A, %dma_wait3A_64] : memref<128x128xf32, #tpu.memory_space<vmem>> -> memref<128x128xf32, #tpu.memory_space<vmem>>
      %dma_wait3A_66 = arith.constant 0 : i32
      %dma_wait3A_67 = tpu.memref_slice %arg7[%add3A_12, %dma_wait3A_66] : memref<10112x128xf32, #tpu.memory_space<vmem_shared>> -> memref<128x128xf32, #tpu.memory_space<vmem_shared>>
      %dma_wait3A_68 = arith.constant 0 : i32
      %dma_wait3A_69 = tpu.memref_slice %arg7[%add3A_12, %dma_wait3A_68] : memref<10112x128xf32, #tpu.memory_space<vmem_shared>> -> memref<128x128xf32, #tpu.memory_space<vmem_shared>>
      %dma_wait3A_70 = arith.constant 0 : i32
      %dma_wait3A_71 = arith.constant 0 : i32
      %dma_wait3A_72 = tpu.memref_slice %arg10[%dma_wait3A_70, %dma_wait3A_71] : memref<128x128xf32, #tpu.memory_space<vmem>> -> memref<128x128xf32, #tpu.memory_space<vmem>>
      tpu.wait_dma2 semaphore(%run_scoped3A : memref<!tpu.dma_semaphore, #tpu.memory_space<semaphore_mem>>) src(%dma_wait3A_72 : memref<128x128xf32, #tpu.memory_space<vmem>>) dst(%dma_wait3A_69 : memref<128x128xf32, #tpu.memory_space<vmem_shared>>)
      tpu.yield
    }) : () -> ()
    %add3A_13 = arith.constant 128 : i32
    %add3A_14 = arith.addi %add3A_12, %add3A_13 : i32
    "tpu.region"() ({
      %run_scoped3A = tpu.sem_alloc : memref<!tpu.dma_semaphore, #tpu.memory_space<semaphore_mem>>
      %dma_start3A_54 = arith.constant 0 : i32
      %dma_start3A_55 = arith.constant 0 : i32
      %dma_start3A_56 = tpu.memref_slice %arg10[%dma_start3A_54, %dma_start3A_55] : memref<128x128xf32, #tpu.memory_space<vmem>> -> memref<128x128xf32, #tpu.memory_space<vmem>>
      %dma_start3A_57 = arith.constant 0 : i32
      %dma_start3A_58 = tpu.memref_slice %arg7[%add3A_14, %dma_start3A_57] : memref<10112x128xf32, #tpu.memory_space<vmem_shared>> -> memref<128x128xf32, #tpu.memory_space<vmem_shared>>
      %dma_start3A_59 = arith.constant 0 : i32
      %dma_start3A_60 = tpu.memref_slice %arg7[%add3A_14, %dma_start3A_59] : memref<10112x128xf32, #tpu.memory_space<vmem_shared>> -> memref<128x128xf32, #tpu.memory_space<vmem_shared>>
      %dma_start3A_61 = arith.constant 0 : i32
      %dma_start3A_62 = arith.constant 0 : i32
      %dma_start3A_63 = tpu.memref_slice %arg10[%dma_start3A_61, %dma_start3A_62] : memref<128x128xf32, #tpu.memory_space<vmem>> -> memref<128x128xf32, #tpu.memory_space<vmem>>
      tpu.enqueue_dma source(%dma_start3A_63 : memref<128x128xf32, #tpu.memory_space<vmem>>) target(%dma_start3A_60 : memref<128x128xf32, #tpu.memory_space<vmem_shared>>) target_semaphore(%run_scoped3A : memref<!tpu.dma_semaphore, #tpu.memory_space<semaphore_mem>>)
      %dma_wait3A = arith.constant 0 : i32
      %dma_wait3A_64 = arith.constant 0 : i32
      %dma_wait3A_65 = tpu.memref_slice %arg10[%dma_wait3A, %dma_wait3A_64] : memref<128x128xf32, #tpu.memory_space<vmem>> -> memref<128x128xf32, #tpu.memory_space<vmem>>
      %dma_wait3A_66 = arith.constant 0 : i32
      %dma_wait3A_67 = tpu.memref_slice %arg7[%add3A_14, %dma_wait3A_66] : memref<10112x128xf32, #tpu.memory_space<vmem_shared>> -> memref<128x128xf32, #tpu.memory_space<vmem_shared>>
      %dma_wait3A_68 = arith.constant 0 : i32
      %dma_wait3A_69 = tpu.memref_slice %arg7[%add3A_14, %dma_wait3A_68] : memref<10112x128xf32, #tpu.memory_space<vmem_shared>> -> memref<128x128xf32, #tpu.memory_space<vmem_shared>>
      %dma_wait3A_70 = arith.constant 0 : i32
      %dma_wait3A_71 = arith.constant 0 : i32
      %dma_wait3A_72 = tpu.memref_slice %arg10[%dma_wait3A_70, %dma_wait3A_71] : memref<128x128xf32, #tpu.memory_space<vmem>> -> memref<128x128xf32, #tpu.memory_space<vmem>>
      tpu.wait_dma2 semaphore(%run_scoped3A : memref<!tpu.dma_semaphore, #tpu.memory_space<semaphore_mem>>) src(%dma_wait3A_72 : memref<128x128xf32, #tpu.memory_space<vmem>>) dst(%dma_wait3A_69 : memref<128x128xf32, #tpu.memory_space<vmem_shared>>)
      tpu.yield
    }) : () -> ()
    %add3A_15 = arith.constant 128 : i32
    %add3A_16 = arith.addi %add3A_14, %add3A_15 : i32
    "tpu.region"() ({
      %run_scoped3A = tpu.sem_alloc : memref<!tpu.dma_semaphore, #tpu.memory_space<semaphore_mem>>
      %dma_start3A_54 = arith.constant 0 : i32
      %dma_start3A_55 = arith.constant 0 : i32
      %dma_start3A_56 = tpu.memref_slice %arg10[%dma_start3A_54, %dma_start3A_55] : memref<128x128xf32, #tpu.memory_space<vmem>> -> memref<128x128xf32, #tpu.memory_space<vmem>>
      %dma_start3A_57 = arith.constant 0 : i32
      %dma_start3A_58 = tpu.memref_slice %arg7[%add3A_16, %dma_start3A_57] : memref<10112x128xf32, #tpu.memory_space<vmem_shared>> -> memref<128x128xf32, #tpu.memory_space<vmem_shared>>
      %dma_start3A_59 = arith.constant 0 : i32
      %dma_start3A_60 = tpu.memref_slice %arg7[%add3A_16, %dma_start3A_59] : memref<10112x128xf32, #tpu.memory_space<vmem_shared>> -> memref<128x128xf32, #tpu.memory_space<vmem_shared>>
      %dma_start3A_61 = arith.constant 0 : i32
      %dma_start3A_62 = arith.constant 0 : i32
      %dma_start3A_63 = tpu.memref_slice %arg10[%dma_start3A_61, %dma_start3A_62] : memref<128x128xf32, #tpu.memory_space<vmem>> -> memref<128x128xf32, #tpu.memory_space<vmem>>
      tpu.enqueue_dma source(%dma_start3A_63 : memref<128x128xf32, #tpu.memory_space<vmem>>) target(%dma_start3A_60 : memref<128x128xf32, #tpu.memory_space<vmem_shared>>) target_semaphore(%run_scoped3A : memref<!tpu.dma_semaphore, #tpu.memory_space<semaphore_mem>>)
      %dma_wait3A = arith.constant 0 : i32
      %dma_wait3A_64 = arith.constant 0 : i32
      %dma_wait3A_65 = tpu.memref_slice %arg10[%dma_wait3A, %dma_wait3A_64] : memref<128x128xf32, #tpu.memory_space<vmem>> -> memref<128x128xf32, #tpu.memory_space<vmem>>
      %dma_wait3A_66 = arith.constant 0 : i32
      %dma_wait3A_67 = tpu.memref_slice %arg7[%add3A_16, %dma_wait3A_66] : memref<10112x128xf32, #tpu.memory_space<vmem_shared>> -> memref<128x128xf32, #tpu.memory_space<vmem_shared>>
      %dma_wait3A_68 = arith.constant 0 : i32
      %dma_wait3A_69 = tpu.memref_slice %arg7[%add3A_16, %dma_wait3A_68] : memref<10112x128xf32, #tpu.memory_space<vmem_shared>> -> memref<128x128xf32, #tpu.memory_space<vmem_shared>>
      %dma_wait3A_70 = arith.constant 0 : i32
      %dma_wait3A_71 = arith.constant 0 : i32
      %dma_wait3A_72 = tpu.memref_slice %arg10[%dma_wait3A_70, %dma_wait3A_71] : memref<128x128xf32, #tpu.memory_space<vmem>> -> memref<128x128xf32, #tpu.memory_space<vmem>>
      tpu.wait_dma2 semaphore(%run_scoped3A : memref<!tpu.dma_semaphore, #tpu.memory_space<semaphore_mem>>) src(%dma_wait3A_72 : memref<128x128xf32, #tpu.memory_space<vmem>>) dst(%dma_wait3A_69 : memref<128x128xf32, #tpu.memory_space<vmem_shared>>)
      tpu.yield
    }) : () -> ()
    %add3A_17 = arith.constant 128 : i32
    %add3A_18 = arith.addi %add3A_16, %add3A_17 : i32
    "tpu.region"() ({
      %run_scoped3A = tpu.sem_alloc : memref<!tpu.dma_semaphore, #tpu.memory_space<semaphore_mem>>
      %dma_start3A_54 = arith.constant 0 : i32
      %dma_start3A_55 = arith.constant 0 : i32
      %dma_start3A_56 = tpu.memref_slice %arg10[%dma_start3A_54, %dma_start3A_55] : memref<128x128xf32, #tpu.memory_space<vmem>> -> memref<120x128xf32, #tpu.memory_space<vmem>>
      %dma_start3A_57 = arith.constant 0 : i32
      %dma_start3A_58 = tpu.memref_slice %arg7[%add3A_18, %dma_start3A_57] : memref<10112x128xf32, #tpu.memory_space<vmem_shared>> -> memref<120x128xf32, #tpu.memory_space<vmem_shared>>
      %dma_start3A_59 = arith.constant 0 : i32
      %dma_start3A_60 = tpu.memref_slice %arg7[%add3A_18, %dma_start3A_59] : memref<10112x128xf32, #tpu.memory_space<vmem_shared>> -> memref<120x128xf32, #tpu.memory_space<vmem_shared>>
      %dma_start3A_61 = arith.constant 0 : i32
      %dma_start3A_62 = arith.constant 0 : i32
      %dma_start3A_63 = tpu.memref_slice %arg10[%dma_start3A_61, %dma_start3A_62] : memref<128x128xf32, #tpu.memory_space<vmem>> -> memref<120x128xf32, #tpu.memory_space<vmem>>
      tpu.enqueue_dma source(%dma_start3A_63 : memref<120x128xf32, #tpu.memory_space<vmem>>) target(%dma_start3A_60 : memref<120x128xf32, #tpu.memory_space<vmem_shared>>) target_semaphore(%run_scoped3A : memref<!tpu.dma_semaphore, #tpu.memory_space<semaphore_mem>>)
      %dma_wait3A = arith.constant 0 : i32
      %dma_wait3A_64 = arith.constant 0 : i32
      %dma_wait3A_65 = tpu.memref_slice %arg10[%dma_wait3A, %dma_wait3A_64] : memref<128x128xf32, #tpu.memory_space<vmem>> -> memref<120x128xf32, #tpu.memory_space<vmem>>
      %dma_wait3A_66 = arith.constant 0 : i32
      %dma_wait3A_67 = tpu.memref_slice %arg7[%add3A_18, %dma_wait3A_66] : memref<10112x128xf32, #tpu.memory_space<vmem_shared>> -> memref<120x128xf32, #tpu.memory_space<vmem_shared>>
      %dma_wait3A_68 = arith.constant 0 : i32
      %dma_wait3A_69 = tpu.memref_slice %arg7[%add3A_18, %dma_wait3A_68] : memref<10112x128xf32, #tpu.memory_space<vmem_shared>> -> memref<120x128xf32, #tpu.memory_space<vmem_shared>>
      %dma_wait3A_70 = arith.constant 0 : i32
      %dma_wait3A_71 = arith.constant 0 : i32
      %dma_wait3A_72 = tpu.memref_slice %arg10[%dma_wait3A_70, %dma_wait3A_71] : memref<128x128xf32, #tpu.memory_space<vmem>> -> memref<120x128xf32, #tpu.memory_space<vmem>>
      tpu.wait_dma2 semaphore(%run_scoped3A : memref<!tpu.dma_semaphore, #tpu.memory_space<semaphore_mem>>) src(%dma_wait3A_72 : memref<120x128xf32, #tpu.memory_space<vmem>>) dst(%dma_wait3A_69 : memref<120x128xf32, #tpu.memory_space<vmem_shared>>)
      tpu.yield
    }) : () -> ()
    %add3A_19 = arith.constant 120 : i32
    %add3A_20 = arith.addi %add3A_18, %add3A_19 : i32
    %barrier3A = arith.constant 0 : index
    tpu.barrier barrier_id(%barrier3A)
    %add3A_21 = arith.constant 0 : i32
    %add3A_22 = arith.addi %select_n3A, %add3A_21 : i32
    %mul3A_23 = arith.constant 128 : i32
    %mul3A_24 = arith.muli %add3A_22, %mul3A_23 : i32
    "tpu.region"() ({
      %run_scoped3A = tpu.sem_alloc : memref<!tpu.dma_semaphore, #tpu.memory_space<semaphore_mem>>
      %dma_start3A_54 = tpu.memref_slice %arg3[%mul3A_24] : memref<323584xi32, #tpu.memory_space<hbm>> -> memref<128xi32, #tpu.memory_space<hbm>>
      %dma_start3A_55 = tpu.memref_slice %arg3[%mul3A_24] : memref<323584xi32, #tpu.memory_space<hbm>> -> memref<128xi32, #tpu.memory_space<hbm>>
      tpu.enqueue_dma source(%dma_start3A_55 : memref<128xi32, #tpu.memory_space<hbm>>) target(%arg8 : memref<128xi32, #tpu.memory_space<vmem>>) target_semaphore(%run_scoped3A : memref<!tpu.dma_semaphore, #tpu.memory_space<semaphore_mem>>)
      %dma_wait3A = tpu.memref_slice %arg3[%mul3A_24] : memref<323584xi32, #tpu.memory_space<hbm>> -> memref<128xi32, #tpu.memory_space<hbm>>
      %dma_wait3A_56 = tpu.memref_slice %arg3[%mul3A_24] : memref<323584xi32, #tpu.memory_space<hbm>> -> memref<128xi32, #tpu.memory_space<hbm>>
      tpu.wait_dma2 semaphore(%run_scoped3A : memref<!tpu.dma_semaphore, #tpu.memory_space<semaphore_mem>>) src(%dma_wait3A_56 : memref<128xi32, #tpu.memory_space<hbm>>) dst(%arg8 : memref<128xi32, #tpu.memory_space<vmem>>)
      tpu.yield
    }) : () -> ()
    "tpu.region"() ({
      %run_scoped3A = tpu.sem_alloc : memref<!tpu.dma_semaphore, #tpu.memory_space<semaphore_mem>>
      %dma_start3A_54 = tpu.memref_slice %arg4[%mul3A_24] : memref<323584xi32, #tpu.memory_space<hbm>> -> memref<128xi32, #tpu.memory_space<hbm>>
      %dma_start3A_55 = tpu.memref_slice %arg4[%mul3A_24] : memref<323584xi32, #tpu.memory_space<hbm>> -> memref<128xi32, #tpu.memory_space<hbm>>
      tpu.enqueue_dma source(%dma_start3A_55 : memref<128xi32, #tpu.memory_space<hbm>>) target(%arg9 : memref<128xi32, #tpu.memory_space<vmem>>) target_semaphore(%run_scoped3A : memref<!tpu.dma_semaphore, #tpu.memory_space<semaphore_mem>>)
      %dma_wait3A = tpu.memref_slice %arg4[%mul3A_24] : memref<323584xi32, #tpu.memory_space<hbm>> -> memref<128xi32, #tpu.memory_space<hbm>>
      %dma_wait3A_56 = tpu.memref_slice %arg4[%mul3A_24] : memref<323584xi32, #tpu.memory_space<hbm>> -> memref<128xi32, #tpu.memory_space<hbm>>
      tpu.wait_dma2 semaphore(%run_scoped3A : memref<!tpu.dma_semaphore, #tpu.memory_space<semaphore_mem>>) src(%dma_wait3A_56 : memref<128xi32, #tpu.memory_space<hbm>>) dst(%arg9 : memref<128xi32, #tpu.memory_space<vmem>>)
      tpu.yield
    }) : () -> ()
    %dma_start3A = arith.constant 0 : i32
    %dma_start3A_25 = arith.constant 0 : i32
    %dma_start3A_26 = tpu.memref_slice %arg2[%dma_start3A, %dma_start3A_25] : memref<10000x128xf32, #tpu.memory_space<hbm>> -> memref<10000x128xf32, #tpu.memory_space<hbm>>
    tpu.enqueue_indirect_dma source(%dma_start3A_26 : memref<10000x128xf32, #tpu.memory_space<hbm>>) target(%arg10 : memref<128x128xf32, #tpu.memory_space<vmem>>) offsets(%arg8 : memref<128xi32, #tpu.memory_space<vmem>>) semaphore(%arg11 : memref<!tpu.dma_semaphore, #tpu.memory_space<semaphore_mem>>)
    %add3A_27 = arith.constant 1 : i32
    %add3A_28 = arith.addi %select_n3A, %add3A_27 : i32
    %mul3A_29 = arith.constant 128 : i32
    %mul3A_30 = arith.muli %add3A_28, %mul3A_29 : i32
    "tpu.region"() ({
      %run_scoped3A = tpu.sem_alloc : memref<!tpu.dma_semaphore, #tpu.memory_space<semaphore_mem>>
      %dma_start3A_54 = tpu.memref_slice %arg3[%mul3A_30] : memref<323584xi32, #tpu.memory_space<hbm>> -> memref<128xi32, #tpu.memory_space<hbm>>
      %dma_start3A_55 = tpu.memref_slice %arg3[%mul3A_30] : memref<323584xi32, #tpu.memory_space<hbm>> -> memref<128xi32, #tpu.memory_space<hbm>>
      tpu.enqueue_dma source(%dma_start3A_55 : memref<128xi32, #tpu.memory_space<hbm>>) target(%arg12 : memref<128xi32, #tpu.memory_space<vmem>>) target_semaphore(%run_scoped3A : memref<!tpu.dma_semaphore, #tpu.memory_space<semaphore_mem>>)
      %dma_wait3A = tpu.memref_slice %arg3[%mul3A_30] : memref<323584xi32, #tpu.memory_space<hbm>> -> memref<128xi32, #tpu.memory_space<hbm>>
      %dma_wait3A_56 = tpu.memref_slice %arg3[%mul3A_30] : memref<323584xi32, #tpu.memory_space<hbm>> -> memref<128xi32, #tpu.memory_space<hbm>>
      tpu.wait_dma2 semaphore(%run_scoped3A : memref<!tpu.dma_semaphore, #tpu.memory_space<semaphore_mem>>) src(%dma_wait3A_56 : memref<128xi32, #tpu.memory_space<hbm>>) dst(%arg12 : memref<128xi32, #tpu.memory_space<vmem>>)
      tpu.yield
    }) : () -> ()
    "tpu.region"() ({
      %run_scoped3A = tpu.sem_alloc : memref<!tpu.dma_semaphore, #tpu.memory_space<semaphore_mem>>
      %dma_start3A_54 = tpu.memref_slice %arg4[%mul3A_30] : memref<323584xi32, #tpu.memory_space<hbm>> -> memref<128xi32, #tpu.memory_space<hbm>>
      %dma_start3A_55 = tpu.memref_slice %arg4[%mul3A_30] : memref<323584xi32, #tpu.memory_space<hbm>> -> memref<128xi32, #tpu.memory_space<hbm>>
      tpu.enqueue_dma source(%dma_start3A_55 : memref<128xi32, #tpu.memory_space<hbm>>) target(%arg13 : memref<128xi32, #tpu.memory_space<vmem>>) target_semaphore(%run_scoped3A : memref<!tpu.dma_semaphore, #tpu.memory_space<semaphore_mem>>)
      %dma_wait3A = tpu.memref_slice %arg4[%mul3A_30] : memref<323584xi32, #tpu.memory_space<hbm>> -> memref<128xi32, #tpu.memory_space<hbm>>
      %dma_wait3A_56 = tpu.memref_slice %arg4[%mul3A_30] : memref<323584xi32, #tpu.memory_space<hbm>> -> memref<128xi32, #tpu.memory_space<hbm>>
      tpu.wait_dma2 semaphore(%run_scoped3A : memref<!tpu.dma_semaphore, #tpu.memory_space<semaphore_mem>>) src(%dma_wait3A_56 : memref<128xi32, #tpu.memory_space<hbm>>) dst(%arg13 : memref<128xi32, #tpu.memory_space<vmem>>)
      tpu.yield
    }) : () -> ()
    %dma_start3A_31 = arith.constant 0 : i32
    %dma_start3A_32 = arith.constant 0 : i32
    %dma_start3A_33 = tpu.memref_slice %arg2[%dma_start3A_31, %dma_start3A_32] : memref<10000x128xf32, #tpu.memory_space<hbm>> -> memref<10000x128xf32, #tpu.memory_space<hbm>>
    tpu.enqueue_indirect_dma source(%dma_start3A_33 : memref<10000x128xf32, #tpu.memory_space<hbm>>) target(%arg14 : memref<128x128xf32, #tpu.memory_space<vmem>>) offsets(%arg12 : memref<128xi32, #tpu.memory_space<vmem>>) semaphore(%arg15 : memref<!tpu.dma_semaphore, #tpu.memory_space<semaphore_mem>>)
    %while3A = arith.constant 0 : i32
    %while3A_34 = arith.constant 0 : i32
    %while3A_35 = arith.subi %select_n3A_10, %while3A_34 : i32
    %while3A_36 = arith.addi %while3A_34, %while3A_35 : i32
    %while3A_37 = arith.constant 1 : i32
    %while3A_38 = arith.divsi %while3A_35, %while3A_37 : i32
    %while3A_39 = arith.muli %while3A_38, %while3A_37 : i32
    %while3A_40 = arith.addi %while3A_34, %while3A_39 : i32
    %while3A_41 = arith.constant 1 : i32
    scf.for %while3A_54 = %while3A_34 to %while3A_40 step %while3A_41  : i32 {
      %dma_wait3A = arith.constant 0 : i32
      %dma_wait3A_55 = arith.constant 0 : i32
      %dma_wait3A_56 = tpu.memref_slice %arg2[%dma_wait3A, %dma_wait3A_55] : memref<10000x128xf32, #tpu.memory_space<hbm>> -> memref<10000x128xf32, #tpu.memory_space<hbm>>
      tpu.wait_indirect_dma semaphore(%arg11 : memref<!tpu.dma_semaphore, #tpu.memory_space<semaphore_mem>>) src(%dma_wait3A_56 : memref<10000x128xf32, #tpu.memory_space<hbm>>) dst(%arg10 : memref<128x128xf32, #tpu.memory_space<vmem>>)
      "tpu.region"() ({
        %run_scoped3A = tpu.sem_alloc : memref<!tpu.dma_semaphore, #tpu.memory_space<semaphore_mem>>
        %dma_start3A_68 = arith.constant 0 : i32
        %dma_start3A_69 = arith.constant 0 : i32
        %dma_start3A_70 = tpu.memref_slice %arg7[%dma_start3A_68, %dma_start3A_69] : memref<10112x128xf32, #tpu.memory_space<vmem_shared>> -> memref<10112x128xf32, #tpu.memory_space<vmem_shared>>
        tpu.enqueue_indirect_dma source(%arg10 : memref<128x128xf32, #tpu.memory_space<vmem>>) target(%dma_start3A_70 : memref<10112x128xf32, #tpu.memory_space<vmem_shared>>) offsets(%arg9 : memref<128xi32, #tpu.memory_space<vmem>>) semaphore(%run_scoped3A : memref<!tpu.dma_semaphore, #tpu.memory_space<semaphore_mem>>) {add = true}
        %dma_wait3A_71 = arith.constant 0 : i32
        %dma_wait3A_72 = arith.constant 0 : i32
        %dma_wait3A_73 = tpu.memref_slice %arg7[%dma_wait3A_71, %dma_wait3A_72] : memref<10112x128xf32, #tpu.memory_space<vmem_shared>> -> memref<10112x128xf32, #tpu.memory_space<vmem_shared>>
        tpu.wait_indirect_dma semaphore(%run_scoped3A : memref<!tpu.dma_semaphore, #tpu.memory_space<semaphore_mem>>) src(%arg10 : memref<128x128xf32, #tpu.memory_space<vmem>>) dst(%dma_wait3A_73 : memref<10112x128xf32, #tpu.memory_space<vmem_shared>>)
        tpu.yield
      }) : () -> ()
      %sub3A = arith.constant 1 : i32
      %sub3A_57 = arith.subi %select_n3A_10, %sub3A : i32
      %lt3A = arith.cmpi slt, %while3A_54, %sub3A_57 : i32
      %convert_element_type3A = arith.extui %lt3A : i1 to i32
      %cond3A = arith.constant 0 : i32
      %cond3A_58 = arith.cmpi ne, %convert_element_type3A, %cond3A : i32
      scf.if %cond3A_58 {
        %mul3A_68 = arith.constant 2 : i32
        %mul3A_69 = arith.muli %mul3A_68, %while3A_54 : i32
        %add3A_70 = arith.constant 2 : i32
        %add3A_71 = arith.addi %mul3A_69, %add3A_70 : i32
        %add3A_72 = arith.addi %select_n3A, %add3A_71 : i32
        %mul3A_73 = arith.constant 128 : i32
        %mul3A_74 = arith.muli %add3A_72, %mul3A_73 : i32
        "tpu.region"() ({
          %run_scoped3A = tpu.sem_alloc : memref<!tpu.dma_semaphore, #tpu.memory_space<semaphore_mem>>
          %dma_start3A_78 = tpu.memref_slice %arg3[%mul3A_74] : memref<323584xi32, #tpu.memory_space<hbm>> -> memref<128xi32, #tpu.memory_space<hbm>>
          %dma_start3A_79 = tpu.memref_slice %arg3[%mul3A_74] : memref<323584xi32, #tpu.memory_space<hbm>> -> memref<128xi32, #tpu.memory_space<hbm>>
          tpu.enqueue_dma source(%dma_start3A_79 : memref<128xi32, #tpu.memory_space<hbm>>) target(%arg8 : memref<128xi32, #tpu.memory_space<vmem>>) target_semaphore(%run_scoped3A : memref<!tpu.dma_semaphore, #tpu.memory_space<semaphore_mem>>)
          %dma_wait3A_80 = tpu.memref_slice %arg3[%mul3A_74] : memref<323584xi32, #tpu.memory_space<hbm>> -> memref<128xi32, #tpu.memory_space<hbm>>
          %dma_wait3A_81 = tpu.memref_slice %arg3[%mul3A_74] : memref<323584xi32, #tpu.memory_space<hbm>> -> memref<128xi32, #tpu.memory_space<hbm>>
          tpu.wait_dma2 semaphore(%run_scoped3A : memref<!tpu.dma_semaphore, #tpu.memory_space<semaphore_mem>>) src(%dma_wait3A_81 : memref<128xi32, #tpu.memory_space<hbm>>) dst(%arg8 : memref<128xi32, #tpu.memory_space<vmem>>)
          tpu.yield
        }) : () -> ()
        "tpu.region"() ({
          %run_scoped3A = tpu.sem_alloc : memref<!tpu.dma_semaphore, #tpu.memory_space<semaphore_mem>>
          %dma_start3A_78 = tpu.memref_slice %arg4[%mul3A_74] : memref<323584xi32, #tpu.memory_space<hbm>> -> memref<128xi32, #tpu.memory_space<hbm>>
          %dma_start3A_79 = tpu.memref_slice %arg4[%mul3A_74] : memref<323584xi32, #tpu.memory_space<hbm>> -> memref<128xi32, #tpu.memory_space<hbm>>
          tpu.enqueue_dma source(%dma_start3A_79 : memref<128xi32, #tpu.memory_space<hbm>>) target(%arg9 : memref<128xi32, #tpu.memory_space<vmem>>) target_semaphore(%run_scoped3A : memref<!tpu.dma_semaphore, #tpu.memory_space<semaphore_mem>>)
          %dma_wait3A_80 = tpu.memref_slice %arg4[%mul3A_74] : memref<323584xi32, #tpu.memory_space<hbm>> -> memref<128xi32, #tpu.memory_space<hbm>>
          %dma_wait3A_81 = tpu.memref_slice %arg4[%mul3A_74] : memref<323584xi32, #tpu.memory_space<hbm>> -> memref<128xi32, #tpu.memory_space<hbm>>
          tpu.wait_dma2 semaphore(%run_scoped3A : memref<!tpu.dma_semaphore, #tpu.memory_space<semaphore_mem>>) src(%dma_wait3A_81 : memref<128xi32, #tpu.memory_space<hbm>>) dst(%arg9 : memref<128xi32, #tpu.memory_space<vmem>>)
          tpu.yield
        }) : () -> ()
        %dma_start3A_75 = arith.constant 0 : i32
        %dma_start3A_76 = arith.constant 0 : i32
        %dma_start3A_77 = tpu.memref_slice %arg2[%dma_start3A_75, %dma_start3A_76] : memref<10000x128xf32, #tpu.memory_space<hbm>> -> memref<10000x128xf32, #tpu.memory_space<hbm>>
        tpu.enqueue_indirect_dma source(%dma_start3A_77 : memref<10000x128xf32, #tpu.memory_space<hbm>>) target(%arg10 : memref<128x128xf32, #tpu.memory_space<vmem>>) offsets(%arg8 : memref<128xi32, #tpu.memory_space<vmem>>) semaphore(%arg11 : memref<!tpu.dma_semaphore, #tpu.memory_space<semaphore_mem>>)
      } else {
      }
      %dma_wait3A_59 = arith.constant 0 : i32
      %dma_wait3A_60 = arith.constant 0 : i32
      %dma_wait3A_61 = tpu.memref_slice %arg2[%dma_wait3A_59, %dma_wait3A_60] : memref<10000x128xf32, #tpu.memory_space<hbm>> -> memref<10000x128xf32, #tpu.memory_space<hbm>>
      tpu.wait_indirect_dma semaphore(%arg15 : memref<!tpu.dma_semaphore, #tpu.memory_space<semaphore_mem>>) src(%dma_wait3A_61 : memref<10000x128xf32, #tpu.memory_space<hbm>>) dst(%arg14 : memref<128x128xf32, #tpu.memory_space<vmem>>)
      "tpu.region"() ({
        %run_scoped3A = tpu.sem_alloc : memref<!tpu.dma_semaphore, #tpu.memory_space<semaphore_mem>>
        %dma_start3A_68 = arith.constant 0 : i32
        %dma_start3A_69 = arith.constant 0 : i32
        %dma_start3A_70 = tpu.memref_slice %arg7[%dma_start3A_68, %dma_start3A_69] : memref<10112x128xf32, #tpu.memory_space<vmem_shared>> -> memref<10112x128xf32, #tpu.memory_space<vmem_shared>>
        tpu.enqueue_indirect_dma source(%arg14 : memref<128x128xf32, #tpu.memory_space<vmem>>) target(%dma_start3A_70 : memref<10112x128xf32, #tpu.memory_space<vmem_shared>>) offsets(%arg13 : memref<128xi32, #tpu.memory_space<vmem>>) semaphore(%run_scoped3A : memref<!tpu.dma_semaphore, #tpu.memory_space<semaphore_mem>>) {add = true}
        %dma_wait3A_71 = arith.constant 0 : i32
        %dma_wait3A_72 = arith.constant 0 : i32
        %dma_wait3A_73 = tpu.memref_slice %arg7[%dma_wait3A_71, %dma_wait3A_72] : memref<10112x128xf32, #tpu.memory_space<vmem_shared>> -> memref<10112x128xf32, #tpu.memory_space<vmem_shared>>
        tpu.wait_indirect_dma semaphore(%run_scoped3A : memref<!tpu.dma_semaphore, #tpu.memory_space<semaphore_mem>>) src(%arg14 : memref<128x128xf32, #tpu.memory_space<vmem>>) dst(%dma_wait3A_73 : memref<10112x128xf32, #tpu.memory_space<vmem_shared>>)
        tpu.yield
      }) : () -> ()
      %sub3A_62 = arith.constant 1 : i32
      %sub3A_63 = arith.subi %select_n3A_10, %sub3A_62 : i32
      %lt3A_64 = arith.cmpi slt, %while3A_54, %sub3A_63 : i32
      %convert_element_type3A_65 = arith.extui %lt3A_64 : i1 to i32
      %cond3A_66 = arith.constant 0 : i32
      %cond3A_67 = arith.cmpi ne, %convert_element_type3A_65, %cond3A_66 : i32
      scf.if %cond3A_67 {
        %mul3A_68 = arith.constant 2 : i32
        %mul3A_69 = arith.muli %mul3A_68, %while3A_54 : i32
        %add3A_70 = arith.constant 3 : i32
        %add3A_71 = arith.addi %mul3A_69, %add3A_70 : i32
        %add3A_72 = arith.addi %select_n3A, %add3A_71 : i32
        %mul3A_73 = arith.constant 128 : i32
        %mul3A_74 = arith.muli %add3A_72, %mul3A_73 : i32
        "tpu.region"() ({
          %run_scoped3A = tpu.sem_alloc : memref<!tpu.dma_semaphore, #tpu.memory_space<semaphore_mem>>
          %dma_start3A_78 = tpu.memref_slice %arg3[%mul3A_74] : memref<323584xi32, #tpu.memory_space<hbm>> -> memref<128xi32, #tpu.memory_space<hbm>>
          %dma_start3A_79 = tpu.memref_slice %arg3[%mul3A_74] : memref<323584xi32, #tpu.memory_space<hbm>> -> memref<128xi32, #tpu.memory_space<hbm>>
          tpu.enqueue_dma source(%dma_start3A_79 : memref<128xi32, #tpu.memory_space<hbm>>) target(%arg12 : memref<128xi32, #tpu.memory_space<vmem>>) target_semaphore(%run_scoped3A : memref<!tpu.dma_semaphore, #tpu.memory_space<semaphore_mem>>)
          %dma_wait3A_80 = tpu.memref_slice %arg3[%mul3A_74] : memref<323584xi32, #tpu.memory_space<hbm>> -> memref<128xi32, #tpu.memory_space<hbm>>
          %dma_wait3A_81 = tpu.memref_slice %arg3[%mul3A_74] : memref<323584xi32, #tpu.memory_space<hbm>> -> memref<128xi32, #tpu.memory_space<hbm>>
          tpu.wait_dma2 semaphore(%run_scoped3A : memref<!tpu.dma_semaphore, #tpu.memory_space<semaphore_mem>>) src(%dma_wait3A_81 : memref<128xi32, #tpu.memory_space<hbm>>) dst(%arg12 : memref<128xi32, #tpu.memory_space<vmem>>)
          tpu.yield
        }) : () -> ()
        "tpu.region"() ({
          %run_scoped3A = tpu.sem_alloc : memref<!tpu.dma_semaphore, #tpu.memory_space<semaphore_mem>>
          %dma_start3A_78 = tpu.memref_slice %arg4[%mul3A_74] : memref<323584xi32, #tpu.memory_space<hbm>> -> memref<128xi32, #tpu.memory_space<hbm>>
          %dma_start3A_79 = tpu.memref_slice %arg4[%mul3A_74] : memref<323584xi32, #tpu.memory_space<hbm>> -> memref<128xi32, #tpu.memory_space<hbm>>
          tpu.enqueue_dma source(%dma_start3A_79 : memref<128xi32, #tpu.memory_space<hbm>>) target(%arg13 : memref<128xi32, #tpu.memory_space<vmem>>) target_semaphore(%run_scoped3A : memref<!tpu.dma_semaphore, #tpu.memory_space<semaphore_mem>>)
          %dma_wait3A_80 = tpu.memref_slice %arg4[%mul3A_74] : memref<323584xi32, #tpu.memory_space<hbm>> -> memref<128xi32, #tpu.memory_space<hbm>>
          %dma_wait3A_81 = tpu.memref_slice %arg4[%mul3A_74] : memref<323584xi32, #tpu.memory_space<hbm>> -> memref<128xi32, #tpu.memory_space<hbm>>
          tpu.wait_dma2 semaphore(%run_scoped3A : memref<!tpu.dma_semaphore, #tpu.memory_space<semaphore_mem>>) src(%dma_wait3A_81 : memref<128xi32, #tpu.memory_space<hbm>>) dst(%arg13 : memref<128xi32, #tpu.memory_space<vmem>>)
          tpu.yield
        }) : () -> ()
        %dma_start3A_75 = arith.constant 0 : i32
        %dma_start3A_76 = arith.constant 0 : i32
        %dma_start3A_77 = tpu.memref_slice %arg2[%dma_start3A_75, %dma_start3A_76] : memref<10000x128xf32, #tpu.memory_space<hbm>> -> memref<10000x128xf32, #tpu.memory_space<hbm>>
        tpu.enqueue_indirect_dma source(%dma_start3A_77 : memref<10000x128xf32, #tpu.memory_space<hbm>>) target(%arg14 : memref<128x128xf32, #tpu.memory_space<vmem>>) offsets(%arg12 : memref<128xi32, #tpu.memory_space<vmem>>) semaphore(%arg15 : memref<!tpu.dma_semaphore, #tpu.memory_space<semaphore_mem>>)
      } else {
      }
    }
    %while3A_42 = arith.constant 1 : i32
    scf.for %while3A_54 = %while3A_40 to %while3A_36 step %while3A_42  : i32 {
      %dma_wait3A = arith.constant 0 : i32
      %dma_wait3A_55 = arith.constant 0 : i32
      %dma_wait3A_56 = tpu.memref_slice %arg2[%dma_wait3A, %dma_wait3A_55] : memref<10000x128xf32, #tpu.memory_space<hbm>> -> memref<10000x128xf32, #tpu.memory_space<hbm>>
      tpu.wait_indirect_dma semaphore(%arg11 : memref<!tpu.dma_semaphore, #tpu.memory_space<semaphore_mem>>) src(%dma_wait3A_56 : memref<10000x128xf32, #tpu.memory_space<hbm>>) dst(%arg10 : memref<128x128xf32, #tpu.memory_space<vmem>>)
      "tpu.region"() ({
        %run_scoped3A = tpu.sem_alloc : memref<!tpu.dma_semaphore, #tpu.memory_space<semaphore_mem>>
        %dma_start3A_68 = arith.constant 0 : i32
        %dma_start3A_69 = arith.constant 0 : i32
        %dma_start3A_70 = tpu.memref_slice %arg7[%dma_start3A_68, %dma_start3A_69] : memref<10112x128xf32, #tpu.memory_space<vmem_shared>> -> memref<10112x128xf32, #tpu.memory_space<vmem_shared>>
        tpu.enqueue_indirect_dma source(%arg10 : memref<128x128xf32, #tpu.memory_space<vmem>>) target(%dma_start3A_70 : memref<10112x128xf32, #tpu.memory_space<vmem_shared>>) offsets(%arg9 : memref<128xi32, #tpu.memory_space<vmem>>) semaphore(%run_scoped3A : memref<!tpu.dma_semaphore, #tpu.memory_space<semaphore_mem>>) {add = true}
        %dma_wait3A_71 = arith.constant 0 : i32
        %dma_wait3A_72 = arith.constant 0 : i32
        %dma_wait3A_73 = tpu.memref_slice %arg7[%dma_wait3A_71, %dma_wait3A_72] : memref<10112x128xf32, #tpu.memory_space<vmem_shared>> -> memref<10112x128xf32, #tpu.memory_space<vmem_shared>>
        tpu.wait_indirect_dma semaphore(%run_scoped3A : memref<!tpu.dma_semaphore, #tpu.memory_space<semaphore_mem>>) src(%arg10 : memref<128x128xf32, #tpu.memory_space<vmem>>) dst(%dma_wait3A_73 : memref<10112x128xf32, #tpu.memory_space<vmem_shared>>)
        tpu.yield
      }) : () -> ()
      %sub3A = arith.constant 1 : i32
      %sub3A_57 = arith.subi %select_n3A_10, %sub3A : i32
      %lt3A = arith.cmpi slt, %while3A_54, %sub3A_57 : i32
      %convert_element_type3A = arith.extui %lt3A : i1 to i32
      %cond3A = arith.constant 0 : i32
      %cond3A_58 = arith.cmpi ne, %convert_element_type3A, %cond3A : i32
      scf.if %cond3A_58 {
        %mul3A_68 = arith.constant 2 : i32
        %mul3A_69 = arith.muli %mul3A_68, %while3A_54 : i32
        %add3A_70 = arith.constant 2 : i32
        %add3A_71 = arith.addi %mul3A_69, %add3A_70 : i32
        %add3A_72 = arith.addi %select_n3A, %add3A_71 : i32
        %mul3A_73 = arith.constant 128 : i32
        %mul3A_74 = arith.muli %add3A_72, %mul3A_73 : i32
        "tpu.region"() ({
          %run_scoped3A = tpu.sem_alloc : memref<!tpu.dma_semaphore, #tpu.memory_space<semaphore_mem>>
          %dma_start3A_78 = tpu.memref_slice %arg3[%mul3A_74] : memref<323584xi32, #tpu.memory_space<hbm>> -> memref<128xi32, #tpu.memory_space<hbm>>
          %dma_start3A_79 = tpu.memref_slice %arg3[%mul3A_74] : memref<323584xi32, #tpu.memory_space<hbm>> -> memref<128xi32, #tpu.memory_space<hbm>>
          tpu.enqueue_dma source(%dma_start3A_79 : memref<128xi32, #tpu.memory_space<hbm>>) target(%arg8 : memref<128xi32, #tpu.memory_space<vmem>>) target_semaphore(%run_scoped3A : memref<!tpu.dma_semaphore, #tpu.memory_space<semaphore_mem>>)
          %dma_wait3A_80 = tpu.memref_slice %arg3[%mul3A_74] : memref<323584xi32, #tpu.memory_space<hbm>> -> memref<128xi32, #tpu.memory_space<hbm>>
          %dma_wait3A_81 = tpu.memref_slice %arg3[%mul3A_74] : memref<323584xi32, #tpu.memory_space<hbm>> -> memref<128xi32, #tpu.memory_space<hbm>>
          tpu.wait_dma2 semaphore(%run_scoped3A : memref<!tpu.dma_semaphore, #tpu.memory_space<semaphore_mem>>) src(%dma_wait3A_81 : memref<128xi32, #tpu.memory_space<hbm>>) dst(%arg8 : memref<128xi32, #tpu.memory_space<vmem>>)
          tpu.yield
        }) : () -> ()
        "tpu.region"() ({
          %run_scoped3A = tpu.sem_alloc : memref<!tpu.dma_semaphore, #tpu.memory_space<semaphore_mem>>
          %dma_start3A_78 = tpu.memref_slice %arg4[%mul3A_74] : memref<323584xi32, #tpu.memory_space<hbm>> -> memref<128xi32, #tpu.memory_space<hbm>>
          %dma_start3A_79 = tpu.memref_slice %arg4[%mul3A_74] : memref<323584xi32, #tpu.memory_space<hbm>> -> memref<128xi32, #tpu.memory_space<hbm>>
          tpu.enqueue_dma source(%dma_start3A_79 : memref<128xi32, #tpu.memory_space<hbm>>) target(%arg9 : memref<128xi32, #tpu.memory_space<vmem>>) target_semaphore(%run_scoped3A : memref<!tpu.dma_semaphore, #tpu.memory_space<semaphore_mem>>)
          %dma_wait3A_80 = tpu.memref_slice %arg4[%mul3A_74] : memref<323584xi32, #tpu.memory_space<hbm>> -> memref<128xi32, #tpu.memory_space<hbm>>
          %dma_wait3A_81 = tpu.memref_slice %arg4[%mul3A_74] : memref<323584xi32, #tpu.memory_space<hbm>> -> memref<128xi32, #tpu.memory_space<hbm>>
          tpu.wait_dma2 semaphore(%run_scoped3A : memref<!tpu.dma_semaphore, #tpu.memory_space<semaphore_mem>>) src(%dma_wait3A_81 : memref<128xi32, #tpu.memory_space<hbm>>) dst(%arg9 : memref<128xi32, #tpu.memory_space<vmem>>)
          tpu.yield
        }) : () -> ()
        %dma_start3A_75 = arith.constant 0 : i32
        %dma_start3A_76 = arith.constant 0 : i32
        %dma_start3A_77 = tpu.memref_slice %arg2[%dma_start3A_75, %dma_start3A_76] : memref<10000x128xf32, #tpu.memory_space<hbm>> -> memref<10000x128xf32, #tpu.memory_space<hbm>>
        tpu.enqueue_indirect_dma source(%dma_start3A_77 : memref<10000x128xf32, #tpu.memory_space<hbm>>) target(%arg10 : memref<128x128xf32, #tpu.memory_space<vmem>>) offsets(%arg8 : memref<128xi32, #tpu.memory_space<vmem>>) semaphore(%arg11 : memref<!tpu.dma_semaphore, #tpu.memory_space<semaphore_mem>>)
      } else {
      }
      %dma_wait3A_59 = arith.constant 0 : i32
      %dma_wait3A_60 = arith.constant 0 : i32
      %dma_wait3A_61 = tpu.memref_slice %arg2[%dma_wait3A_59, %dma_wait3A_60] : memref<10000x128xf32, #tpu.memory_space<hbm>> -> memref<10000x128xf32, #tpu.memory_space<hbm>>
      tpu.wait_indirect_dma semaphore(%arg15 : memref<!tpu.dma_semaphore, #tpu.memory_space<semaphore_mem>>) src(%dma_wait3A_61 : memref<10000x128xf32, #tpu.memory_space<hbm>>) dst(%arg14 : memref<128x128xf32, #tpu.memory_space<vmem>>)
      "tpu.region"() ({
        %run_scoped3A = tpu.sem_alloc : memref<!tpu.dma_semaphore, #tpu.memory_space<semaphore_mem>>
        %dma_start3A_68 = arith.constant 0 : i32
        %dma_start3A_69 = arith.constant 0 : i32
        %dma_start3A_70 = tpu.memref_slice %arg7[%dma_start3A_68, %dma_start3A_69] : memref<10112x128xf32, #tpu.memory_space<vmem_shared>> -> memref<10112x128xf32, #tpu.memory_space<vmem_shared>>
        tpu.enqueue_indirect_dma source(%arg14 : memref<128x128xf32, #tpu.memory_space<vmem>>) target(%dma_start3A_70 : memref<10112x128xf32, #tpu.memory_space<vmem_shared>>) offsets(%arg13 : memref<128xi32, #tpu.memory_space<vmem>>) semaphore(%run_scoped3A : memref<!tpu.dma_semaphore, #tpu.memory_space<semaphore_mem>>) {add = true}
        %dma_wait3A_71 = arith.constant 0 : i32
        %dma_wait3A_72 = arith.constant 0 : i32
        %dma_wait3A_73 = tpu.memref_slice %arg7[%dma_wait3A_71, %dma_wait3A_72] : memref<10112x128xf32, #tpu.memory_space<vmem_shared>> -> memref<10112x128xf32, #tpu.memory_space<vmem_shared>>
        tpu.wait_indirect_dma semaphore(%run_scoped3A : memref<!tpu.dma_semaphore, #tpu.memory_space<semaphore_mem>>) src(%arg14 : memref<128x128xf32, #tpu.memory_space<vmem>>) dst(%dma_wait3A_73 : memref<10112x128xf32, #tpu.memory_space<vmem_shared>>)
        tpu.yield
      }) : () -> ()
      %sub3A_62 = arith.constant 1 : i32
      %sub3A_63 = arith.subi %select_n3A_10, %sub3A_62 : i32
      %lt3A_64 = arith.cmpi slt, %while3A_54, %sub3A_63 : i32
      %convert_element_type3A_65 = arith.extui %lt3A_64 : i1 to i32
      %cond3A_66 = arith.constant 0 : i32
      %cond3A_67 = arith.cmpi ne, %convert_element_type3A_65, %cond3A_66 : i32
      scf.if %cond3A_67 {
        %mul3A_68 = arith.constant 2 : i32
        %mul3A_69 = arith.muli %mul3A_68, %while3A_54 : i32
        %add3A_70 = arith.constant 3 : i32
        %add3A_71 = arith.addi %mul3A_69, %add3A_70 : i32
        %add3A_72 = arith.addi %select_n3A, %add3A_71 : i32
        %mul3A_73 = arith.constant 128 : i32
        %mul3A_74 = arith.muli %add3A_72, %mul3A_73 : i32
        "tpu.region"() ({
          %run_scoped3A = tpu.sem_alloc : memref<!tpu.dma_semaphore, #tpu.memory_space<semaphore_mem>>
          %dma_start3A_78 = tpu.memref_slice %arg3[%mul3A_74] : memref<323584xi32, #tpu.memory_space<hbm>> -> memref<128xi32, #tpu.memory_space<hbm>>
          %dma_start3A_79 = tpu.memref_slice %arg3[%mul3A_74] : memref<323584xi32, #tpu.memory_space<hbm>> -> memref<128xi32, #tpu.memory_space<hbm>>
          tpu.enqueue_dma source(%dma_start3A_79 : memref<128xi32, #tpu.memory_space<hbm>>) target(%arg12 : memref<128xi32, #tpu.memory_space<vmem>>) target_semaphore(%run_scoped3A : memref<!tpu.dma_semaphore, #tpu.memory_space<semaphore_mem>>)
          %dma_wait3A_80 = tpu.memref_slice %arg3[%mul3A_74] : memref<323584xi32, #tpu.memory_space<hbm>> -> memref<128xi32, #tpu.memory_space<hbm>>
          %dma_wait3A_81 = tpu.memref_slice %arg3[%mul3A_74] : memref<323584xi32, #tpu.memory_space<hbm>> -> memref<128xi32, #tpu.memory_space<hbm>>
          tpu.wait_dma2 semaphore(%run_scoped3A : memref<!tpu.dma_semaphore, #tpu.memory_space<semaphore_mem>>) src(%dma_wait3A_81 : memref<128xi32, #tpu.memory_space<hbm>>) dst(%arg12 : memref<128xi32, #tpu.memory_space<vmem>>)
          tpu.yield
        }) : () -> ()
        "tpu.region"() ({
          %run_scoped3A = tpu.sem_alloc : memref<!tpu.dma_semaphore, #tpu.memory_space<semaphore_mem>>
          %dma_start3A_78 = tpu.memref_slice %arg4[%mul3A_74] : memref<323584xi32, #tpu.memory_space<hbm>> -> memref<128xi32, #tpu.memory_space<hbm>>
          %dma_start3A_79 = tpu.memref_slice %arg4[%mul3A_74] : memref<323584xi32, #tpu.memory_space<hbm>> -> memref<128xi32, #tpu.memory_space<hbm>>
          tpu.enqueue_dma source(%dma_start3A_79 : memref<128xi32, #tpu.memory_space<hbm>>) target(%arg13 : memref<128xi32, #tpu.memory_space<vmem>>) target_semaphore(%run_scoped3A : memref<!tpu.dma_semaphore, #tpu.memory_space<semaphore_mem>>)
          %dma_wait3A_80 = tpu.memref_slice %arg4[%mul3A_74] : memref<323584xi32, #tpu.memory_space<hbm>> -> memref<128xi32, #tpu.memory_space<hbm>>
          %dma_wait3A_81 = tpu.memref_slice %arg4[%mul3A_74] : memref<323584xi32, #tpu.memory_space<hbm>> -> memref<128xi32, #tpu.memory_space<hbm>>
          tpu.wait_dma2 semaphore(%run_scoped3A : memref<!tpu.dma_semaphore, #tpu.memory_space<semaphore_mem>>) src(%dma_wait3A_81 : memref<128xi32, #tpu.memory_space<hbm>>) dst(%arg13 : memref<128xi32, #tpu.memory_space<vmem>>)
          tpu.yield
        }) : () -> ()
        %dma_start3A_75 = arith.constant 0 : i32
        %dma_start3A_76 = arith.constant 0 : i32
        %dma_start3A_77 = tpu.memref_slice %arg2[%dma_start3A_75, %dma_start3A_76] : memref<10000x128xf32, #tpu.memory_space<hbm>> -> memref<10000x128xf32, #tpu.memory_space<hbm>>
        tpu.enqueue_indirect_dma source(%dma_start3A_77 : memref<10000x128xf32, #tpu.memory_space<hbm>>) target(%arg14 : memref<128x128xf32, #tpu.memory_space<vmem>>) offsets(%arg12 : memref<128xi32, #tpu.memory_space<vmem>>) semaphore(%arg15 : memref<!tpu.dma_semaphore, #tpu.memory_space<semaphore_mem>>)
      } else {
      }
    }
    %barrier3A_43 = arith.constant 0 : index
    tpu.barrier barrier_id(%barrier3A_43)
    "tpu.region"() ({
      %run_scoped3A = tpu.sem_alloc : memref<!tpu.dma_semaphore, #tpu.memory_space<semaphore_mem>>
      %dma_start3A_54 = arith.constant 0 : i32
      %dma_start3A_55 = arith.constant 0 : i32
      %dma_start3A_56 = tpu.memref_slice %arg10[%dma_start3A_54, %dma_start3A_55] : memref<128x128xf32, #tpu.memory_space<vmem>> -> memref<128x128xf32, #tpu.memory_space<vmem>>
      %dma_start3A_57 = arith.constant 0 : i32
      %dma_start3A_58 = tpu.memref_slice %arg7[%mul3A_0, %dma_start3A_57] : memref<10112x128xf32, #tpu.memory_space<vmem_shared>> -> memref<128x128xf32, #tpu.memory_space<vmem_shared>>
      %dma_start3A_59 = arith.constant 0 : i32
      %dma_start3A_60 = arith.constant 0 : i32
      %dma_start3A_61 = tpu.memref_slice %arg10[%dma_start3A_59, %dma_start3A_60] : memref<128x128xf32, #tpu.memory_space<vmem>> -> memref<128x128xf32, #tpu.memory_space<vmem>>
      %dma_start3A_62 = arith.constant 0 : i32
      %dma_start3A_63 = tpu.memref_slice %arg7[%mul3A_0, %dma_start3A_62] : memref<10112x128xf32, #tpu.memory_space<vmem_shared>> -> memref<128x128xf32, #tpu.memory_space<vmem_shared>>
      tpu.enqueue_dma source(%dma_start3A_63 : memref<128x128xf32, #tpu.memory_space<vmem_shared>>) target(%dma_start3A_61 : memref<128x128xf32, #tpu.memory_space<vmem>>) target_semaphore(%run_scoped3A : memref<!tpu.dma_semaphore, #tpu.memory_space<semaphore_mem>>)
      %dma_wait3A = arith.constant 0 : i32
      %dma_wait3A_64 = arith.constant 0 : i32
      %dma_wait3A_65 = tpu.memref_slice %arg10[%dma_wait3A, %dma_wait3A_64] : memref<128x128xf32, #tpu.memory_space<vmem>> -> memref<128x128xf32, #tpu.memory_space<vmem>>
      %dma_wait3A_66 = arith.constant 0 : i32
      %dma_wait3A_67 = tpu.memref_slice %arg7[%mul3A_0, %dma_wait3A_66] : memref<10112x128xf32, #tpu.memory_space<vmem_shared>> -> memref<128x128xf32, #tpu.memory_space<vmem_shared>>
      %dma_wait3A_68 = arith.constant 0 : i32
      %dma_wait3A_69 = arith.constant 0 : i32
      %dma_wait3A_70 = tpu.memref_slice %arg10[%dma_wait3A_68, %dma_wait3A_69] : memref<128x128xf32, #tpu.memory_space<vmem>> -> memref<128x128xf32, #tpu.memory_space<vmem>>
      %dma_wait3A_71 = arith.constant 0 : i32
      %dma_wait3A_72 = tpu.memref_slice %arg7[%mul3A_0, %dma_wait3A_71] : memref<10112x128xf32, #tpu.memory_space<vmem_shared>> -> memref<128x128xf32, #tpu.memory_space<vmem_shared>>
      tpu.wait_dma2 semaphore(%run_scoped3A : memref<!tpu.dma_semaphore, #tpu.memory_space<semaphore_mem>>) src(%dma_wait3A_72 : memref<128x128xf32, #tpu.memory_space<vmem_shared>>) dst(%dma_wait3A_70 : memref<128x128xf32, #tpu.memory_space<vmem>>)
      tpu.yield
    }) : () -> ()
    "tpu.region"() ({
      %run_scoped3A = tpu.sem_alloc : memref<!tpu.dma_semaphore, #tpu.memory_space<semaphore_mem>>
      %dma_start3A_54 = arith.constant 0 : i32
      %dma_start3A_55 = arith.constant 0 : i32
      %dma_start3A_56 = tpu.memref_slice %arg10[%dma_start3A_54, %dma_start3A_55] : memref<128x128xf32, #tpu.memory_space<vmem>> -> memref<128x128xf32, #tpu.memory_space<vmem>>
      %dma_start3A_57 = arith.constant 0 : i32
      %dma_start3A_58 = tpu.memref_slice %arg6[%arg0, %mul3A_0, %dma_start3A_57] : memref<2x10112x128xf32, #tpu.memory_space<hbm>> -> memref<1x128x128xf32, #tpu.memory_space<hbm>>
      %dma_start3A_59 = tpu.memref_squeeze %dma_start3A_58 : memref<1x128x128xf32, #tpu.memory_space<hbm>> -> memref<128x128xf32, #tpu.memory_space<hbm>>
      %dma_start3A_60 = arith.constant 0 : i32
      %dma_start3A_61 = tpu.memref_slice %arg6[%arg0, %mul3A_0, %dma_start3A_60] : memref<2x10112x128xf32, #tpu.memory_space<hbm>> -> memref<1x128x128xf32, #tpu.memory_space<hbm>>
      %dma_start3A_62 = tpu.memref_squeeze %dma_start3A_61 : memref<1x128x128xf32, #tpu.memory_space<hbm>> -> memref<128x128xf32, #tpu.memory_space<hbm>>
      %dma_start3A_63 = arith.constant 0 : i32
      %dma_start3A_64 = arith.constant 0 : i32
      %dma_start3A_65 = tpu.memref_slice %arg10[%dma_start3A_63, %dma_start3A_64] : memref<128x128xf32, #tpu.memory_space<vmem>> -> memref<128x128xf32, #tpu.memory_space<vmem>>
      tpu.enqueue_dma source(%dma_start3A_65 : memref<128x128xf32, #tpu.memory_space<vmem>>) target(%dma_start3A_62 : memref<128x128xf32, #tpu.memory_space<hbm>>) target_semaphore(%run_scoped3A : memref<!tpu.dma_semaphore, #tpu.memory_space<semaphore_mem>>)
      %dma_wait3A = arith.constant 0 : i32
      %dma_wait3A_66 = arith.constant 0 : i32
      %dma_wait3A_67 = tpu.memref_slice %arg10[%dma_wait3A, %dma_wait3A_66] : memref<128x128xf32, #tpu.memory_space<vmem>> -> memref<128x128xf32, #tpu.memory_space<vmem>>
      %dma_wait3A_68 = arith.constant 0 : i32
      %dma_wait3A_69 = tpu.memref_slice %arg6[%arg0, %mul3A_0, %dma_wait3A_68] : memref<2x10112x128xf32, #tpu.memory_space<hbm>> -> memref<1x128x128xf32, #tpu.memory_space<hbm>>
      %dma_wait3A_70 = tpu.memref_squeeze %dma_wait3A_69 : memref<1x128x128xf32, #tpu.memory_space<hbm>> -> memref<128x128xf32, #tpu.memory_space<hbm>>
      %dma_wait3A_71 = arith.constant 0 : i32
      %dma_wait3A_72 = tpu.memref_slice %arg6[%arg0, %mul3A_0, %dma_wait3A_71] : memref<2x10112x128xf32, #tpu.memory_space<hbm>> -> memref<1x128x128xf32, #tpu.memory_space<hbm>>
      %dma_wait3A_73 = tpu.memref_squeeze %dma_wait3A_72 : memref<1x128x128xf32, #tpu.memory_space<hbm>> -> memref<128x128xf32, #tpu.memory_space<hbm>>
      %dma_wait3A_74 = arith.constant 0 : i32
      %dma_wait3A_75 = arith.constant 0 : i32
      %dma_wait3A_76 = tpu.memref_slice %arg10[%dma_wait3A_74, %dma_wait3A_75] : memref<128x128xf32, #tpu.memory_space<vmem>> -> memref<128x128xf32, #tpu.memory_space<vmem>>
      tpu.wait_dma2 semaphore(%run_scoped3A : memref<!tpu.dma_semaphore, #tpu.memory_space<semaphore_mem>>) src(%dma_wait3A_76 : memref<128x128xf32, #tpu.memory_space<vmem>>) dst(%dma_wait3A_73 : memref<128x128xf32, #tpu.memory_space<hbm>>)
      tpu.yield
    }) : () -> ()
    %add3A_44 = arith.constant 128 : i32
    %add3A_45 = arith.addi %mul3A_0, %add3A_44 : i32
    "tpu.region"() ({
      %run_scoped3A = tpu.sem_alloc : memref<!tpu.dma_semaphore, #tpu.memory_space<semaphore_mem>>
      %dma_start3A_54 = arith.constant 0 : i32
      %dma_start3A_55 = arith.constant 0 : i32
      %dma_start3A_56 = tpu.memref_slice %arg10[%dma_start3A_54, %dma_start3A_55] : memref<128x128xf32, #tpu.memory_space<vmem>> -> memref<128x128xf32, #tpu.memory_space<vmem>>
      %dma_start3A_57 = arith.constant 0 : i32
      %dma_start3A_58 = tpu.memref_slice %arg7[%add3A_45, %dma_start3A_57] : memref<10112x128xf32, #tpu.memory_space<vmem_shared>> -> memref<128x128xf32, #tpu.memory_space<vmem_shared>>
      %dma_start3A_59 = arith.constant 0 : i32
      %dma_start3A_60 = arith.constant 0 : i32
      %dma_start3A_61 = tpu.memref_slice %arg10[%dma_start3A_59, %dma_start3A_60] : memref<128x128xf32, #tpu.memory_space<vmem>> -> memref<128x128xf32, #tpu.memory_space<vmem>>
      %dma_start3A_62 = arith.constant 0 : i32
      %dma_start3A_63 = tpu.memref_slice %arg7[%add3A_45, %dma_start3A_62] : memref<10112x128xf32, #tpu.memory_space<vmem_shared>> -> memref<128x128xf32, #tpu.memory_space<vmem_shared>>
      tpu.enqueue_dma source(%dma_start3A_63 : memref<128x128xf32, #tpu.memory_space<vmem_shared>>) target(%dma_start3A_61 : memref<128x128xf32, #tpu.memory_space<vmem>>) target_semaphore(%run_scoped3A : memref<!tpu.dma_semaphore, #tpu.memory_space<semaphore_mem>>)
      %dma_wait3A = arith.constant 0 : i32
      %dma_wait3A_64 = arith.constant 0 : i32
      %dma_wait3A_65 = tpu.memref_slice %arg10[%dma_wait3A, %dma_wait3A_64] : memref<128x128xf32, #tpu.memory_space<vmem>> -> memref<128x128xf32, #tpu.memory_space<vmem>>
      %dma_wait3A_66 = arith.constant 0 : i32
      %dma_wait3A_67 = tpu.memref_slice %arg7[%add3A_45, %dma_wait3A_66] : memref<10112x128xf32, #tpu.memory_space<vmem_shared>> -> memref<128x128xf32, #tpu.memory_space<vmem_shared>>
      %dma_wait3A_68 = arith.constant 0 : i32
      %dma_wait3A_69 = arith.constant 0 : i32
      %dma_wait3A_70 = tpu.memref_slice %arg10[%dma_wait3A_68, %dma_wait3A_69] : memref<128x128xf32, #tpu.memory_space<vmem>> -> memref<128x128xf32, #tpu.memory_space<vmem>>
      %dma_wait3A_71 = arith.constant 0 : i32
      %dma_wait3A_72 = tpu.memref_slice %arg7[%add3A_45, %dma_wait3A_71] : memref<10112x128xf32, #tpu.memory_space<vmem_shared>> -> memref<128x128xf32, #tpu.memory_space<vmem_shared>>
      tpu.wait_dma2 semaphore(%run_scoped3A : memref<!tpu.dma_semaphore, #tpu.memory_space<semaphore_mem>>) src(%dma_wait3A_72 : memref<128x128xf32, #tpu.memory_space<vmem_shared>>) dst(%dma_wait3A_70 : memref<128x128xf32, #tpu.memory_space<vmem>>)
      tpu.yield
    }) : () -> ()
    "tpu.region"() ({
      %run_scoped3A = tpu.sem_alloc : memref<!tpu.dma_semaphore, #tpu.memory_space<semaphore_mem>>
      %dma_start3A_54 = arith.constant 0 : i32
      %dma_start3A_55 = arith.constant 0 : i32
      %dma_start3A_56 = tpu.memref_slice %arg10[%dma_start3A_54, %dma_start3A_55] : memref<128x128xf32, #tpu.memory_space<vmem>> -> memref<128x128xf32, #tpu.memory_space<vmem>>
      %dma_start3A_57 = arith.constant 0 : i32
      %dma_start3A_58 = tpu.memref_slice %arg6[%arg0, %add3A_45, %dma_start3A_57] : memref<2x10112x128xf32, #tpu.memory_space<hbm>> -> memref<1x128x128xf32, #tpu.memory_space<hbm>>
      %dma_start3A_59 = tpu.memref_squeeze %dma_start3A_58 : memref<1x128x128xf32, #tpu.memory_space<hbm>> -> memref<128x128xf32, #tpu.memory_space<hbm>>
      %dma_start3A_60 = arith.constant 0 : i32
      %dma_start3A_61 = tpu.memref_slice %arg6[%arg0, %add3A_45, %dma_start3A_60] : memref<2x10112x128xf32, #tpu.memory_space<hbm>> -> memref<1x128x128xf32, #tpu.memory_space<hbm>>
      %dma_start3A_62 = tpu.memref_squeeze %dma_start3A_61 : memref<1x128x128xf32, #tpu.memory_space<hbm>> -> memref<128x128xf32, #tpu.memory_space<hbm>>
      %dma_start3A_63 = arith.constant 0 : i32
      %dma_start3A_64 = arith.constant 0 : i32
      %dma_start3A_65 = tpu.memref_slice %arg10[%dma_start3A_63, %dma_start3A_64] : memref<128x128xf32, #tpu.memory_space<vmem>> -> memref<128x128xf32, #tpu.memory_space<vmem>>
      tpu.enqueue_dma source(%dma_start3A_65 : memref<128x128xf32, #tpu.memory_space<vmem>>) target(%dma_start3A_62 : memref<128x128xf32, #tpu.memory_space<hbm>>) target_semaphore(%run_scoped3A : memref<!tpu.dma_semaphore, #tpu.memory_space<semaphore_mem>>)
      %dma_wait3A = arith.constant 0 : i32
      %dma_wait3A_66 = arith.constant 0 : i32
      %dma_wait3A_67 = tpu.memref_slice %arg10[%dma_wait3A, %dma_wait3A_66] : memref<128x128xf32, #tpu.memory_space<vmem>> -> memref<128x128xf32, #tpu.memory_space<vmem>>
      %dma_wait3A_68 = arith.constant 0 : i32
      %dma_wait3A_69 = tpu.memref_slice %arg6[%arg0, %add3A_45, %dma_wait3A_68] : memref<2x10112x128xf32, #tpu.memory_space<hbm>> -> memref<1x128x128xf32, #tpu.memory_space<hbm>>
      %dma_wait3A_70 = tpu.memref_squeeze %dma_wait3A_69 : memref<1x128x128xf32, #tpu.memory_space<hbm>> -> memref<128x128xf32, #tpu.memory_space<hbm>>
      %dma_wait3A_71 = arith.constant 0 : i32
      %dma_wait3A_72 = tpu.memref_slice %arg6[%arg0, %add3A_45, %dma_wait3A_71] : memref<2x10112x128xf32, #tpu.memory_space<hbm>> -> memref<1x128x128xf32, #tpu.memory_space<hbm>>
      %dma_wait3A_73 = tpu.memref_squeeze %dma_wait3A_72 : memref<1x128x128xf32, #tpu.memory_space<hbm>> -> memref<128x128xf32, #tpu.memory_space<hbm>>
      %dma_wait3A_74 = arith.constant 0 : i32
      %dma_wait3A_75 = arith.constant 0 : i32
      %dma_wait3A_76 = tpu.memref_slice %arg10[%dma_wait3A_74, %dma_wait3A_75] : memref<128x128xf32, #tpu.memory_space<vmem>> -> memref<128x128xf32, #tpu.memory_space<vmem>>
      tpu.wait_dma2 semaphore(%run_scoped3A : memref<!tpu.dma_semaphore, #tpu.memory_space<semaphore_mem>>) src(%dma_wait3A_76 : memref<128x128xf32, #tpu.memory_space<vmem>>) dst(%dma_wait3A_73 : memref<128x128xf32, #tpu.memory_space<hbm>>)
      tpu.yield
    }) : () -> ()
    %add3A_46 = arith.constant 128 : i32
    %add3A_47 = arith.addi %add3A_45, %add3A_46 : i32
    "tpu.region"() ({
      %run_scoped3A = tpu.sem_alloc : memref<!tpu.dma_semaphore, #tpu.memory_space<semaphore_mem>>
      %dma_start3A_54 = arith.constant 0 : i32
      %dma_start3A_55 = arith.constant 0 : i32
      %dma_start3A_56 = tpu.memref_slice %arg10[%dma_start3A_54, %dma_start3A_55] : memref<128x128xf32, #tpu.memory_space<vmem>> -> memref<128x128xf32, #tpu.memory_space<vmem>>
      %dma_start3A_57 = arith.constant 0 : i32
      %dma_start3A_58 = tpu.memref_slice %arg7[%add3A_47, %dma_start3A_57] : memref<10112x128xf32, #tpu.memory_space<vmem_shared>> -> memref<128x128xf32, #tpu.memory_space<vmem_shared>>
      %dma_start3A_59 = arith.constant 0 : i32
      %dma_start3A_60 = arith.constant 0 : i32
      %dma_start3A_61 = tpu.memref_slice %arg10[%dma_start3A_59, %dma_start3A_60] : memref<128x128xf32, #tpu.memory_space<vmem>> -> memref<128x128xf32, #tpu.memory_space<vmem>>
      %dma_start3A_62 = arith.constant 0 : i32
      %dma_start3A_63 = tpu.memref_slice %arg7[%add3A_47, %dma_start3A_62] : memref<10112x128xf32, #tpu.memory_space<vmem_shared>> -> memref<128x128xf32, #tpu.memory_space<vmem_shared>>
      tpu.enqueue_dma source(%dma_start3A_63 : memref<128x128xf32, #tpu.memory_space<vmem_shared>>) target(%dma_start3A_61 : memref<128x128xf32, #tpu.memory_space<vmem>>) target_semaphore(%run_scoped3A : memref<!tpu.dma_semaphore, #tpu.memory_space<semaphore_mem>>)
      %dma_wait3A = arith.constant 0 : i32
      %dma_wait3A_64 = arith.constant 0 : i32
      %dma_wait3A_65 = tpu.memref_slice %arg10[%dma_wait3A, %dma_wait3A_64] : memref<128x128xf32, #tpu.memory_space<vmem>> -> memref<128x128xf32, #tpu.memory_space<vmem>>
      %dma_wait3A_66 = arith.constant 0 : i32
      %dma_wait3A_67 = tpu.memref_slice %arg7[%add3A_47, %dma_wait3A_66] : memref<10112x128xf32, #tpu.memory_space<vmem_shared>> -> memref<128x128xf32, #tpu.memory_space<vmem_shared>>
      %dma_wait3A_68 = arith.constant 0 : i32
      %dma_wait3A_69 = arith.constant 0 : i32
      %dma_wait3A_70 = tpu.memref_slice %arg10[%dma_wait3A_68, %dma_wait3A_69] : memref<128x128xf32, #tpu.memory_space<vmem>> -> memref<128x128xf32, #tpu.memory_space<vmem>>
      %dma_wait3A_71 = arith.constant 0 : i32
      %dma_wait3A_72 = tpu.memref_slice %arg7[%add3A_47, %dma_wait3A_71] : memref<10112x128xf32, #tpu.memory_space<vmem_shared>> -> memref<128x128xf32, #tpu.memory_space<vmem_shared>>
      tpu.wait_dma2 semaphore(%run_scoped3A : memref<!tpu.dma_semaphore, #tpu.memory_space<semaphore_mem>>) src(%dma_wait3A_72 : memref<128x128xf32, #tpu.memory_space<vmem_shared>>) dst(%dma_wait3A_70 : memref<128x128xf32, #tpu.memory_space<vmem>>)
      tpu.yield
    }) : () -> ()
    "tpu.region"() ({
      %run_scoped3A = tpu.sem_alloc : memref<!tpu.dma_semaphore, #tpu.memory_space<semaphore_mem>>
      %dma_start3A_54 = arith.constant 0 : i32
      %dma_start3A_55 = arith.constant 0 : i32
      %dma_start3A_56 = tpu.memref_slice %arg10[%dma_start3A_54, %dma_start3A_55] : memref<128x128xf32, #tpu.memory_space<vmem>> -> memref<128x128xf32, #tpu.memory_space<vmem>>
      %dma_start3A_57 = arith.constant 0 : i32
      %dma_start3A_58 = tpu.memref_slice %arg6[%arg0, %add3A_47, %dma_start3A_57] : memref<2x10112x128xf32, #tpu.memory_space<hbm>> -> memref<1x128x128xf32, #tpu.memory_space<hbm>>
      %dma_start3A_59 = tpu.memref_squeeze %dma_start3A_58 : memref<1x128x128xf32, #tpu.memory_space<hbm>> -> memref<128x128xf32, #tpu.memory_space<hbm>>
      %dma_start3A_60 = arith.constant 0 : i32
      %dma_start3A_61 = tpu.memref_slice %arg6[%arg0, %add3A_47, %dma_start3A_60] : memref<2x10112x128xf32, #tpu.memory_space<hbm>> -> memref<1x128x128xf32, #tpu.memory_space<hbm>>
      %dma_start3A_62 = tpu.memref_squeeze %dma_start3A_61 : memref<1x128x128xf32, #tpu.memory_space<hbm>> -> memref<128x128xf32, #tpu.memory_space<hbm>>
      %dma_start3A_63 = arith.constant 0 : i32
      %dma_start3A_64 = arith.constant 0 : i32
      %dma_start3A_65 = tpu.memref_slice %arg10[%dma_start3A_63, %dma_start3A_64] : memref<128x128xf32, #tpu.memory_space<vmem>> -> memref<128x128xf32, #tpu.memory_space<vmem>>
      tpu.enqueue_dma source(%dma_start3A_65 : memref<128x128xf32, #tpu.memory_space<vmem>>) target(%dma_start3A_62 : memref<128x128xf32, #tpu.memory_space<hbm>>) target_semaphore(%run_scoped3A : memref<!tpu.dma_semaphore, #tpu.memory_space<semaphore_mem>>)
      %dma_wait3A = arith.constant 0 : i32
      %dma_wait3A_66 = arith.constant 0 : i32
      %dma_wait3A_67 = tpu.memref_slice %arg10[%dma_wait3A, %dma_wait3A_66] : memref<128x128xf32, #tpu.memory_space<vmem>> -> memref<128x128xf32, #tpu.memory_space<vmem>>
      %dma_wait3A_68 = arith.constant 0 : i32
      %dma_wait3A_69 = tpu.memref_slice %arg6[%arg0, %add3A_47, %dma_wait3A_68] : memref<2x10112x128xf32, #tpu.memory_space<hbm>> -> memref<1x128x128xf32, #tpu.memory_space<hbm>>
      %dma_wait3A_70 = tpu.memref_squeeze %dma_wait3A_69 : memref<1x128x128xf32, #tpu.memory_space<hbm>> -> memref<128x128xf32, #tpu.memory_space<hbm>>
      %dma_wait3A_71 = arith.constant 0 : i32
      %dma_wait3A_72 = tpu.memref_slice %arg6[%arg0, %add3A_47, %dma_wait3A_71] : memref<2x10112x128xf32, #tpu.memory_space<hbm>> -> memref<1x128x128xf32, #tpu.memory_space<hbm>>
      %dma_wait3A_73 = tpu.memref_squeeze %dma_wait3A_72 : memref<1x128x128xf32, #tpu.memory_space<hbm>> -> memref<128x128xf32, #tpu.memory_space<hbm>>
      %dma_wait3A_74 = arith.constant 0 : i32
      %dma_wait3A_75 = arith.constant 0 : i32
      %dma_wait3A_76 = tpu.memref_slice %arg10[%dma_wait3A_74, %dma_wait3A_75] : memref<128x128xf32, #tpu.memory_space<vmem>> -> memref<128x128xf32, #tpu.memory_space<vmem>>
      tpu.wait_dma2 semaphore(%run_scoped3A : memref<!tpu.dma_semaphore, #tpu.memory_space<semaphore_mem>>) src(%dma_wait3A_76 : memref<128x128xf32, #tpu.memory_space<vmem>>) dst(%dma_wait3A_73 : memref<128x128xf32, #tpu.memory_space<hbm>>)
      tpu.yield
    }) : () -> ()
    %add3A_48 = arith.constant 128 : i32
    %add3A_49 = arith.addi %add3A_47, %add3A_48 : i32
    "tpu.region"() ({
      %run_scoped3A = tpu.sem_alloc : memref<!tpu.dma_semaphore, #tpu.memory_space<semaphore_mem>>
      %dma_start3A_54 = arith.constant 0 : i32
      %dma_start3A_55 = arith.constant 0 : i32
      %dma_start3A_56 = tpu.memref_slice %arg10[%dma_start3A_54, %dma_start3A_55] : memref<128x128xf32, #tpu.memory_space<vmem>> -> memref<128x128xf32, #tpu.memory_space<vmem>>
      %dma_start3A_57 = arith.constant 0 : i32
      %dma_start3A_58 = tpu.memref_slice %arg7[%add3A_49, %dma_start3A_57] : memref<10112x128xf32, #tpu.memory_space<vmem_shared>> -> memref<128x128xf32, #tpu.memory_space<vmem_shared>>
      %dma_start3A_59 = arith.constant 0 : i32
      %dma_start3A_60 = arith.constant 0 : i32
      %dma_start3A_61 = tpu.memref_slice %arg10[%dma_start3A_59, %dma_start3A_60] : memref<128x128xf32, #tpu.memory_space<vmem>> -> memref<128x128xf32, #tpu.memory_space<vmem>>
      %dma_start3A_62 = arith.constant 0 : i32
      %dma_start3A_63 = tpu.memref_slice %arg7[%add3A_49, %dma_start3A_62] : memref<10112x128xf32, #tpu.memory_space<vmem_shared>> -> memref<128x128xf32, #tpu.memory_space<vmem_shared>>
      tpu.enqueue_dma source(%dma_start3A_63 : memref<128x128xf32, #tpu.memory_space<vmem_shared>>) target(%dma_start3A_61 : memref<128x128xf32, #tpu.memory_space<vmem>>) target_semaphore(%run_scoped3A : memref<!tpu.dma_semaphore, #tpu.memory_space<semaphore_mem>>)
      %dma_wait3A = arith.constant 0 : i32
      %dma_wait3A_64 = arith.constant 0 : i32
      %dma_wait3A_65 = tpu.memref_slice %arg10[%dma_wait3A, %dma_wait3A_64] : memref<128x128xf32, #tpu.memory_space<vmem>> -> memref<128x128xf32, #tpu.memory_space<vmem>>
      %dma_wait3A_66 = arith.constant 0 : i32
      %dma_wait3A_67 = tpu.memref_slice %arg7[%add3A_49, %dma_wait3A_66] : memref<10112x128xf32, #tpu.memory_space<vmem_shared>> -> memref<128x128xf32, #tpu.memory_space<vmem_shared>>
      %dma_wait3A_68 = arith.constant 0 : i32
      %dma_wait3A_69 = arith.constant 0 : i32
      %dma_wait3A_70 = tpu.memref_slice %arg10[%dma_wait3A_68, %dma_wait3A_69] : memref<128x128xf32, #tpu.memory_space<vmem>> -> memref<128x128xf32, #tpu.memory_space<vmem>>
      %dma_wait3A_71 = arith.constant 0 : i32
      %dma_wait3A_72 = tpu.memref_slice %arg7[%add3A_49, %dma_wait3A_71] : memref<10112x128xf32, #tpu.memory_space<vmem_shared>> -> memref<128x128xf32, #tpu.memory_space<vmem_shared>>
      tpu.wait_dma2 semaphore(%run_scoped3A : memref<!tpu.dma_semaphore, #tpu.memory_space<semaphore_mem>>) src(%dma_wait3A_72 : memref<128x128xf32, #tpu.memory_space<vmem_shared>>) dst(%dma_wait3A_70 : memref<128x128xf32, #tpu.memory_space<vmem>>)
      tpu.yield
    }) : () -> ()
    "tpu.region"() ({
      %run_scoped3A = tpu.sem_alloc : memref<!tpu.dma_semaphore, #tpu.memory_space<semaphore_mem>>
      %dma_start3A_54 = arith.constant 0 : i32
      %dma_start3A_55 = arith.constant 0 : i32
      %dma_start3A_56 = tpu.memref_slice %arg10[%dma_start3A_54, %dma_start3A_55] : memref<128x128xf32, #tpu.memory_space<vmem>> -> memref<128x128xf32, #tpu.memory_space<vmem>>
      %dma_start3A_57 = arith.constant 0 : i32
      %dma_start3A_58 = tpu.memref_slice %arg6[%arg0, %add3A_49, %dma_start3A_57] : memref<2x10112x128xf32, #tpu.memory_space<hbm>> -> memref<1x128x128xf32, #tpu.memory_space<hbm>>
      %dma_start3A_59 = tpu.memref_squeeze %dma_start3A_58 : memref<1x128x128xf32, #tpu.memory_space<hbm>> -> memref<128x128xf32, #tpu.memory_space<hbm>>
      %dma_start3A_60 = arith.constant 0 : i32
      %dma_start3A_61 = tpu.memref_slice %arg6[%arg0, %add3A_49, %dma_start3A_60] : memref<2x10112x128xf32, #tpu.memory_space<hbm>> -> memref<1x128x128xf32, #tpu.memory_space<hbm>>
      %dma_start3A_62 = tpu.memref_squeeze %dma_start3A_61 : memref<1x128x128xf32, #tpu.memory_space<hbm>> -> memref<128x128xf32, #tpu.memory_space<hbm>>
      %dma_start3A_63 = arith.constant 0 : i32
      %dma_start3A_64 = arith.constant 0 : i32
      %dma_start3A_65 = tpu.memref_slice %arg10[%dma_start3A_63, %dma_start3A_64] : memref<128x128xf32, #tpu.memory_space<vmem>> -> memref<128x128xf32, #tpu.memory_space<vmem>>
      tpu.enqueue_dma source(%dma_start3A_65 : memref<128x128xf32, #tpu.memory_space<vmem>>) target(%dma_start3A_62 : memref<128x128xf32, #tpu.memory_space<hbm>>) target_semaphore(%run_scoped3A : memref<!tpu.dma_semaphore, #tpu.memory_space<semaphore_mem>>)
      %dma_wait3A = arith.constant 0 : i32
      %dma_wait3A_66 = arith.constant 0 : i32
      %dma_wait3A_67 = tpu.memref_slice %arg10[%dma_wait3A, %dma_wait3A_66] : memref<128x128xf32, #tpu.memory_space<vmem>> -> memref<128x128xf32, #tpu.memory_space<vmem>>
      %dma_wait3A_68 = arith.constant 0 : i32
      %dma_wait3A_69 = tpu.memref_slice %arg6[%arg0, %add3A_49, %dma_wait3A_68] : memref<2x10112x128xf32, #tpu.memory_space<hbm>> -> memref<1x128x128xf32, #tpu.memory_space<hbm>>
      %dma_wait3A_70 = tpu.memref_squeeze %dma_wait3A_69 : memref<1x128x128xf32, #tpu.memory_space<hbm>> -> memref<128x128xf32, #tpu.memory_space<hbm>>
      %dma_wait3A_71 = arith.constant 0 : i32
      %dma_wait3A_72 = tpu.memref_slice %arg6[%arg0, %add3A_49, %dma_wait3A_71] : memref<2x10112x128xf32, #tpu.memory_space<hbm>> -> memref<1x128x128xf32, #tpu.memory_space<hbm>>
      %dma_wait3A_73 = tpu.memref_squeeze %dma_wait3A_72 : memref<1x128x128xf32, #tpu.memory_space<hbm>> -> memref<128x128xf32, #tpu.memory_space<hbm>>
      %dma_wait3A_74 = arith.constant 0 : i32
      %dma_wait3A_75 = arith.constant 0 : i32
      %dma_wait3A_76 = tpu.memref_slice %arg10[%dma_wait3A_74, %dma_wait3A_75] : memref<128x128xf32, #tpu.memory_space<vmem>> -> memref<128x128xf32, #tpu.memory_space<vmem>>
      tpu.wait_dma2 semaphore(%run_scoped3A : memref<!tpu.dma_semaphore, #tpu.memory_space<semaphore_mem>>) src(%dma_wait3A_76 : memref<128x128xf32, #tpu.memory_space<vmem>>) dst(%dma_wait3A_73 : memref<128x128xf32, #tpu.memory_space<hbm>>)
      tpu.yield
    }) : () -> ()
    %add3A_50 = arith.constant 128 : i32
    %add3A_51 = arith.addi %add3A_49, %add3A_50 : i32
    "tpu.region"() ({
      %run_scoped3A = tpu.sem_alloc : memref<!tpu.dma_semaphore, #tpu.memory_space<semaphore_mem>>
      %dma_start3A_54 = arith.constant 0 : i32
      %dma_start3A_55 = arith.constant 0 : i32
      %dma_start3A_56 = tpu.memref_slice %arg10[%dma_start3A_54, %dma_start3A_55] : memref<128x128xf32, #tpu.memory_space<vmem>> -> memref<120x128xf32, #tpu.memory_space<vmem>>
      %dma_start3A_57 = arith.constant 0 : i32
      %dma_start3A_58 = tpu.memref_slice %arg7[%add3A_51, %dma_start3A_57] : memref<10112x128xf32, #tpu.memory_space<vmem_shared>> -> memref<120x128xf32, #tpu.memory_space<vmem_shared>>
      %dma_start3A_59 = arith.constant 0 : i32
      %dma_start3A_60 = arith.constant 0 : i32
      %dma_start3A_61 = tpu.memref_slice %arg10[%dma_start3A_59, %dma_start3A_60] : memref<128x128xf32, #tpu.memory_space<vmem>> -> memref<120x128xf32, #tpu.memory_space<vmem>>
      %dma_start3A_62 = arith.constant 0 : i32
      %dma_start3A_63 = tpu.memref_slice %arg7[%add3A_51, %dma_start3A_62] : memref<10112x128xf32, #tpu.memory_space<vmem_shared>> -> memref<120x128xf32, #tpu.memory_space<vmem_shared>>
      tpu.enqueue_dma source(%dma_start3A_63 : memref<120x128xf32, #tpu.memory_space<vmem_shared>>) target(%dma_start3A_61 : memref<120x128xf32, #tpu.memory_space<vmem>>) target_semaphore(%run_scoped3A : memref<!tpu.dma_semaphore, #tpu.memory_space<semaphore_mem>>)
      %dma_wait3A = arith.constant 0 : i32
      %dma_wait3A_64 = arith.constant 0 : i32
      %dma_wait3A_65 = tpu.memref_slice %arg10[%dma_wait3A, %dma_wait3A_64] : memref<128x128xf32, #tpu.memory_space<vmem>> -> memref<120x128xf32, #tpu.memory_space<vmem>>
      %dma_wait3A_66 = arith.constant 0 : i32
      %dma_wait3A_67 = tpu.memref_slice %arg7[%add3A_51, %dma_wait3A_66] : memref<10112x128xf32, #tpu.memory_space<vmem_shared>> -> memref<120x128xf32, #tpu.memory_space<vmem_shared>>
      %dma_wait3A_68 = arith.constant 0 : i32
      %dma_wait3A_69 = arith.constant 0 : i32
      %dma_wait3A_70 = tpu.memref_slice %arg10[%dma_wait3A_68, %dma_wait3A_69] : memref<128x128xf32, #tpu.memory_space<vmem>> -> memref<120x128xf32, #tpu.memory_space<vmem>>
      %dma_wait3A_71 = arith.constant 0 : i32
      %dma_wait3A_72 = tpu.memref_slice %arg7[%add3A_51, %dma_wait3A_71] : memref<10112x128xf32, #tpu.memory_space<vmem_shared>> -> memref<120x128xf32, #tpu.memory_space<vmem_shared>>
      tpu.wait_dma2 semaphore(%run_scoped3A : memref<!tpu.dma_semaphore, #tpu.memory_space<semaphore_mem>>) src(%dma_wait3A_72 : memref<120x128xf32, #tpu.memory_space<vmem_shared>>) dst(%dma_wait3A_70 : memref<120x128xf32, #tpu.memory_space<vmem>>)
      tpu.yield
    }) : () -> ()
    "tpu.region"() ({
      %run_scoped3A = tpu.sem_alloc : memref<!tpu.dma_semaphore, #tpu.memory_space<semaphore_mem>>
      %dma_start3A_54 = arith.constant 0 : i32
      %dma_start3A_55 = arith.constant 0 : i32
      %dma_start3A_56 = tpu.memref_slice %arg10[%dma_start3A_54, %dma_start3A_55] : memref<128x128xf32, #tpu.memory_space<vmem>> -> memref<120x128xf32, #tpu.memory_space<vmem>>
      %dma_start3A_57 = arith.constant 0 : i32
      %dma_start3A_58 = tpu.memref_slice %arg6[%arg0, %add3A_51, %dma_start3A_57] : memref<2x10112x128xf32, #tpu.memory_space<hbm>> -> memref<1x120x128xf32, #tpu.memory_space<hbm>>
      %dma_start3A_59 = tpu.memref_squeeze %dma_start3A_58 : memref<1x120x128xf32, #tpu.memory_space<hbm>> -> memref<120x128xf32, #tpu.memory_space<hbm>>
      %dma_start3A_60 = arith.constant 0 : i32
      %dma_start3A_61 = tpu.memref_slice %arg6[%arg0, %add3A_51, %dma_start3A_60] : memref<2x10112x128xf32, #tpu.memory_space<hbm>> -> memref<1x120x128xf32, #tpu.memory_space<hbm>>
      %dma_start3A_62 = tpu.memref_squeeze %dma_start3A_61 : memref<1x120x128xf32, #tpu.memory_space<hbm>> -> memref<120x128xf32, #tpu.memory_space<hbm>>
      %dma_start3A_63 = arith.constant 0 : i32
      %dma_start3A_64 = arith.constant 0 : i32
      %dma_start3A_65 = tpu.memref_slice %arg10[%dma_start3A_63, %dma_start3A_64] : memref<128x128xf32, #tpu.memory_space<vmem>> -> memref<120x128xf32, #tpu.memory_space<vmem>>
      tpu.enqueue_dma source(%dma_start3A_65 : memref<120x128xf32, #tpu.memory_space<vmem>>) target(%dma_start3A_62 : memref<120x128xf32, #tpu.memory_space<hbm>>) target_semaphore(%run_scoped3A : memref<!tpu.dma_semaphore, #tpu.memory_space<semaphore_mem>>)
      %dma_wait3A = arith.constant 0 : i32
      %dma_wait3A_66 = arith.constant 0 : i32
      %dma_wait3A_67 = tpu.memref_slice %arg10[%dma_wait3A, %dma_wait3A_66] : memref<128x128xf32, #tpu.memory_space<vmem>> -> memref<120x128xf32, #tpu.memory_space<vmem>>
      %dma_wait3A_68 = arith.constant 0 : i32
      %dma_wait3A_69 = tpu.memref_slice %arg6[%arg0, %add3A_51, %dma_wait3A_68] : memref<2x10112x128xf32, #tpu.memory_space<hbm>> -> memref<1x120x128xf32, #tpu.memory_space<hbm>>
      %dma_wait3A_70 = tpu.memref_squeeze %dma_wait3A_69 : memref<1x120x128xf32, #tpu.memory_space<hbm>> -> memref<120x128xf32, #tpu.memory_space<hbm>>
      %dma_wait3A_71 = arith.constant 0 : i32
      %dma_wait3A_72 = tpu.memref_slice %arg6[%arg0, %add3A_51, %dma_wait3A_71] : memref<2x10112x128xf32, #tpu.memory_space<hbm>> -> memref<1x120x128xf32, #tpu.memory_space<hbm>>
      %dma_wait3A_73 = tpu.memref_squeeze %dma_wait3A_72 : memref<1x120x128xf32, #tpu.memory_space<hbm>> -> memref<120x128xf32, #tpu.memory_space<hbm>>
      %dma_wait3A_74 = arith.constant 0 : i32
      %dma_wait3A_75 = arith.constant 0 : i32
      %dma_wait3A_76 = tpu.memref_slice %arg10[%dma_wait3A_74, %dma_wait3A_75] : memref<128x128xf32, #tpu.memory_space<vmem>> -> memref<120x128xf32, #tpu.memory_space<vmem>>
      tpu.wait_dma2 semaphore(%run_scoped3A : memref<!tpu.dma_semaphore, #tpu.memory_space<semaphore_mem>>) src(%dma_wait3A_76 : memref<120x128xf32, #tpu.memory_space<vmem>>) dst(%dma_wait3A_73 : memref<120x128xf32, #tpu.memory_space<hbm>>)
      tpu.yield
    }) : () -> ()
    %add3A_52 = arith.constant 120 : i32
    %add3A_53 = arith.addi %add3A_51, %add3A_52 : i32
    return
  }
}

#map = affine_map<(d0, d1) -> (0)>
#map1 = affine_map<(d0, d1) -> (0, 0)>
#map2 = affine_map<(d0, d1) -> (0, 0, 0)>
module attributes {stable_mosaic.version = 14 : i64} {
  func.func @_count_body(%arg0: i32, %arg1: i32, %arg2: memref<323584xi32, #tpu.memory_space<hbm>>, %arg3: memref<128x128xf32, #tpu.memory_space<hbm>>, %arg4: memref<128x128xf32, #tpu.memory_space<hbm>>, %arg5: memref<2x10112x128xf32, #tpu.memory_space<hbm>>, %arg6: memref<10112x128xf32, #tpu.memory_space<vmem_shared>>, %arg7: memref<128xi32, #tpu.memory_space<vmem>>, %arg8: memref<128x128xf32, #tpu.memory_space<vmem>>, %arg9: memref<!tpu.dma_semaphore, #tpu.memory_space<semaphore_mem>>) attributes {dimension_semantics = [#tpu.dimension_semantics<core_parallel>, #tpu.dimension_semantics<subcore_parallel>], iteration_bounds = array<i64: 2, 16>, scalar_prefetch = 0 : i64, scratch_operands = 4 : i64, tpu.core_type = #tpu.core_type<sc_vector_subcore>, window_params = [{transform_indices = #map}, {transform_indices = #map1}, {transform_indices = #map1}, {transform_indices = #map2}]} {
    %mul3A = arith.constant 16 : i32
    %mul3A_0 = arith.muli %arg0, %mul3A : i32
    %add3A = arith.addi %mul3A_0, %arg1 : i32
    %mul3A_1 = arith.constant 632 : i32
    %mul3A_2 = arith.muli %arg1, %mul3A_1 : i32
    "tpu.region"() ({
      %run_scoped3A = tpu.sem_alloc : memref<!tpu.dma_semaphore, #tpu.memory_space<semaphore_mem>>
      tpu.enqueue_dma source(%arg3 : memref<128x128xf32, #tpu.memory_space<hbm>>) target(%arg8 : memref<128x128xf32, #tpu.memory_space<vmem>>) target_semaphore(%run_scoped3A : memref<!tpu.dma_semaphore, #tpu.memory_space<semaphore_mem>>)
      tpu.wait_dma2 semaphore(%run_scoped3A : memref<!tpu.dma_semaphore, #tpu.memory_space<semaphore_mem>>) src(%arg3 : memref<128x128xf32, #tpu.memory_space<hbm>>) dst(%arg8 : memref<128x128xf32, #tpu.memory_space<vmem>>)
      tpu.yield
    }) : () -> ()
    "tpu.region"() ({
      %run_scoped3A = tpu.sem_alloc : memref<!tpu.dma_semaphore, #tpu.memory_space<semaphore_mem>>
      %dma_start3A = arith.constant 0 : i32
      %dma_start3A_29 = arith.constant 0 : i32
      %dma_start3A_30 = tpu.memref_slice %arg8[%dma_start3A, %dma_start3A_29] : memref<128x128xf32, #tpu.memory_space<vmem>> -> memref<128x128xf32, #tpu.memory_space<vmem>>
      %dma_start3A_31 = arith.constant 0 : i32
      %dma_start3A_32 = tpu.memref_slice %arg6[%mul3A_2, %dma_start3A_31] : memref<10112x128xf32, #tpu.memory_space<vmem_shared>> -> memref<128x128xf32, #tpu.memory_space<vmem_shared>>
      %dma_start3A_33 = arith.constant 0 : i32
      %dma_start3A_34 = tpu.memref_slice %arg6[%mul3A_2, %dma_start3A_33] : memref<10112x128xf32, #tpu.memory_space<vmem_shared>> -> memref<128x128xf32, #tpu.memory_space<vmem_shared>>
      %dma_start3A_35 = arith.constant 0 : i32
      %dma_start3A_36 = arith.constant 0 : i32
      %dma_start3A_37 = tpu.memref_slice %arg8[%dma_start3A_35, %dma_start3A_36] : memref<128x128xf32, #tpu.memory_space<vmem>> -> memref<128x128xf32, #tpu.memory_space<vmem>>
      tpu.enqueue_dma source(%dma_start3A_37 : memref<128x128xf32, #tpu.memory_space<vmem>>) target(%dma_start3A_34 : memref<128x128xf32, #tpu.memory_space<vmem_shared>>) target_semaphore(%run_scoped3A : memref<!tpu.dma_semaphore, #tpu.memory_space<semaphore_mem>>)
      %dma_wait3A = arith.constant 0 : i32
      %dma_wait3A_38 = arith.constant 0 : i32
      %dma_wait3A_39 = tpu.memref_slice %arg8[%dma_wait3A, %dma_wait3A_38] : memref<128x128xf32, #tpu.memory_space<vmem>> -> memref<128x128xf32, #tpu.memory_space<vmem>>
      %dma_wait3A_40 = arith.constant 0 : i32
      %dma_wait3A_41 = tpu.memref_slice %arg6[%mul3A_2, %dma_wait3A_40] : memref<10112x128xf32, #tpu.memory_space<vmem_shared>> -> memref<128x128xf32, #tpu.memory_space<vmem_shared>>
      %dma_wait3A_42 = arith.constant 0 : i32
      %dma_wait3A_43 = tpu.memref_slice %arg6[%mul3A_2, %dma_wait3A_42] : memref<10112x128xf32, #tpu.memory_space<vmem_shared>> -> memref<128x128xf32, #tpu.memory_space<vmem_shared>>
      %dma_wait3A_44 = arith.constant 0 : i32
      %dma_wait3A_45 = arith.constant 0 : i32
      %dma_wait3A_46 = tpu.memref_slice %arg8[%dma_wait3A_44, %dma_wait3A_45] : memref<128x128xf32, #tpu.memory_space<vmem>> -> memref<128x128xf32, #tpu.memory_space<vmem>>
      tpu.wait_dma2 semaphore(%run_scoped3A : memref<!tpu.dma_semaphore, #tpu.memory_space<semaphore_mem>>) src(%dma_wait3A_46 : memref<128x128xf32, #tpu.memory_space<vmem>>) dst(%dma_wait3A_43 : memref<128x128xf32, #tpu.memory_space<vmem_shared>>)
      tpu.yield
    }) : () -> ()
    %add3A_3 = arith.constant 128 : i32
    %add3A_4 = arith.addi %mul3A_2, %add3A_3 : i32
    "tpu.region"() ({
      %run_scoped3A = tpu.sem_alloc : memref<!tpu.dma_semaphore, #tpu.memory_space<semaphore_mem>>
      %dma_start3A = arith.constant 0 : i32
      %dma_start3A_29 = arith.constant 0 : i32
      %dma_start3A_30 = tpu.memref_slice %arg8[%dma_start3A, %dma_start3A_29] : memref<128x128xf32, #tpu.memory_space<vmem>> -> memref<128x128xf32, #tpu.memory_space<vmem>>
      %dma_start3A_31 = arith.constant 0 : i32
      %dma_start3A_32 = tpu.memref_slice %arg6[%add3A_4, %dma_start3A_31] : memref<10112x128xf32, #tpu.memory_space<vmem_shared>> -> memref<128x128xf32, #tpu.memory_space<vmem_shared>>
      %dma_start3A_33 = arith.constant 0 : i32
      %dma_start3A_34 = tpu.memref_slice %arg6[%add3A_4, %dma_start3A_33] : memref<10112x128xf32, #tpu.memory_space<vmem_shared>> -> memref<128x128xf32, #tpu.memory_space<vmem_shared>>
      %dma_start3A_35 = arith.constant 0 : i32
      %dma_start3A_36 = arith.constant 0 : i32
      %dma_start3A_37 = tpu.memref_slice %arg8[%dma_start3A_35, %dma_start3A_36] : memref<128x128xf32, #tpu.memory_space<vmem>> -> memref<128x128xf32, #tpu.memory_space<vmem>>
      tpu.enqueue_dma source(%dma_start3A_37 : memref<128x128xf32, #tpu.memory_space<vmem>>) target(%dma_start3A_34 : memref<128x128xf32, #tpu.memory_space<vmem_shared>>) target_semaphore(%run_scoped3A : memref<!tpu.dma_semaphore, #tpu.memory_space<semaphore_mem>>)
      %dma_wait3A = arith.constant 0 : i32
      %dma_wait3A_38 = arith.constant 0 : i32
      %dma_wait3A_39 = tpu.memref_slice %arg8[%dma_wait3A, %dma_wait3A_38] : memref<128x128xf32, #tpu.memory_space<vmem>> -> memref<128x128xf32, #tpu.memory_space<vmem>>
      %dma_wait3A_40 = arith.constant 0 : i32
      %dma_wait3A_41 = tpu.memref_slice %arg6[%add3A_4, %dma_wait3A_40] : memref<10112x128xf32, #tpu.memory_space<vmem_shared>> -> memref<128x128xf32, #tpu.memory_space<vmem_shared>>
      %dma_wait3A_42 = arith.constant 0 : i32
      %dma_wait3A_43 = tpu.memref_slice %arg6[%add3A_4, %dma_wait3A_42] : memref<10112x128xf32, #tpu.memory_space<vmem_shared>> -> memref<128x128xf32, #tpu.memory_space<vmem_shared>>
      %dma_wait3A_44 = arith.constant 0 : i32
      %dma_wait3A_45 = arith.constant 0 : i32
      %dma_wait3A_46 = tpu.memref_slice %arg8[%dma_wait3A_44, %dma_wait3A_45] : memref<128x128xf32, #tpu.memory_space<vmem>> -> memref<128x128xf32, #tpu.memory_space<vmem>>
      tpu.wait_dma2 semaphore(%run_scoped3A : memref<!tpu.dma_semaphore, #tpu.memory_space<semaphore_mem>>) src(%dma_wait3A_46 : memref<128x128xf32, #tpu.memory_space<vmem>>) dst(%dma_wait3A_43 : memref<128x128xf32, #tpu.memory_space<vmem_shared>>)
      tpu.yield
    }) : () -> ()
    %add3A_5 = arith.constant 128 : i32
    %add3A_6 = arith.addi %add3A_4, %add3A_5 : i32
    "tpu.region"() ({
      %run_scoped3A = tpu.sem_alloc : memref<!tpu.dma_semaphore, #tpu.memory_space<semaphore_mem>>
      %dma_start3A = arith.constant 0 : i32
      %dma_start3A_29 = arith.constant 0 : i32
      %dma_start3A_30 = tpu.memref_slice %arg8[%dma_start3A, %dma_start3A_29] : memref<128x128xf32, #tpu.memory_space<vmem>> -> memref<128x128xf32, #tpu.memory_space<vmem>>
      %dma_start3A_31 = arith.constant 0 : i32
      %dma_start3A_32 = tpu.memref_slice %arg6[%add3A_6, %dma_start3A_31] : memref<10112x128xf32, #tpu.memory_space<vmem_shared>> -> memref<128x128xf32, #tpu.memory_space<vmem_shared>>
      %dma_start3A_33 = arith.constant 0 : i32
      %dma_start3A_34 = tpu.memref_slice %arg6[%add3A_6, %dma_start3A_33] : memref<10112x128xf32, #tpu.memory_space<vmem_shared>> -> memref<128x128xf32, #tpu.memory_space<vmem_shared>>
      %dma_start3A_35 = arith.constant 0 : i32
      %dma_start3A_36 = arith.constant 0 : i32
      %dma_start3A_37 = tpu.memref_slice %arg8[%dma_start3A_35, %dma_start3A_36] : memref<128x128xf32, #tpu.memory_space<vmem>> -> memref<128x128xf32, #tpu.memory_space<vmem>>
      tpu.enqueue_dma source(%dma_start3A_37 : memref<128x128xf32, #tpu.memory_space<vmem>>) target(%dma_start3A_34 : memref<128x128xf32, #tpu.memory_space<vmem_shared>>) target_semaphore(%run_scoped3A : memref<!tpu.dma_semaphore, #tpu.memory_space<semaphore_mem>>)
      %dma_wait3A = arith.constant 0 : i32
      %dma_wait3A_38 = arith.constant 0 : i32
      %dma_wait3A_39 = tpu.memref_slice %arg8[%dma_wait3A, %dma_wait3A_38] : memref<128x128xf32, #tpu.memory_space<vmem>> -> memref<128x128xf32, #tpu.memory_space<vmem>>
      %dma_wait3A_40 = arith.constant 0 : i32
      %dma_wait3A_41 = tpu.memref_slice %arg6[%add3A_6, %dma_wait3A_40] : memref<10112x128xf32, #tpu.memory_space<vmem_shared>> -> memref<128x128xf32, #tpu.memory_space<vmem_shared>>
      %dma_wait3A_42 = arith.constant 0 : i32
      %dma_wait3A_43 = tpu.memref_slice %arg6[%add3A_6, %dma_wait3A_42] : memref<10112x128xf32, #tpu.memory_space<vmem_shared>> -> memref<128x128xf32, #tpu.memory_space<vmem_shared>>
      %dma_wait3A_44 = arith.constant 0 : i32
      %dma_wait3A_45 = arith.constant 0 : i32
      %dma_wait3A_46 = tpu.memref_slice %arg8[%dma_wait3A_44, %dma_wait3A_45] : memref<128x128xf32, #tpu.memory_space<vmem>> -> memref<128x128xf32, #tpu.memory_space<vmem>>
      tpu.wait_dma2 semaphore(%run_scoped3A : memref<!tpu.dma_semaphore, #tpu.memory_space<semaphore_mem>>) src(%dma_wait3A_46 : memref<128x128xf32, #tpu.memory_space<vmem>>) dst(%dma_wait3A_43 : memref<128x128xf32, #tpu.memory_space<vmem_shared>>)
      tpu.yield
    }) : () -> ()
    %add3A_7 = arith.constant 128 : i32
    %add3A_8 = arith.addi %add3A_6, %add3A_7 : i32
    "tpu.region"() ({
      %run_scoped3A = tpu.sem_alloc : memref<!tpu.dma_semaphore, #tpu.memory_space<semaphore_mem>>
      %dma_start3A = arith.constant 0 : i32
      %dma_start3A_29 = arith.constant 0 : i32
      %dma_start3A_30 = tpu.memref_slice %arg8[%dma_start3A, %dma_start3A_29] : memref<128x128xf32, #tpu.memory_space<vmem>> -> memref<128x128xf32, #tpu.memory_space<vmem>>
      %dma_start3A_31 = arith.constant 0 : i32
      %dma_start3A_32 = tpu.memref_slice %arg6[%add3A_8, %dma_start3A_31] : memref<10112x128xf32, #tpu.memory_space<vmem_shared>> -> memref<128x128xf32, #tpu.memory_space<vmem_shared>>
      %dma_start3A_33 = arith.constant 0 : i32
      %dma_start3A_34 = tpu.memref_slice %arg6[%add3A_8, %dma_start3A_33] : memref<10112x128xf32, #tpu.memory_space<vmem_shared>> -> memref<128x128xf32, #tpu.memory_space<vmem_shared>>
      %dma_start3A_35 = arith.constant 0 : i32
      %dma_start3A_36 = arith.constant 0 : i32
      %dma_start3A_37 = tpu.memref_slice %arg8[%dma_start3A_35, %dma_start3A_36] : memref<128x128xf32, #tpu.memory_space<vmem>> -> memref<128x128xf32, #tpu.memory_space<vmem>>
      tpu.enqueue_dma source(%dma_start3A_37 : memref<128x128xf32, #tpu.memory_space<vmem>>) target(%dma_start3A_34 : memref<128x128xf32, #tpu.memory_space<vmem_shared>>) target_semaphore(%run_scoped3A : memref<!tpu.dma_semaphore, #tpu.memory_space<semaphore_mem>>)
      %dma_wait3A = arith.constant 0 : i32
      %dma_wait3A_38 = arith.constant 0 : i32
      %dma_wait3A_39 = tpu.memref_slice %arg8[%dma_wait3A, %dma_wait3A_38] : memref<128x128xf32, #tpu.memory_space<vmem>> -> memref<128x128xf32, #tpu.memory_space<vmem>>
      %dma_wait3A_40 = arith.constant 0 : i32
      %dma_wait3A_41 = tpu.memref_slice %arg6[%add3A_8, %dma_wait3A_40] : memref<10112x128xf32, #tpu.memory_space<vmem_shared>> -> memref<128x128xf32, #tpu.memory_space<vmem_shared>>
      %dma_wait3A_42 = arith.constant 0 : i32
      %dma_wait3A_43 = tpu.memref_slice %arg6[%add3A_8, %dma_wait3A_42] : memref<10112x128xf32, #tpu.memory_space<vmem_shared>> -> memref<128x128xf32, #tpu.memory_space<vmem_shared>>
      %dma_wait3A_44 = arith.constant 0 : i32
      %dma_wait3A_45 = arith.constant 0 : i32
      %dma_wait3A_46 = tpu.memref_slice %arg8[%dma_wait3A_44, %dma_wait3A_45] : memref<128x128xf32, #tpu.memory_space<vmem>> -> memref<128x128xf32, #tpu.memory_space<vmem>>
      tpu.wait_dma2 semaphore(%run_scoped3A : memref<!tpu.dma_semaphore, #tpu.memory_space<semaphore_mem>>) src(%dma_wait3A_46 : memref<128x128xf32, #tpu.memory_space<vmem>>) dst(%dma_wait3A_43 : memref<128x128xf32, #tpu.memory_space<vmem_shared>>)
      tpu.yield
    }) : () -> ()
    %add3A_9 = arith.constant 128 : i32
    %add3A_10 = arith.addi %add3A_8, %add3A_9 : i32
    "tpu.region"() ({
      %run_scoped3A = tpu.sem_alloc : memref<!tpu.dma_semaphore, #tpu.memory_space<semaphore_mem>>
      %dma_start3A = arith.constant 0 : i32
      %dma_start3A_29 = arith.constant 0 : i32
      %dma_start3A_30 = tpu.memref_slice %arg8[%dma_start3A, %dma_start3A_29] : memref<128x128xf32, #tpu.memory_space<vmem>> -> memref<120x128xf32, #tpu.memory_space<vmem>>
      %dma_start3A_31 = arith.constant 0 : i32
      %dma_start3A_32 = tpu.memref_slice %arg6[%add3A_10, %dma_start3A_31] : memref<10112x128xf32, #tpu.memory_space<vmem_shared>> -> memref<120x128xf32, #tpu.memory_space<vmem_shared>>
      %dma_start3A_33 = arith.constant 0 : i32
      %dma_start3A_34 = tpu.memref_slice %arg6[%add3A_10, %dma_start3A_33] : memref<10112x128xf32, #tpu.memory_space<vmem_shared>> -> memref<120x128xf32, #tpu.memory_space<vmem_shared>>
      %dma_start3A_35 = arith.constant 0 : i32
      %dma_start3A_36 = arith.constant 0 : i32
      %dma_start3A_37 = tpu.memref_slice %arg8[%dma_start3A_35, %dma_start3A_36] : memref<128x128xf32, #tpu.memory_space<vmem>> -> memref<120x128xf32, #tpu.memory_space<vmem>>
      tpu.enqueue_dma source(%dma_start3A_37 : memref<120x128xf32, #tpu.memory_space<vmem>>) target(%dma_start3A_34 : memref<120x128xf32, #tpu.memory_space<vmem_shared>>) target_semaphore(%run_scoped3A : memref<!tpu.dma_semaphore, #tpu.memory_space<semaphore_mem>>)
      %dma_wait3A = arith.constant 0 : i32
      %dma_wait3A_38 = arith.constant 0 : i32
      %dma_wait3A_39 = tpu.memref_slice %arg8[%dma_wait3A, %dma_wait3A_38] : memref<128x128xf32, #tpu.memory_space<vmem>> -> memref<120x128xf32, #tpu.memory_space<vmem>>
      %dma_wait3A_40 = arith.constant 0 : i32
      %dma_wait3A_41 = tpu.memref_slice %arg6[%add3A_10, %dma_wait3A_40] : memref<10112x128xf32, #tpu.memory_space<vmem_shared>> -> memref<120x128xf32, #tpu.memory_space<vmem_shared>>
      %dma_wait3A_42 = arith.constant 0 : i32
      %dma_wait3A_43 = tpu.memref_slice %arg6[%add3A_10, %dma_wait3A_42] : memref<10112x128xf32, #tpu.memory_space<vmem_shared>> -> memref<120x128xf32, #tpu.memory_space<vmem_shared>>
      %dma_wait3A_44 = arith.constant 0 : i32
      %dma_wait3A_45 = arith.constant 0 : i32
      %dma_wait3A_46 = tpu.memref_slice %arg8[%dma_wait3A_44, %dma_wait3A_45] : memref<128x128xf32, #tpu.memory_space<vmem>> -> memref<120x128xf32, #tpu.memory_space<vmem>>
      tpu.wait_dma2 semaphore(%run_scoped3A : memref<!tpu.dma_semaphore, #tpu.memory_space<semaphore_mem>>) src(%dma_wait3A_46 : memref<120x128xf32, #tpu.memory_space<vmem>>) dst(%dma_wait3A_43 : memref<120x128xf32, #tpu.memory_space<vmem_shared>>)
      tpu.yield
    }) : () -> ()
    %add3A_11 = arith.constant 120 : i32
    %add3A_12 = arith.addi %add3A_10, %add3A_11 : i32
    %barrier3A = arith.constant 0 : index
    tpu.barrier barrier_id(%barrier3A)
    "tpu.region"() ({
      %run_scoped3A = tpu.sem_alloc : memref<!tpu.dma_semaphore, #tpu.memory_space<semaphore_mem>>
      tpu.enqueue_dma source(%arg4 : memref<128x128xf32, #tpu.memory_space<hbm>>) target(%arg8 : memref<128x128xf32, #tpu.memory_space<vmem>>) target_semaphore(%run_scoped3A : memref<!tpu.dma_semaphore, #tpu.memory_space<semaphore_mem>>)
      tpu.wait_dma2 semaphore(%run_scoped3A : memref<!tpu.dma_semaphore, #tpu.memory_space<semaphore_mem>>) src(%arg4 : memref<128x128xf32, #tpu.memory_space<hbm>>) dst(%arg8 : memref<128x128xf32, #tpu.memory_space<vmem>>)
      tpu.yield
    }) : () -> ()
    %scan3A = arith.constant 0 : i32
    %scan3A_13 = arith.constant 0 : i32
    %scan3A_14 = arith.constant 79 : i32
    %scan3A_15 = arith.addi %scan3A_13, %scan3A_14 : i32
    %scan3A_16 = arith.constant 1 : i32
    scf.for %scan3A_29 = %scan3A_13 to %scan3A_15 step %scan3A_16  : i32 {
      %mul3A_30 = arith.constant 79 : i32
      %mul3A_31 = arith.muli %add3A, %mul3A_30 : i32
      %add3A_32 = arith.addi %mul3A_31, %scan3A_29 : i32
      %mul3A_33 = arith.constant 128 : i32
      %mul3A_34 = arith.muli %add3A_32, %mul3A_33 : i32
      "tpu.region"() ({
        %run_scoped3A = tpu.sem_alloc : memref<!tpu.dma_semaphore, #tpu.memory_space<semaphore_mem>>
        %dma_start3A = tpu.memref_slice %arg2[%mul3A_34] : memref<323584xi32, #tpu.memory_space<hbm>> -> memref<128xi32, #tpu.memory_space<hbm>>
        %dma_start3A_35 = tpu.memref_slice %arg2[%mul3A_34] : memref<323584xi32, #tpu.memory_space<hbm>> -> memref<128xi32, #tpu.memory_space<hbm>>
        tpu.enqueue_dma source(%dma_start3A_35 : memref<128xi32, #tpu.memory_space<hbm>>) target(%arg7 : memref<128xi32, #tpu.memory_space<vmem>>) target_semaphore(%run_scoped3A : memref<!tpu.dma_semaphore, #tpu.memory_space<semaphore_mem>>)
        %dma_wait3A = tpu.memref_slice %arg2[%mul3A_34] : memref<323584xi32, #tpu.memory_space<hbm>> -> memref<128xi32, #tpu.memory_space<hbm>>
        %dma_wait3A_36 = tpu.memref_slice %arg2[%mul3A_34] : memref<323584xi32, #tpu.memory_space<hbm>> -> memref<128xi32, #tpu.memory_space<hbm>>
        tpu.wait_dma2 semaphore(%run_scoped3A : memref<!tpu.dma_semaphore, #tpu.memory_space<semaphore_mem>>) src(%dma_wait3A_36 : memref<128xi32, #tpu.memory_space<hbm>>) dst(%arg7 : memref<128xi32, #tpu.memory_space<vmem>>)
        tpu.yield
      }) : () -> ()
      "tpu.region"() ({
        %run_scoped3A = tpu.sem_alloc : memref<!tpu.dma_semaphore, #tpu.memory_space<semaphore_mem>>
        %dma_start3A = arith.constant 0 : i32
        %dma_start3A_35 = arith.constant 0 : i32
        %dma_start3A_36 = tpu.memref_slice %arg6[%dma_start3A, %dma_start3A_35] : memref<10112x128xf32, #tpu.memory_space<vmem_shared>> -> memref<10112x128xf32, #tpu.memory_space<vmem_shared>>
        tpu.enqueue_indirect_dma source(%arg8 : memref<128x128xf32, #tpu.memory_space<vmem>>) target(%dma_start3A_36 : memref<10112x128xf32, #tpu.memory_space<vmem_shared>>) offsets(%arg7 : memref<128xi32, #tpu.memory_space<vmem>>) semaphore(%run_scoped3A : memref<!tpu.dma_semaphore, #tpu.memory_space<semaphore_mem>>) {add = true}
        %dma_wait3A = arith.constant 0 : i32
        %dma_wait3A_37 = arith.constant 0 : i32
        %dma_wait3A_38 = tpu.memref_slice %arg6[%dma_wait3A, %dma_wait3A_37] : memref<10112x128xf32, #tpu.memory_space<vmem_shared>> -> memref<10112x128xf32, #tpu.memory_space<vmem_shared>>
        tpu.wait_indirect_dma semaphore(%run_scoped3A : memref<!tpu.dma_semaphore, #tpu.memory_space<semaphore_mem>>) src(%arg8 : memref<128x128xf32, #tpu.memory_space<vmem>>) dst(%dma_wait3A_38 : memref<10112x128xf32, #tpu.memory_space<vmem_shared>>)
        tpu.yield
      }) : () -> ()
    }
    %scan3A_17 = arith.constant 79 : i32
    %barrier3A_18 = arith.constant 0 : index
    tpu.barrier barrier_id(%barrier3A_18)
    "tpu.region"() ({
      %run_scoped3A = tpu.sem_alloc : memref<!tpu.dma_semaphore, #tpu.memory_space<semaphore_mem>>
      %dma_start3A = arith.constant 0 : i32
      %dma_start3A_29 = arith.constant 0 : i32
      %dma_start3A_30 = tpu.memref_slice %arg8[%dma_start3A, %dma_start3A_29] : memref<128x128xf32, #tpu.memory_space<vmem>> -> memref<128x128xf32, #tpu.memory_space<vmem>>
      %dma_start3A_31 = arith.constant 0 : i32
      %dma_start3A_32 = tpu.memref_slice %arg6[%mul3A_2, %dma_start3A_31] : memref<10112x128xf32, #tpu.memory_space<vmem_shared>> -> memref<128x128xf32, #tpu.memory_space<vmem_shared>>
      %dma_start3A_33 = arith.constant 0 : i32
      %dma_start3A_34 = arith.constant 0 : i32
      %dma_start3A_35 = tpu.memref_slice %arg8[%dma_start3A_33, %dma_start3A_34] : memref<128x128xf32, #tpu.memory_space<vmem>> -> memref<128x128xf32, #tpu.memory_space<vmem>>
      %dma_start3A_36 = arith.constant 0 : i32
      %dma_start3A_37 = tpu.memref_slice %arg6[%mul3A_2, %dma_start3A_36] : memref<10112x128xf32, #tpu.memory_space<vmem_shared>> -> memref<128x128xf32, #tpu.memory_space<vmem_shared>>
      tpu.enqueue_dma source(%dma_start3A_37 : memref<128x128xf32, #tpu.memory_space<vmem_shared>>) target(%dma_start3A_35 : memref<128x128xf32, #tpu.memory_space<vmem>>) target_semaphore(%run_scoped3A : memref<!tpu.dma_semaphore, #tpu.memory_space<semaphore_mem>>)
      %dma_wait3A = arith.constant 0 : i32
      %dma_wait3A_38 = arith.constant 0 : i32
      %dma_wait3A_39 = tpu.memref_slice %arg8[%dma_wait3A, %dma_wait3A_38] : memref<128x128xf32, #tpu.memory_space<vmem>> -> memref<128x128xf32, #tpu.memory_space<vmem>>
      %dma_wait3A_40 = arith.constant 0 : i32
      %dma_wait3A_41 = tpu.memref_slice %arg6[%mul3A_2, %dma_wait3A_40] : memref<10112x128xf32, #tpu.memory_space<vmem_shared>> -> memref<128x128xf32, #tpu.memory_space<vmem_shared>>
      %dma_wait3A_42 = arith.constant 0 : i32
      %dma_wait3A_43 = arith.constant 0 : i32
      %dma_wait3A_44 = tpu.memref_slice %arg8[%dma_wait3A_42, %dma_wait3A_43] : memref<128x128xf32, #tpu.memory_space<vmem>> -> memref<128x128xf32, #tpu.memory_space<vmem>>
      %dma_wait3A_45 = arith.constant 0 : i32
      %dma_wait3A_46 = tpu.memref_slice %arg6[%mul3A_2, %dma_wait3A_45] : memref<10112x128xf32, #tpu.memory_space<vmem_shared>> -> memref<128x128xf32, #tpu.memory_space<vmem_shared>>
      tpu.wait_dma2 semaphore(%run_scoped3A : memref<!tpu.dma_semaphore, #tpu.memory_space<semaphore_mem>>) src(%dma_wait3A_46 : memref<128x128xf32, #tpu.memory_space<vmem_shared>>) dst(%dma_wait3A_44 : memref<128x128xf32, #tpu.memory_space<vmem>>)
      tpu.yield
    }) : () -> ()
    "tpu.region"() ({
      %run_scoped3A = tpu.sem_alloc : memref<!tpu.dma_semaphore, #tpu.memory_space<semaphore_mem>>
      %dma_start3A = arith.constant 0 : i32
      %dma_start3A_29 = arith.constant 0 : i32
      %dma_start3A_30 = tpu.memref_slice %arg8[%dma_start3A, %dma_start3A_29] : memref<128x128xf32, #tpu.memory_space<vmem>> -> memref<128x128xf32, #tpu.memory_space<vmem>>
      %dma_start3A_31 = arith.constant 0 : i32
      %dma_start3A_32 = tpu.memref_slice %arg5[%arg0, %mul3A_2, %dma_start3A_31] : memref<2x10112x128xf32, #tpu.memory_space<hbm>> -> memref<1x128x128xf32, #tpu.memory_space<hbm>>
      %dma_start3A_33 = tpu.memref_squeeze %dma_start3A_32 : memref<1x128x128xf32, #tpu.memory_space<hbm>> -> memref<128x128xf32, #tpu.memory_space<hbm>>
      %dma_start3A_34 = arith.constant 0 : i32
      %dma_start3A_35 = tpu.memref_slice %arg5[%arg0, %mul3A_2, %dma_start3A_34] : memref<2x10112x128xf32, #tpu.memory_space<hbm>> -> memref<1x128x128xf32, #tpu.memory_space<hbm>>
      %dma_start3A_36 = tpu.memref_squeeze %dma_start3A_35 : memref<1x128x128xf32, #tpu.memory_space<hbm>> -> memref<128x128xf32, #tpu.memory_space<hbm>>
      %dma_start3A_37 = arith.constant 0 : i32
      %dma_start3A_38 = arith.constant 0 : i32
      %dma_start3A_39 = tpu.memref_slice %arg8[%dma_start3A_37, %dma_start3A_38] : memref<128x128xf32, #tpu.memory_space<vmem>> -> memref<128x128xf32, #tpu.memory_space<vmem>>
      tpu.enqueue_dma source(%dma_start3A_39 : memref<128x128xf32, #tpu.memory_space<vmem>>) target(%dma_start3A_36 : memref<128x128xf32, #tpu.memory_space<hbm>>) target_semaphore(%run_scoped3A : memref<!tpu.dma_semaphore, #tpu.memory_space<semaphore_mem>>)
      %dma_wait3A = arith.constant 0 : i32
      %dma_wait3A_40 = arith.constant 0 : i32
      %dma_wait3A_41 = tpu.memref_slice %arg8[%dma_wait3A, %dma_wait3A_40] : memref<128x128xf32, #tpu.memory_space<vmem>> -> memref<128x128xf32, #tpu.memory_space<vmem>>
      %dma_wait3A_42 = arith.constant 0 : i32
      %dma_wait3A_43 = tpu.memref_slice %arg5[%arg0, %mul3A_2, %dma_wait3A_42] : memref<2x10112x128xf32, #tpu.memory_space<hbm>> -> memref<1x128x128xf32, #tpu.memory_space<hbm>>
      %dma_wait3A_44 = tpu.memref_squeeze %dma_wait3A_43 : memref<1x128x128xf32, #tpu.memory_space<hbm>> -> memref<128x128xf32, #tpu.memory_space<hbm>>
      %dma_wait3A_45 = arith.constant 0 : i32
      %dma_wait3A_46 = tpu.memref_slice %arg5[%arg0, %mul3A_2, %dma_wait3A_45] : memref<2x10112x128xf32, #tpu.memory_space<hbm>> -> memref<1x128x128xf32, #tpu.memory_space<hbm>>
      %dma_wait3A_47 = tpu.memref_squeeze %dma_wait3A_46 : memref<1x128x128xf32, #tpu.memory_space<hbm>> -> memref<128x128xf32, #tpu.memory_space<hbm>>
      %dma_wait3A_48 = arith.constant 0 : i32
      %dma_wait3A_49 = arith.constant 0 : i32
      %dma_wait3A_50 = tpu.memref_slice %arg8[%dma_wait3A_48, %dma_wait3A_49] : memref<128x128xf32, #tpu.memory_space<vmem>> -> memref<128x128xf32, #tpu.memory_space<vmem>>
      tpu.wait_dma2 semaphore(%run_scoped3A : memref<!tpu.dma_semaphore, #tpu.memory_space<semaphore_mem>>) src(%dma_wait3A_50 : memref<128x128xf32, #tpu.memory_space<vmem>>) dst(%dma_wait3A_47 : memref<128x128xf32, #tpu.memory_space<hbm>>)
      tpu.yield
    }) : () -> ()
    %add3A_19 = arith.constant 128 : i32
    %add3A_20 = arith.addi %mul3A_2, %add3A_19 : i32
    "tpu.region"() ({
      %run_scoped3A = tpu.sem_alloc : memref<!tpu.dma_semaphore, #tpu.memory_space<semaphore_mem>>
      %dma_start3A = arith.constant 0 : i32
      %dma_start3A_29 = arith.constant 0 : i32
      %dma_start3A_30 = tpu.memref_slice %arg8[%dma_start3A, %dma_start3A_29] : memref<128x128xf32, #tpu.memory_space<vmem>> -> memref<128x128xf32, #tpu.memory_space<vmem>>
      %dma_start3A_31 = arith.constant 0 : i32
      %dma_start3A_32 = tpu.memref_slice %arg6[%add3A_20, %dma_start3A_31] : memref<10112x128xf32, #tpu.memory_space<vmem_shared>> -> memref<128x128xf32, #tpu.memory_space<vmem_shared>>
      %dma_start3A_33 = arith.constant 0 : i32
      %dma_start3A_34 = arith.constant 0 : i32
      %dma_start3A_35 = tpu.memref_slice %arg8[%dma_start3A_33, %dma_start3A_34] : memref<128x128xf32, #tpu.memory_space<vmem>> -> memref<128x128xf32, #tpu.memory_space<vmem>>
      %dma_start3A_36 = arith.constant 0 : i32
      %dma_start3A_37 = tpu.memref_slice %arg6[%add3A_20, %dma_start3A_36] : memref<10112x128xf32, #tpu.memory_space<vmem_shared>> -> memref<128x128xf32, #tpu.memory_space<vmem_shared>>
      tpu.enqueue_dma source(%dma_start3A_37 : memref<128x128xf32, #tpu.memory_space<vmem_shared>>) target(%dma_start3A_35 : memref<128x128xf32, #tpu.memory_space<vmem>>) target_semaphore(%run_scoped3A : memref<!tpu.dma_semaphore, #tpu.memory_space<semaphore_mem>>)
      %dma_wait3A = arith.constant 0 : i32
      %dma_wait3A_38 = arith.constant 0 : i32
      %dma_wait3A_39 = tpu.memref_slice %arg8[%dma_wait3A, %dma_wait3A_38] : memref<128x128xf32, #tpu.memory_space<vmem>> -> memref<128x128xf32, #tpu.memory_space<vmem>>
      %dma_wait3A_40 = arith.constant 0 : i32
      %dma_wait3A_41 = tpu.memref_slice %arg6[%add3A_20, %dma_wait3A_40] : memref<10112x128xf32, #tpu.memory_space<vmem_shared>> -> memref<128x128xf32, #tpu.memory_space<vmem_shared>>
      %dma_wait3A_42 = arith.constant 0 : i32
      %dma_wait3A_43 = arith.constant 0 : i32
      %dma_wait3A_44 = tpu.memref_slice %arg8[%dma_wait3A_42, %dma_wait3A_43] : memref<128x128xf32, #tpu.memory_space<vmem>> -> memref<128x128xf32, #tpu.memory_space<vmem>>
      %dma_wait3A_45 = arith.constant 0 : i32
      %dma_wait3A_46 = tpu.memref_slice %arg6[%add3A_20, %dma_wait3A_45] : memref<10112x128xf32, #tpu.memory_space<vmem_shared>> -> memref<128x128xf32, #tpu.memory_space<vmem_shared>>
      tpu.wait_dma2 semaphore(%run_scoped3A : memref<!tpu.dma_semaphore, #tpu.memory_space<semaphore_mem>>) src(%dma_wait3A_46 : memref<128x128xf32, #tpu.memory_space<vmem_shared>>) dst(%dma_wait3A_44 : memref<128x128xf32, #tpu.memory_space<vmem>>)
      tpu.yield
    }) : () -> ()
    "tpu.region"() ({
      %run_scoped3A = tpu.sem_alloc : memref<!tpu.dma_semaphore, #tpu.memory_space<semaphore_mem>>
      %dma_start3A = arith.constant 0 : i32
      %dma_start3A_29 = arith.constant 0 : i32
      %dma_start3A_30 = tpu.memref_slice %arg8[%dma_start3A, %dma_start3A_29] : memref<128x128xf32, #tpu.memory_space<vmem>> -> memref<128x128xf32, #tpu.memory_space<vmem>>
      %dma_start3A_31 = arith.constant 0 : i32
      %dma_start3A_32 = tpu.memref_slice %arg5[%arg0, %add3A_20, %dma_start3A_31] : memref<2x10112x128xf32, #tpu.memory_space<hbm>> -> memref<1x128x128xf32, #tpu.memory_space<hbm>>
      %dma_start3A_33 = tpu.memref_squeeze %dma_start3A_32 : memref<1x128x128xf32, #tpu.memory_space<hbm>> -> memref<128x128xf32, #tpu.memory_space<hbm>>
      %dma_start3A_34 = arith.constant 0 : i32
      %dma_start3A_35 = tpu.memref_slice %arg5[%arg0, %add3A_20, %dma_start3A_34] : memref<2x10112x128xf32, #tpu.memory_space<hbm>> -> memref<1x128x128xf32, #tpu.memory_space<hbm>>
      %dma_start3A_36 = tpu.memref_squeeze %dma_start3A_35 : memref<1x128x128xf32, #tpu.memory_space<hbm>> -> memref<128x128xf32, #tpu.memory_space<hbm>>
      %dma_start3A_37 = arith.constant 0 : i32
      %dma_start3A_38 = arith.constant 0 : i32
      %dma_start3A_39 = tpu.memref_slice %arg8[%dma_start3A_37, %dma_start3A_38] : memref<128x128xf32, #tpu.memory_space<vmem>> -> memref<128x128xf32, #tpu.memory_space<vmem>>
      tpu.enqueue_dma source(%dma_start3A_39 : memref<128x128xf32, #tpu.memory_space<vmem>>) target(%dma_start3A_36 : memref<128x128xf32, #tpu.memory_space<hbm>>) target_semaphore(%run_scoped3A : memref<!tpu.dma_semaphore, #tpu.memory_space<semaphore_mem>>)
      %dma_wait3A = arith.constant 0 : i32
      %dma_wait3A_40 = arith.constant 0 : i32
      %dma_wait3A_41 = tpu.memref_slice %arg8[%dma_wait3A, %dma_wait3A_40] : memref<128x128xf32, #tpu.memory_space<vmem>> -> memref<128x128xf32, #tpu.memory_space<vmem>>
      %dma_wait3A_42 = arith.constant 0 : i32
      %dma_wait3A_43 = tpu.memref_slice %arg5[%arg0, %add3A_20, %dma_wait3A_42] : memref<2x10112x128xf32, #tpu.memory_space<hbm>> -> memref<1x128x128xf32, #tpu.memory_space<hbm>>
      %dma_wait3A_44 = tpu.memref_squeeze %dma_wait3A_43 : memref<1x128x128xf32, #tpu.memory_space<hbm>> -> memref<128x128xf32, #tpu.memory_space<hbm>>
      %dma_wait3A_45 = arith.constant 0 : i32
      %dma_wait3A_46 = tpu.memref_slice %arg5[%arg0, %add3A_20, %dma_wait3A_45] : memref<2x10112x128xf32, #tpu.memory_space<hbm>> -> memref<1x128x128xf32, #tpu.memory_space<hbm>>
      %dma_wait3A_47 = tpu.memref_squeeze %dma_wait3A_46 : memref<1x128x128xf32, #tpu.memory_space<hbm>> -> memref<128x128xf32, #tpu.memory_space<hbm>>
      %dma_wait3A_48 = arith.constant 0 : i32
      %dma_wait3A_49 = arith.constant 0 : i32
      %dma_wait3A_50 = tpu.memref_slice %arg8[%dma_wait3A_48, %dma_wait3A_49] : memref<128x128xf32, #tpu.memory_space<vmem>> -> memref<128x128xf32, #tpu.memory_space<vmem>>
      tpu.wait_dma2 semaphore(%run_scoped3A : memref<!tpu.dma_semaphore, #tpu.memory_space<semaphore_mem>>) src(%dma_wait3A_50 : memref<128x128xf32, #tpu.memory_space<vmem>>) dst(%dma_wait3A_47 : memref<128x128xf32, #tpu.memory_space<hbm>>)
      tpu.yield
    }) : () -> ()
    %add3A_21 = arith.constant 128 : i32
    %add3A_22 = arith.addi %add3A_20, %add3A_21 : i32
    "tpu.region"() ({
      %run_scoped3A = tpu.sem_alloc : memref<!tpu.dma_semaphore, #tpu.memory_space<semaphore_mem>>
      %dma_start3A = arith.constant 0 : i32
      %dma_start3A_29 = arith.constant 0 : i32
      %dma_start3A_30 = tpu.memref_slice %arg8[%dma_start3A, %dma_start3A_29] : memref<128x128xf32, #tpu.memory_space<vmem>> -> memref<128x128xf32, #tpu.memory_space<vmem>>
      %dma_start3A_31 = arith.constant 0 : i32
      %dma_start3A_32 = tpu.memref_slice %arg6[%add3A_22, %dma_start3A_31] : memref<10112x128xf32, #tpu.memory_space<vmem_shared>> -> memref<128x128xf32, #tpu.memory_space<vmem_shared>>
      %dma_start3A_33 = arith.constant 0 : i32
      %dma_start3A_34 = arith.constant 0 : i32
      %dma_start3A_35 = tpu.memref_slice %arg8[%dma_start3A_33, %dma_start3A_34] : memref<128x128xf32, #tpu.memory_space<vmem>> -> memref<128x128xf32, #tpu.memory_space<vmem>>
      %dma_start3A_36 = arith.constant 0 : i32
      %dma_start3A_37 = tpu.memref_slice %arg6[%add3A_22, %dma_start3A_36] : memref<10112x128xf32, #tpu.memory_space<vmem_shared>> -> memref<128x128xf32, #tpu.memory_space<vmem_shared>>
      tpu.enqueue_dma source(%dma_start3A_37 : memref<128x128xf32, #tpu.memory_space<vmem_shared>>) target(%dma_start3A_35 : memref<128x128xf32, #tpu.memory_space<vmem>>) target_semaphore(%run_scoped3A : memref<!tpu.dma_semaphore, #tpu.memory_space<semaphore_mem>>)
      %dma_wait3A = arith.constant 0 : i32
      %dma_wait3A_38 = arith.constant 0 : i32
      %dma_wait3A_39 = tpu.memref_slice %arg8[%dma_wait3A, %dma_wait3A_38] : memref<128x128xf32, #tpu.memory_space<vmem>> -> memref<128x128xf32, #tpu.memory_space<vmem>>
      %dma_wait3A_40 = arith.constant 0 : i32
      %dma_wait3A_41 = tpu.memref_slice %arg6[%add3A_22, %dma_wait3A_40] : memref<10112x128xf32, #tpu.memory_space<vmem_shared>> -> memref<128x128xf32, #tpu.memory_space<vmem_shared>>
      %dma_wait3A_42 = arith.constant 0 : i32
      %dma_wait3A_43 = arith.constant 0 : i32
      %dma_wait3A_44 = tpu.memref_slice %arg8[%dma_wait3A_42, %dma_wait3A_43] : memref<128x128xf32, #tpu.memory_space<vmem>> -> memref<128x128xf32, #tpu.memory_space<vmem>>
      %dma_wait3A_45 = arith.constant 0 : i32
      %dma_wait3A_46 = tpu.memref_slice %arg6[%add3A_22, %dma_wait3A_45] : memref<10112x128xf32, #tpu.memory_space<vmem_shared>> -> memref<128x128xf32, #tpu.memory_space<vmem_shared>>
      tpu.wait_dma2 semaphore(%run_scoped3A : memref<!tpu.dma_semaphore, #tpu.memory_space<semaphore_mem>>) src(%dma_wait3A_46 : memref<128x128xf32, #tpu.memory_space<vmem_shared>>) dst(%dma_wait3A_44 : memref<128x128xf32, #tpu.memory_space<vmem>>)
      tpu.yield
    }) : () -> ()
    "tpu.region"() ({
      %run_scoped3A = tpu.sem_alloc : memref<!tpu.dma_semaphore, #tpu.memory_space<semaphore_mem>>
      %dma_start3A = arith.constant 0 : i32
      %dma_start3A_29 = arith.constant 0 : i32
      %dma_start3A_30 = tpu.memref_slice %arg8[%dma_start3A, %dma_start3A_29] : memref<128x128xf32, #tpu.memory_space<vmem>> -> memref<128x128xf32, #tpu.memory_space<vmem>>
      %dma_start3A_31 = arith.constant 0 : i32
      %dma_start3A_32 = tpu.memref_slice %arg5[%arg0, %add3A_22, %dma_start3A_31] : memref<2x10112x128xf32, #tpu.memory_space<hbm>> -> memref<1x128x128xf32, #tpu.memory_space<hbm>>
      %dma_start3A_33 = tpu.memref_squeeze %dma_start3A_32 : memref<1x128x128xf32, #tpu.memory_space<hbm>> -> memref<128x128xf32, #tpu.memory_space<hbm>>
      %dma_start3A_34 = arith.constant 0 : i32
      %dma_start3A_35 = tpu.memref_slice %arg5[%arg0, %add3A_22, %dma_start3A_34] : memref<2x10112x128xf32, #tpu.memory_space<hbm>> -> memref<1x128x128xf32, #tpu.memory_space<hbm>>
      %dma_start3A_36 = tpu.memref_squeeze %dma_start3A_35 : memref<1x128x128xf32, #tpu.memory_space<hbm>> -> memref<128x128xf32, #tpu.memory_space<hbm>>
      %dma_start3A_37 = arith.constant 0 : i32
      %dma_start3A_38 = arith.constant 0 : i32
      %dma_start3A_39 = tpu.memref_slice %arg8[%dma_start3A_37, %dma_start3A_38] : memref<128x128xf32, #tpu.memory_space<vmem>> -> memref<128x128xf32, #tpu.memory_space<vmem>>
      tpu.enqueue_dma source(%dma_start3A_39 : memref<128x128xf32, #tpu.memory_space<vmem>>) target(%dma_start3A_36 : memref<128x128xf32, #tpu.memory_space<hbm>>) target_semaphore(%run_scoped3A : memref<!tpu.dma_semaphore, #tpu.memory_space<semaphore_mem>>)
      %dma_wait3A = arith.constant 0 : i32
      %dma_wait3A_40 = arith.constant 0 : i32
      %dma_wait3A_41 = tpu.memref_slice %arg8[%dma_wait3A, %dma_wait3A_40] : memref<128x128xf32, #tpu.memory_space<vmem>> -> memref<128x128xf32, #tpu.memory_space<vmem>>
      %dma_wait3A_42 = arith.constant 0 : i32
      %dma_wait3A_43 = tpu.memref_slice %arg5[%arg0, %add3A_22, %dma_wait3A_42] : memref<2x10112x128xf32, #tpu.memory_space<hbm>> -> memref<1x128x128xf32, #tpu.memory_space<hbm>>
      %dma_wait3A_44 = tpu.memref_squeeze %dma_wait3A_43 : memref<1x128x128xf32, #tpu.memory_space<hbm>> -> memref<128x128xf32, #tpu.memory_space<hbm>>
      %dma_wait3A_45 = arith.constant 0 : i32
      %dma_wait3A_46 = tpu.memref_slice %arg5[%arg0, %add3A_22, %dma_wait3A_45] : memref<2x10112x128xf32, #tpu.memory_space<hbm>> -> memref<1x128x128xf32, #tpu.memory_space<hbm>>
      %dma_wait3A_47 = tpu.memref_squeeze %dma_wait3A_46 : memref<1x128x128xf32, #tpu.memory_space<hbm>> -> memref<128x128xf32, #tpu.memory_space<hbm>>
      %dma_wait3A_48 = arith.constant 0 : i32
      %dma_wait3A_49 = arith.constant 0 : i32
      %dma_wait3A_50 = tpu.memref_slice %arg8[%dma_wait3A_48, %dma_wait3A_49] : memref<128x128xf32, #tpu.memory_space<vmem>> -> memref<128x128xf32, #tpu.memory_space<vmem>>
      tpu.wait_dma2 semaphore(%run_scoped3A : memref<!tpu.dma_semaphore, #tpu.memory_space<semaphore_mem>>) src(%dma_wait3A_50 : memref<128x128xf32, #tpu.memory_space<vmem>>) dst(%dma_wait3A_47 : memref<128x128xf32, #tpu.memory_space<hbm>>)
      tpu.yield
    }) : () -> ()
    %add3A_23 = arith.constant 128 : i32
    %add3A_24 = arith.addi %add3A_22, %add3A_23 : i32
    "tpu.region"() ({
      %run_scoped3A = tpu.sem_alloc : memref<!tpu.dma_semaphore, #tpu.memory_space<semaphore_mem>>
      %dma_start3A = arith.constant 0 : i32
      %dma_start3A_29 = arith.constant 0 : i32
      %dma_start3A_30 = tpu.memref_slice %arg8[%dma_start3A, %dma_start3A_29] : memref<128x128xf32, #tpu.memory_space<vmem>> -> memref<128x128xf32, #tpu.memory_space<vmem>>
      %dma_start3A_31 = arith.constant 0 : i32
      %dma_start3A_32 = tpu.memref_slice %arg6[%add3A_24, %dma_start3A_31] : memref<10112x128xf32, #tpu.memory_space<vmem_shared>> -> memref<128x128xf32, #tpu.memory_space<vmem_shared>>
      %dma_start3A_33 = arith.constant 0 : i32
      %dma_start3A_34 = arith.constant 0 : i32
      %dma_start3A_35 = tpu.memref_slice %arg8[%dma_start3A_33, %dma_start3A_34] : memref<128x128xf32, #tpu.memory_space<vmem>> -> memref<128x128xf32, #tpu.memory_space<vmem>>
      %dma_start3A_36 = arith.constant 0 : i32
      %dma_start3A_37 = tpu.memref_slice %arg6[%add3A_24, %dma_start3A_36] : memref<10112x128xf32, #tpu.memory_space<vmem_shared>> -> memref<128x128xf32, #tpu.memory_space<vmem_shared>>
      tpu.enqueue_dma source(%dma_start3A_37 : memref<128x128xf32, #tpu.memory_space<vmem_shared>>) target(%dma_start3A_35 : memref<128x128xf32, #tpu.memory_space<vmem>>) target_semaphore(%run_scoped3A : memref<!tpu.dma_semaphore, #tpu.memory_space<semaphore_mem>>)
      %dma_wait3A = arith.constant 0 : i32
      %dma_wait3A_38 = arith.constant 0 : i32
      %dma_wait3A_39 = tpu.memref_slice %arg8[%dma_wait3A, %dma_wait3A_38] : memref<128x128xf32, #tpu.memory_space<vmem>> -> memref<128x128xf32, #tpu.memory_space<vmem>>
      %dma_wait3A_40 = arith.constant 0 : i32
      %dma_wait3A_41 = tpu.memref_slice %arg6[%add3A_24, %dma_wait3A_40] : memref<10112x128xf32, #tpu.memory_space<vmem_shared>> -> memref<128x128xf32, #tpu.memory_space<vmem_shared>>
      %dma_wait3A_42 = arith.constant 0 : i32
      %dma_wait3A_43 = arith.constant 0 : i32
      %dma_wait3A_44 = tpu.memref_slice %arg8[%dma_wait3A_42, %dma_wait3A_43] : memref<128x128xf32, #tpu.memory_space<vmem>> -> memref<128x128xf32, #tpu.memory_space<vmem>>
      %dma_wait3A_45 = arith.constant 0 : i32
      %dma_wait3A_46 = tpu.memref_slice %arg6[%add3A_24, %dma_wait3A_45] : memref<10112x128xf32, #tpu.memory_space<vmem_shared>> -> memref<128x128xf32, #tpu.memory_space<vmem_shared>>
      tpu.wait_dma2 semaphore(%run_scoped3A : memref<!tpu.dma_semaphore, #tpu.memory_space<semaphore_mem>>) src(%dma_wait3A_46 : memref<128x128xf32, #tpu.memory_space<vmem_shared>>) dst(%dma_wait3A_44 : memref<128x128xf32, #tpu.memory_space<vmem>>)
      tpu.yield
    }) : () -> ()
    "tpu.region"() ({
      %run_scoped3A = tpu.sem_alloc : memref<!tpu.dma_semaphore, #tpu.memory_space<semaphore_mem>>
      %dma_start3A = arith.constant 0 : i32
      %dma_start3A_29 = arith.constant 0 : i32
      %dma_start3A_30 = tpu.memref_slice %arg8[%dma_start3A, %dma_start3A_29] : memref<128x128xf32, #tpu.memory_space<vmem>> -> memref<128x128xf32, #tpu.memory_space<vmem>>
      %dma_start3A_31 = arith.constant 0 : i32
      %dma_start3A_32 = tpu.memref_slice %arg5[%arg0, %add3A_24, %dma_start3A_31] : memref<2x10112x128xf32, #tpu.memory_space<hbm>> -> memref<1x128x128xf32, #tpu.memory_space<hbm>>
      %dma_start3A_33 = tpu.memref_squeeze %dma_start3A_32 : memref<1x128x128xf32, #tpu.memory_space<hbm>> -> memref<128x128xf32, #tpu.memory_space<hbm>>
      %dma_start3A_34 = arith.constant 0 : i32
      %dma_start3A_35 = tpu.memref_slice %arg5[%arg0, %add3A_24, %dma_start3A_34] : memref<2x10112x128xf32, #tpu.memory_space<hbm>> -> memref<1x128x128xf32, #tpu.memory_space<hbm>>
      %dma_start3A_36 = tpu.memref_squeeze %dma_start3A_35 : memref<1x128x128xf32, #tpu.memory_space<hbm>> -> memref<128x128xf32, #tpu.memory_space<hbm>>
      %dma_start3A_37 = arith.constant 0 : i32
      %dma_start3A_38 = arith.constant 0 : i32
      %dma_start3A_39 = tpu.memref_slice %arg8[%dma_start3A_37, %dma_start3A_38] : memref<128x128xf32, #tpu.memory_space<vmem>> -> memref<128x128xf32, #tpu.memory_space<vmem>>
      tpu.enqueue_dma source(%dma_start3A_39 : memref<128x128xf32, #tpu.memory_space<vmem>>) target(%dma_start3A_36 : memref<128x128xf32, #tpu.memory_space<hbm>>) target_semaphore(%run_scoped3A : memref<!tpu.dma_semaphore, #tpu.memory_space<semaphore_mem>>)
      %dma_wait3A = arith.constant 0 : i32
      %dma_wait3A_40 = arith.constant 0 : i32
      %dma_wait3A_41 = tpu.memref_slice %arg8[%dma_wait3A, %dma_wait3A_40] : memref<128x128xf32, #tpu.memory_space<vmem>> -> memref<128x128xf32, #tpu.memory_space<vmem>>
      %dma_wait3A_42 = arith.constant 0 : i32
      %dma_wait3A_43 = tpu.memref_slice %arg5[%arg0, %add3A_24, %dma_wait3A_42] : memref<2x10112x128xf32, #tpu.memory_space<hbm>> -> memref<1x128x128xf32, #tpu.memory_space<hbm>>
      %dma_wait3A_44 = tpu.memref_squeeze %dma_wait3A_43 : memref<1x128x128xf32, #tpu.memory_space<hbm>> -> memref<128x128xf32, #tpu.memory_space<hbm>>
      %dma_wait3A_45 = arith.constant 0 : i32
      %dma_wait3A_46 = tpu.memref_slice %arg5[%arg0, %add3A_24, %dma_wait3A_45] : memref<2x10112x128xf32, #tpu.memory_space<hbm>> -> memref<1x128x128xf32, #tpu.memory_space<hbm>>
      %dma_wait3A_47 = tpu.memref_squeeze %dma_wait3A_46 : memref<1x128x128xf32, #tpu.memory_space<hbm>> -> memref<128x128xf32, #tpu.memory_space<hbm>>
      %dma_wait3A_48 = arith.constant 0 : i32
      %dma_wait3A_49 = arith.constant 0 : i32
      %dma_wait3A_50 = tpu.memref_slice %arg8[%dma_wait3A_48, %dma_wait3A_49] : memref<128x128xf32, #tpu.memory_space<vmem>> -> memref<128x128xf32, #tpu.memory_space<vmem>>
      tpu.wait_dma2 semaphore(%run_scoped3A : memref<!tpu.dma_semaphore, #tpu.memory_space<semaphore_mem>>) src(%dma_wait3A_50 : memref<128x128xf32, #tpu.memory_space<vmem>>) dst(%dma_wait3A_47 : memref<128x128xf32, #tpu.memory_space<hbm>>)
      tpu.yield
    }) : () -> ()
    %add3A_25 = arith.constant 128 : i32
    %add3A_26 = arith.addi %add3A_24, %add3A_25 : i32
    "tpu.region"() ({
      %run_scoped3A = tpu.sem_alloc : memref<!tpu.dma_semaphore, #tpu.memory_space<semaphore_mem>>
      %dma_start3A = arith.constant 0 : i32
      %dma_start3A_29 = arith.constant 0 : i32
      %dma_start3A_30 = tpu.memref_slice %arg8[%dma_start3A, %dma_start3A_29] : memref<128x128xf32, #tpu.memory_space<vmem>> -> memref<120x128xf32, #tpu.memory_space<vmem>>
      %dma_start3A_31 = arith.constant 0 : i32
      %dma_start3A_32 = tpu.memref_slice %arg6[%add3A_26, %dma_start3A_31] : memref<10112x128xf32, #tpu.memory_space<vmem_shared>> -> memref<120x128xf32, #tpu.memory_space<vmem_shared>>
      %dma_start3A_33 = arith.constant 0 : i32
      %dma_start3A_34 = arith.constant 0 : i32
      %dma_start3A_35 = tpu.memref_slice %arg8[%dma_start3A_33, %dma_start3A_34] : memref<128x128xf32, #tpu.memory_space<vmem>> -> memref<120x128xf32, #tpu.memory_space<vmem>>
      %dma_start3A_36 = arith.constant 0 : i32
      %dma_start3A_37 = tpu.memref_slice %arg6[%add3A_26, %dma_start3A_36] : memref<10112x128xf32, #tpu.memory_space<vmem_shared>> -> memref<120x128xf32, #tpu.memory_space<vmem_shared>>
      tpu.enqueue_dma source(%dma_start3A_37 : memref<120x128xf32, #tpu.memory_space<vmem_shared>>) target(%dma_start3A_35 : memref<120x128xf32, #tpu.memory_space<vmem>>) target_semaphore(%run_scoped3A : memref<!tpu.dma_semaphore, #tpu.memory_space<semaphore_mem>>)
      %dma_wait3A = arith.constant 0 : i32
      %dma_wait3A_38 = arith.constant 0 : i32
      %dma_wait3A_39 = tpu.memref_slice %arg8[%dma_wait3A, %dma_wait3A_38] : memref<128x128xf32, #tpu.memory_space<vmem>> -> memref<120x128xf32, #tpu.memory_space<vmem>>
      %dma_wait3A_40 = arith.constant 0 : i32
      %dma_wait3A_41 = tpu.memref_slice %arg6[%add3A_26, %dma_wait3A_40] : memref<10112x128xf32, #tpu.memory_space<vmem_shared>> -> memref<120x128xf32, #tpu.memory_space<vmem_shared>>
      %dma_wait3A_42 = arith.constant 0 : i32
      %dma_wait3A_43 = arith.constant 0 : i32
      %dma_wait3A_44 = tpu.memref_slice %arg8[%dma_wait3A_42, %dma_wait3A_43] : memref<128x128xf32, #tpu.memory_space<vmem>> -> memref<120x128xf32, #tpu.memory_space<vmem>>
      %dma_wait3A_45 = arith.constant 0 : i32
      %dma_wait3A_46 = tpu.memref_slice %arg6[%add3A_26, %dma_wait3A_45] : memref<10112x128xf32, #tpu.memory_space<vmem_shared>> -> memref<120x128xf32, #tpu.memory_space<vmem_shared>>
      tpu.wait_dma2 semaphore(%run_scoped3A : memref<!tpu.dma_semaphore, #tpu.memory_space<semaphore_mem>>) src(%dma_wait3A_46 : memref<120x128xf32, #tpu.memory_space<vmem_shared>>) dst(%dma_wait3A_44 : memref<120x128xf32, #tpu.memory_space<vmem>>)
      tpu.yield
    }) : () -> ()
    "tpu.region"() ({
      %run_scoped3A = tpu.sem_alloc : memref<!tpu.dma_semaphore, #tpu.memory_space<semaphore_mem>>
      %dma_start3A = arith.constant 0 : i32
      %dma_start3A_29 = arith.constant 0 : i32
      %dma_start3A_30 = tpu.memref_slice %arg8[%dma_start3A, %dma_start3A_29] : memref<128x128xf32, #tpu.memory_space<vmem>> -> memref<120x128xf32, #tpu.memory_space<vmem>>
      %dma_start3A_31 = arith.constant 0 : i32
      %dma_start3A_32 = tpu.memref_slice %arg5[%arg0, %add3A_26, %dma_start3A_31] : memref<2x10112x128xf32, #tpu.memory_space<hbm>> -> memref<1x120x128xf32, #tpu.memory_space<hbm>>
      %dma_start3A_33 = tpu.memref_squeeze %dma_start3A_32 : memref<1x120x128xf32, #tpu.memory_space<hbm>> -> memref<120x128xf32, #tpu.memory_space<hbm>>
      %dma_start3A_34 = arith.constant 0 : i32
      %dma_start3A_35 = tpu.memref_slice %arg5[%arg0, %add3A_26, %dma_start3A_34] : memref<2x10112x128xf32, #tpu.memory_space<hbm>> -> memref<1x120x128xf32, #tpu.memory_space<hbm>>
      %dma_start3A_36 = tpu.memref_squeeze %dma_start3A_35 : memref<1x120x128xf32, #tpu.memory_space<hbm>> -> memref<120x128xf32, #tpu.memory_space<hbm>>
      %dma_start3A_37 = arith.constant 0 : i32
      %dma_start3A_38 = arith.constant 0 : i32
      %dma_start3A_39 = tpu.memref_slice %arg8[%dma_start3A_37, %dma_start3A_38] : memref<128x128xf32, #tpu.memory_space<vmem>> -> memref<120x128xf32, #tpu.memory_space<vmem>>
      tpu.enqueue_dma source(%dma_start3A_39 : memref<120x128xf32, #tpu.memory_space<vmem>>) target(%dma_start3A_36 : memref<120x128xf32, #tpu.memory_space<hbm>>) target_semaphore(%run_scoped3A : memref<!tpu.dma_semaphore, #tpu.memory_space<semaphore_mem>>)
      %dma_wait3A = arith.constant 0 : i32
      %dma_wait3A_40 = arith.constant 0 : i32
      %dma_wait3A_41 = tpu.memref_slice %arg8[%dma_wait3A, %dma_wait3A_40] : memref<128x128xf32, #tpu.memory_space<vmem>> -> memref<120x128xf32, #tpu.memory_space<vmem>>
      %dma_wait3A_42 = arith.constant 0 : i32
      %dma_wait3A_43 = tpu.memref_slice %arg5[%arg0, %add3A_26, %dma_wait3A_42] : memref<2x10112x128xf32, #tpu.memory_space<hbm>> -> memref<1x120x128xf32, #tpu.memory_space<hbm>>
      %dma_wait3A_44 = tpu.memref_squeeze %dma_wait3A_43 : memref<1x120x128xf32, #tpu.memory_space<hbm>> -> memref<120x128xf32, #tpu.memory_space<hbm>>
      %dma_wait3A_45 = arith.constant 0 : i32
      %dma_wait3A_46 = tpu.memref_slice %arg5[%arg0, %add3A_26, %dma_wait3A_45] : memref<2x10112x128xf32, #tpu.memory_space<hbm>> -> memref<1x120x128xf32, #tpu.memory_space<hbm>>
      %dma_wait3A_47 = tpu.memref_squeeze %dma_wait3A_46 : memref<1x120x128xf32, #tpu.memory_space<hbm>> -> memref<120x128xf32, #tpu.memory_space<hbm>>
      %dma_wait3A_48 = arith.constant 0 : i32
      %dma_wait3A_49 = arith.constant 0 : i32
      %dma_wait3A_50 = tpu.memref_slice %arg8[%dma_wait3A_48, %dma_wait3A_49] : memref<128x128xf32, #tpu.memory_space<vmem>> -> memref<120x128xf32, #tpu.memory_space<vmem>>
      tpu.wait_dma2 semaphore(%run_scoped3A : memref<!tpu.dma_semaphore, #tpu.memory_space<semaphore_mem>>) src(%dma_wait3A_50 : memref<120x128xf32, #tpu.memory_space<vmem>>) dst(%dma_wait3A_47 : memref<120x128xf32, #tpu.memory_space<hbm>>)
      tpu.yield
    }) : () -> ()
    %add3A_27 = arith.constant 120 : i32
    %add3A_28 = arith.addi %add3A_26, %add3A_27 : i32
    return
  }
}

#map = affine_map<(d0, d1) -> (0, 0)>
#map1 = affine_map<(d0, d1) -> (0)>
#map2 = affine_map<(d0, d1) -> (0, 0, 0)>
module attributes {stable_mosaic.version = 14 : i64} {
  func.func @_feat_body(%arg0: i32, %arg1: i32, %arg2: memref<10000x128xf32, #tpu.memory_space<hbm>>, %arg3: memref<323584xi32, #tpu.memory_space<hbm>>, %arg4: memref<323584xi32, #tpu.memory_space<hbm>>, %arg5: memref<128x128xf32, #tpu.memory_space<hbm>>, %arg6: memref<2x10112x128xf32, #tpu.memory_space<hbm>>, %arg7: memref<10112x128xf32, #tpu.memory_space<vmem_shared>>, %arg8: memref<128xi32, #tpu.memory_space<vmem>>, %arg9: memref<128xi32, #tpu.memory_space<vmem>>, %arg10: memref<128x128xf32, #tpu.memory_space<vmem>>, %arg11: memref<!tpu.dma_semaphore, #tpu.memory_space<semaphore_mem>>, %arg12: memref<128xi32, #tpu.memory_space<vmem>>, %arg13: memref<128xi32, #tpu.memory_space<vmem>>, %arg14: memref<128x128xf32, #tpu.memory_space<vmem>>, %arg15: memref<!tpu.dma_semaphore, #tpu.memory_space<semaphore_mem>>) attributes {dimension_semantics = [#tpu.dimension_semantics<core_parallel>, #tpu.dimension_semantics<subcore_parallel>], iteration_bounds = array<i64: 2, 16>, scalar_prefetch = 0 : i64, scratch_operands = 9 : i64, tpu.core_type = #tpu.core_type<sc_vector_subcore>, window_params = [{transform_indices = #map}, {transform_indices = #map1}, {transform_indices = #map1}, {transform_indices = #map}, {transform_indices = #map2}]} {
    %mul3A = arith.constant 632 : i32
    %mul3A_0 = arith.muli %arg1, %mul3A : i32
    %eq3A = arith.constant 0 : i32
    %eq3A_1 = arith.cmpi eq, %arg0, %eq3A : i32
    %mul3A_2 = arith.constant 124 : i32
    %mul3A_3 = arith.muli %arg1, %mul3A_2 : i32
    %mul3A_4 = arith.constant 34 : i32
    %mul3A_5 = arith.muli %arg1, %mul3A_4 : i32
    %add3A = arith.constant 1984 : i32
    %add3A_6 = arith.addi %add3A, %mul3A_5 : i32
    %select_n3A = arith.select %eq3A_1, %mul3A_3, %add3A_6 : i32
    %eq3A_7 = arith.constant 0 : i32
    %eq3A_8 = arith.cmpi eq, %arg0, %eq3A_7 : i32
    %jit3A = arith.constant 62 : i32
    %jit3A_9 = arith.constant 17 : i32
    %select_n3A_10 = arith.select %eq3A_8, %jit3A, %jit3A_9 : i32
    "tpu.region"() ({
      %run_scoped3A = tpu.sem_alloc : memref<!tpu.dma_semaphore, #tpu.memory_space<semaphore_mem>>
      tpu.enqueue_dma source(%arg5 : memref<128x128xf32, #tpu.memory_space<hbm>>) target(%arg10 : memref<128x128xf32, #tpu.memory_space<vmem>>) target_semaphore(%run_scoped3A : memref<!tpu.dma_semaphore, #tpu.memory_space<semaphore_mem>>)
      tpu.wait_dma2 semaphore(%run_scoped3A : memref<!tpu.dma_semaphore, #tpu.memory_space<semaphore_mem>>) src(%arg5 : memref<128x128xf32, #tpu.memory_space<hbm>>) dst(%arg10 : memref<128x128xf32, #tpu.memory_space<vmem>>)
      tpu.yield
    }) : () -> ()
    "tpu.region"() ({
      %run_scoped3A = tpu.sem_alloc : memref<!tpu.dma_semaphore, #tpu.memory_space<semaphore_mem>>
      %dma_start3A_54 = arith.constant 0 : i32
      %dma_start3A_55 = arith.constant 0 : i32
      %dma_start3A_56 = tpu.memref_slice %arg10[%dma_start3A_54, %dma_start3A_55] : memref<128x128xf32, #tpu.memory_space<vmem>> -> memref<128x128xf32, #tpu.memory_space<vmem>>
      %dma_start3A_57 = arith.constant 0 : i32
      %dma_start3A_58 = tpu.memref_slice %arg7[%mul3A_0, %dma_start3A_57] : memref<10112x128xf32, #tpu.memory_space<vmem_shared>> -> memref<128x128xf32, #tpu.memory_space<vmem_shared>>
      %dma_start3A_59 = arith.constant 0 : i32
      %dma_start3A_60 = tpu.memref_slice %arg7[%mul3A_0, %dma_start3A_59] : memref<10112x128xf32, #tpu.memory_space<vmem_shared>> -> memref<128x128xf32, #tpu.memory_space<vmem_shared>>
      %dma_start3A_61 = arith.constant 0 : i32
      %dma_start3A_62 = arith.constant 0 : i32
      %dma_start3A_63 = tpu.memref_slice %arg10[%dma_start3A_61, %dma_start3A_62] : memref<128x128xf32, #tpu.memory_space<vmem>> -> memref<128x128xf32, #tpu.memory_space<vmem>>
      tpu.enqueue_dma source(%dma_start3A_63 : memref<128x128xf32, #tpu.memory_space<vmem>>) target(%dma_start3A_60 : memref<128x128xf32, #tpu.memory_space<vmem_shared>>) target_semaphore(%run_scoped3A : memref<!tpu.dma_semaphore, #tpu.memory_space<semaphore_mem>>)
      %dma_wait3A = arith.constant 0 : i32
      %dma_wait3A_64 = arith.constant 0 : i32
      %dma_wait3A_65 = tpu.memref_slice %arg10[%dma_wait3A, %dma_wait3A_64] : memref<128x128xf32, #tpu.memory_space<vmem>> -> memref<128x128xf32, #tpu.memory_space<vmem>>
      %dma_wait3A_66 = arith.constant 0 : i32
      %dma_wait3A_67 = tpu.memref_slice %arg7[%mul3A_0, %dma_wait3A_66] : memref<10112x128xf32, #tpu.memory_space<vmem_shared>> -> memref<128x128xf32, #tpu.memory_space<vmem_shared>>
      %dma_wait3A_68 = arith.constant 0 : i32
      %dma_wait3A_69 = tpu.memref_slice %arg7[%mul3A_0, %dma_wait3A_68] : memref<10112x128xf32, #tpu.memory_space<vmem_shared>> -> memref<128x128xf32, #tpu.memory_space<vmem_shared>>
      %dma_wait3A_70 = arith.constant 0 : i32
      %dma_wait3A_71 = arith.constant 0 : i32
      %dma_wait3A_72 = tpu.memref_slice %arg10[%dma_wait3A_70, %dma_wait3A_71] : memref<128x128xf32, #tpu.memory_space<vmem>> -> memref<128x128xf32, #tpu.memory_space<vmem>>
      tpu.wait_dma2 semaphore(%run_scoped3A : memref<!tpu.dma_semaphore, #tpu.memory_space<semaphore_mem>>) src(%dma_wait3A_72 : memref<128x128xf32, #tpu.memory_space<vmem>>) dst(%dma_wait3A_69 : memref<128x128xf32, #tpu.memory_space<vmem_shared>>)
      tpu.yield
    }) : () -> ()
    %add3A_11 = arith.constant 128 : i32
    %add3A_12 = arith.addi %mul3A_0, %add3A_11 : i32
    "tpu.region"() ({
      %run_scoped3A = tpu.sem_alloc : memref<!tpu.dma_semaphore, #tpu.memory_space<semaphore_mem>>
      %dma_start3A_54 = arith.constant 0 : i32
      %dma_start3A_55 = arith.constant 0 : i32
      %dma_start3A_56 = tpu.memref_slice %arg10[%dma_start3A_54, %dma_start3A_55] : memref<128x128xf32, #tpu.memory_space<vmem>> -> memref<128x128xf32, #tpu.memory_space<vmem>>
      %dma_start3A_57 = arith.constant 0 : i32
      %dma_start3A_58 = tpu.memref_slice %arg7[%add3A_12, %dma_start3A_57] : memref<10112x128xf32, #tpu.memory_space<vmem_shared>> -> memref<128x128xf32, #tpu.memory_space<vmem_shared>>
      %dma_start3A_59 = arith.constant 0 : i32
      %dma_start3A_60 = tpu.memref_slice %arg7[%add3A_12, %dma_start3A_59] : memref<10112x128xf32, #tpu.memory_space<vmem_shared>> -> memref<128x128xf32, #tpu.memory_space<vmem_shared>>
      %dma_start3A_61 = arith.constant 0 : i32
      %dma_start3A_62 = arith.constant 0 : i32
      %dma_start3A_63 = tpu.memref_slice %arg10[%dma_start3A_61, %dma_start3A_62] : memref<128x128xf32, #tpu.memory_space<vmem>> -> memref<128x128xf32, #tpu.memory_space<vmem>>
      tpu.enqueue_dma source(%dma_start3A_63 : memref<128x128xf32, #tpu.memory_space<vmem>>) target(%dma_start3A_60 : memref<128x128xf32, #tpu.memory_space<vmem_shared>>) target_semaphore(%run_scoped3A : memref<!tpu.dma_semaphore, #tpu.memory_space<semaphore_mem>>)
      %dma_wait3A = arith.constant 0 : i32
      %dma_wait3A_64 = arith.constant 0 : i32
      %dma_wait3A_65 = tpu.memref_slice %arg10[%dma_wait3A, %dma_wait3A_64] : memref<128x128xf32, #tpu.memory_space<vmem>> -> memref<128x128xf32, #tpu.memory_space<vmem>>
      %dma_wait3A_66 = arith.constant 0 : i32
      %dma_wait3A_67 = tpu.memref_slice %arg7[%add3A_12, %dma_wait3A_66] : memref<10112x128xf32, #tpu.memory_space<vmem_shared>> -> memref<128x128xf32, #tpu.memory_space<vmem_shared>>
      %dma_wait3A_68 = arith.constant 0 : i32
      %dma_wait3A_69 = tpu.memref_slice %arg7[%add3A_12, %dma_wait3A_68] : memref<10112x128xf32, #tpu.memory_space<vmem_shared>> -> memref<128x128xf32, #tpu.memory_space<vmem_shared>>
      %dma_wait3A_70 = arith.constant 0 : i32
      %dma_wait3A_71 = arith.constant 0 : i32
      %dma_wait3A_72 = tpu.memref_slice %arg10[%dma_wait3A_70, %dma_wait3A_71] : memref<128x128xf32, #tpu.memory_space<vmem>> -> memref<128x128xf32, #tpu.memory_space<vmem>>
      tpu.wait_dma2 semaphore(%run_scoped3A : memref<!tpu.dma_semaphore, #tpu.memory_space<semaphore_mem>>) src(%dma_wait3A_72 : memref<128x128xf32, #tpu.memory_space<vmem>>) dst(%dma_wait3A_69 : memref<128x128xf32, #tpu.memory_space<vmem_shared>>)
      tpu.yield
    }) : () -> ()
    %add3A_13 = arith.constant 128 : i32
    %add3A_14 = arith.addi %add3A_12, %add3A_13 : i32
    "tpu.region"() ({
      %run_scoped3A = tpu.sem_alloc : memref<!tpu.dma_semaphore, #tpu.memory_space<semaphore_mem>>
      %dma_start3A_54 = arith.constant 0 : i32
      %dma_start3A_55 = arith.constant 0 : i32
      %dma_start3A_56 = tpu.memref_slice %arg10[%dma_start3A_54, %dma_start3A_55] : memref<128x128xf32, #tpu.memory_space<vmem>> -> memref<128x128xf32, #tpu.memory_space<vmem>>
      %dma_start3A_57 = arith.constant 0 : i32
      %dma_start3A_58 = tpu.memref_slice %arg7[%add3A_14, %dma_start3A_57] : memref<10112x128xf32, #tpu.memory_space<vmem_shared>> -> memref<128x128xf32, #tpu.memory_space<vmem_shared>>
      %dma_start3A_59 = arith.constant 0 : i32
      %dma_start3A_60 = tpu.memref_slice %arg7[%add3A_14, %dma_start3A_59] : memref<10112x128xf32, #tpu.memory_space<vmem_shared>> -> memref<128x128xf32, #tpu.memory_space<vmem_shared>>
      %dma_start3A_61 = arith.constant 0 : i32
      %dma_start3A_62 = arith.constant 0 : i32
      %dma_start3A_63 = tpu.memref_slice %arg10[%dma_start3A_61, %dma_start3A_62] : memref<128x128xf32, #tpu.memory_space<vmem>> -> memref<128x128xf32, #tpu.memory_space<vmem>>
      tpu.enqueue_dma source(%dma_start3A_63 : memref<128x128xf32, #tpu.memory_space<vmem>>) target(%dma_start3A_60 : memref<128x128xf32, #tpu.memory_space<vmem_shared>>) target_semaphore(%run_scoped3A : memref<!tpu.dma_semaphore, #tpu.memory_space<semaphore_mem>>)
      %dma_wait3A = arith.constant 0 : i32
      %dma_wait3A_64 = arith.constant 0 : i32
      %dma_wait3A_65 = tpu.memref_slice %arg10[%dma_wait3A, %dma_wait3A_64] : memref<128x128xf32, #tpu.memory_space<vmem>> -> memref<128x128xf32, #tpu.memory_space<vmem>>
      %dma_wait3A_66 = arith.constant 0 : i32
      %dma_wait3A_67 = tpu.memref_slice %arg7[%add3A_14, %dma_wait3A_66] : memref<10112x128xf32, #tpu.memory_space<vmem_shared>> -> memref<128x128xf32, #tpu.memory_space<vmem_shared>>
      %dma_wait3A_68 = arith.constant 0 : i32
      %dma_wait3A_69 = tpu.memref_slice %arg7[%add3A_14, %dma_wait3A_68] : memref<10112x128xf32, #tpu.memory_space<vmem_shared>> -> memref<128x128xf32, #tpu.memory_space<vmem_shared>>
      %dma_wait3A_70 = arith.constant 0 : i32
      %dma_wait3A_71 = arith.constant 0 : i32
      %dma_wait3A_72 = tpu.memref_slice %arg10[%dma_wait3A_70, %dma_wait3A_71] : memref<128x128xf32, #tpu.memory_space<vmem>> -> memref<128x128xf32, #tpu.memory_space<vmem>>
      tpu.wait_dma2 semaphore(%run_scoped3A : memref<!tpu.dma_semaphore, #tpu.memory_space<semaphore_mem>>) src(%dma_wait3A_72 : memref<128x128xf32, #tpu.memory_space<vmem>>) dst(%dma_wait3A_69 : memref<128x128xf32, #tpu.memory_space<vmem_shared>>)
      tpu.yield
    }) : () -> ()
    %add3A_15 = arith.constant 128 : i32
    %add3A_16 = arith.addi %add3A_14, %add3A_15 : i32
    "tpu.region"() ({
      %run_scoped3A = tpu.sem_alloc : memref<!tpu.dma_semaphore, #tpu.memory_space<semaphore_mem>>
      %dma_start3A_54 = arith.constant 0 : i32
      %dma_start3A_55 = arith.constant 0 : i32
      %dma_start3A_56 = tpu.memref_slice %arg10[%dma_start3A_54, %dma_start3A_55] : memref<128x128xf32, #tpu.memory_space<vmem>> -> memref<128x128xf32, #tpu.memory_space<vmem>>
      %dma_start3A_57 = arith.constant 0 : i32
      %dma_start3A_58 = tpu.memref_slice %arg7[%add3A_16, %dma_start3A_57] : memref<10112x128xf32, #tpu.memory_space<vmem_shared>> -> memref<128x128xf32, #tpu.memory_space<vmem_shared>>
      %dma_start3A_59 = arith.constant 0 : i32
      %dma_start3A_60 = tpu.memref_slice %arg7[%add3A_16, %dma_start3A_59] : memref<10112x128xf32, #tpu.memory_space<vmem_shared>> -> memref<128x128xf32, #tpu.memory_space<vmem_shared>>
      %dma_start3A_61 = arith.constant 0 : i32
      %dma_start3A_62 = arith.constant 0 : i32
      %dma_start3A_63 = tpu.memref_slice %arg10[%dma_start3A_61, %dma_start3A_62] : memref<128x128xf32, #tpu.memory_space<vmem>> -> memref<128x128xf32, #tpu.memory_space<vmem>>
      tpu.enqueue_dma source(%dma_start3A_63 : memref<128x128xf32, #tpu.memory_space<vmem>>) target(%dma_start3A_60 : memref<128x128xf32, #tpu.memory_space<vmem_shared>>) target_semaphore(%run_scoped3A : memref<!tpu.dma_semaphore, #tpu.memory_space<semaphore_mem>>)
      %dma_wait3A = arith.constant 0 : i32
      %dma_wait3A_64 = arith.constant 0 : i32
      %dma_wait3A_65 = tpu.memref_slice %arg10[%dma_wait3A, %dma_wait3A_64] : memref<128x128xf32, #tpu.memory_space<vmem>> -> memref<128x128xf32, #tpu.memory_space<vmem>>
      %dma_wait3A_66 = arith.constant 0 : i32
      %dma_wait3A_67 = tpu.memref_slice %arg7[%add3A_16, %dma_wait3A_66] : memref<10112x128xf32, #tpu.memory_space<vmem_shared>> -> memref<128x128xf32, #tpu.memory_space<vmem_shared>>
      %dma_wait3A_68 = arith.constant 0 : i32
      %dma_wait3A_69 = tpu.memref_slice %arg7[%add3A_16, %dma_wait3A_68] : memref<10112x128xf32, #tpu.memory_space<vmem_shared>> -> memref<128x128xf32, #tpu.memory_space<vmem_shared>>
      %dma_wait3A_70 = arith.constant 0 : i32
      %dma_wait3A_71 = arith.constant 0 : i32
      %dma_wait3A_72 = tpu.memref_slice %arg10[%dma_wait3A_70, %dma_wait3A_71] : memref<128x128xf32, #tpu.memory_space<vmem>> -> memref<128x128xf32, #tpu.memory_space<vmem>>
      tpu.wait_dma2 semaphore(%run_scoped3A : memref<!tpu.dma_semaphore, #tpu.memory_space<semaphore_mem>>) src(%dma_wait3A_72 : memref<128x128xf32, #tpu.memory_space<vmem>>) dst(%dma_wait3A_69 : memref<128x128xf32, #tpu.memory_space<vmem_shared>>)
      tpu.yield
    }) : () -> ()
    %add3A_17 = arith.constant 128 : i32
    %add3A_18 = arith.addi %add3A_16, %add3A_17 : i32
    "tpu.region"() ({
      %run_scoped3A = tpu.sem_alloc : memref<!tpu.dma_semaphore, #tpu.memory_space<semaphore_mem>>
      %dma_start3A_54 = arith.constant 0 : i32
      %dma_start3A_55 = arith.constant 0 : i32
      %dma_start3A_56 = tpu.memref_slice %arg10[%dma_start3A_54, %dma_start3A_55] : memref<128x128xf32, #tpu.memory_space<vmem>> -> memref<120x128xf32, #tpu.memory_space<vmem>>
      %dma_start3A_57 = arith.constant 0 : i32
      %dma_start3A_58 = tpu.memref_slice %arg7[%add3A_18, %dma_start3A_57] : memref<10112x128xf32, #tpu.memory_space<vmem_shared>> -> memref<120x128xf32, #tpu.memory_space<vmem_shared>>
      %dma_start3A_59 = arith.constant 0 : i32
      %dma_start3A_60 = tpu.memref_slice %arg7[%add3A_18, %dma_start3A_59] : memref<10112x128xf32, #tpu.memory_space<vmem_shared>> -> memref<120x128xf32, #tpu.memory_space<vmem_shared>>
      %dma_start3A_61 = arith.constant 0 : i32
      %dma_start3A_62 = arith.constant 0 : i32
      %dma_start3A_63 = tpu.memref_slice %arg10[%dma_start3A_61, %dma_start3A_62] : memref<128x128xf32, #tpu.memory_space<vmem>> -> memref<120x128xf32, #tpu.memory_space<vmem>>
      tpu.enqueue_dma source(%dma_start3A_63 : memref<120x128xf32, #tpu.memory_space<vmem>>) target(%dma_start3A_60 : memref<120x128xf32, #tpu.memory_space<vmem_shared>>) target_semaphore(%run_scoped3A : memref<!tpu.dma_semaphore, #tpu.memory_space<semaphore_mem>>)
      %dma_wait3A = arith.constant 0 : i32
      %dma_wait3A_64 = arith.constant 0 : i32
      %dma_wait3A_65 = tpu.memref_slice %arg10[%dma_wait3A, %dma_wait3A_64] : memref<128x128xf32, #tpu.memory_space<vmem>> -> memref<120x128xf32, #tpu.memory_space<vmem>>
      %dma_wait3A_66 = arith.constant 0 : i32
      %dma_wait3A_67 = tpu.memref_slice %arg7[%add3A_18, %dma_wait3A_66] : memref<10112x128xf32, #tpu.memory_space<vmem_shared>> -> memref<120x128xf32, #tpu.memory_space<vmem_shared>>
      %dma_wait3A_68 = arith.constant 0 : i32
      %dma_wait3A_69 = tpu.memref_slice %arg7[%add3A_18, %dma_wait3A_68] : memref<10112x128xf32, #tpu.memory_space<vmem_shared>> -> memref<120x128xf32, #tpu.memory_space<vmem_shared>>
      %dma_wait3A_70 = arith.constant 0 : i32
      %dma_wait3A_71 = arith.constant 0 : i32
      %dma_wait3A_72 = tpu.memref_slice %arg10[%dma_wait3A_70, %dma_wait3A_71] : memref<128x128xf32, #tpu.memory_space<vmem>> -> memref<120x128xf32, #tpu.memory_space<vmem>>
      tpu.wait_dma2 semaphore(%run_scoped3A : memref<!tpu.dma_semaphore, #tpu.memory_space<semaphore_mem>>) src(%dma_wait3A_72 : memref<120x128xf32, #tpu.memory_space<vmem>>) dst(%dma_wait3A_69 : memref<120x128xf32, #tpu.memory_space<vmem_shared>>)
      tpu.yield
    }) : () -> ()
    %add3A_19 = arith.constant 120 : i32
    %add3A_20 = arith.addi %add3A_18, %add3A_19 : i32
    %barrier3A = arith.constant 0 : index
    tpu.barrier barrier_id(%barrier3A)
    %add3A_21 = arith.constant 0 : i32
    %add3A_22 = arith.addi %select_n3A, %add3A_21 : i32
    %mul3A_23 = arith.constant 128 : i32
    %mul3A_24 = arith.muli %add3A_22, %mul3A_23 : i32
    "tpu.region"() ({
      %run_scoped3A = tpu.sem_alloc : memref<!tpu.dma_semaphore, #tpu.memory_space<semaphore_mem>>
      %dma_start3A_54 = tpu.memref_slice %arg3[%mul3A_24] : memref<323584xi32, #tpu.memory_space<hbm>> -> memref<128xi32, #tpu.memory_space<hbm>>
      %dma_start3A_55 = tpu.memref_slice %arg3[%mul3A_24] : memref<323584xi32, #tpu.memory_space<hbm>> -> memref<128xi32, #tpu.memory_space<hbm>>
      tpu.enqueue_dma source(%dma_start3A_55 : memref<128xi32, #tpu.memory_space<hbm>>) target(%arg8 : memref<128xi32, #tpu.memory_space<vmem>>) target_semaphore(%run_scoped3A : memref<!tpu.dma_semaphore, #tpu.memory_space<semaphore_mem>>)
      %dma_wait3A = tpu.memref_slice %arg3[%mul3A_24] : memref<323584xi32, #tpu.memory_space<hbm>> -> memref<128xi32, #tpu.memory_space<hbm>>
      %dma_wait3A_56 = tpu.memref_slice %arg3[%mul3A_24] : memref<323584xi32, #tpu.memory_space<hbm>> -> memref<128xi32, #tpu.memory_space<hbm>>
      tpu.wait_dma2 semaphore(%run_scoped3A : memref<!tpu.dma_semaphore, #tpu.memory_space<semaphore_mem>>) src(%dma_wait3A_56 : memref<128xi32, #tpu.memory_space<hbm>>) dst(%arg8 : memref<128xi32, #tpu.memory_space<vmem>>)
      tpu.yield
    }) : () -> ()
    "tpu.region"() ({
      %run_scoped3A = tpu.sem_alloc : memref<!tpu.dma_semaphore, #tpu.memory_space<semaphore_mem>>
      %dma_start3A_54 = tpu.memref_slice %arg4[%mul3A_24] : memref<323584xi32, #tpu.memory_space<hbm>> -> memref<128xi32, #tpu.memory_space<hbm>>
      %dma_start3A_55 = tpu.memref_slice %arg4[%mul3A_24] : memref<323584xi32, #tpu.memory_space<hbm>> -> memref<128xi32, #tpu.memory_space<hbm>>
      tpu.enqueue_dma source(%dma_start3A_55 : memref<128xi32, #tpu.memory_space<hbm>>) target(%arg9 : memref<128xi32, #tpu.memory_space<vmem>>) target_semaphore(%run_scoped3A : memref<!tpu.dma_semaphore, #tpu.memory_space<semaphore_mem>>)
      %dma_wait3A = tpu.memref_slice %arg4[%mul3A_24] : memref<323584xi32, #tpu.memory_space<hbm>> -> memref<128xi32, #tpu.memory_space<hbm>>
      %dma_wait3A_56 = tpu.memref_slice %arg4[%mul3A_24] : memref<323584xi32, #tpu.memory_space<hbm>> -> memref<128xi32, #tpu.memory_space<hbm>>
      tpu.wait_dma2 semaphore(%run_scoped3A : memref<!tpu.dma_semaphore, #tpu.memory_space<semaphore_mem>>) src(%dma_wait3A_56 : memref<128xi32, #tpu.memory_space<hbm>>) dst(%arg9 : memref<128xi32, #tpu.memory_space<vmem>>)
      tpu.yield
    }) : () -> ()
    %dma_start3A = arith.constant 0 : i32
    %dma_start3A_25 = arith.constant 0 : i32
    %dma_start3A_26 = tpu.memref_slice %arg2[%dma_start3A, %dma_start3A_25] : memref<10000x128xf32, #tpu.memory_space<hbm>> -> memref<10000x128xf32, #tpu.memory_space<hbm>>
    tpu.enqueue_indirect_dma source(%dma_start3A_26 : memref<10000x128xf32, #tpu.memory_space<hbm>>) target(%arg10 : memref<128x128xf32, #tpu.memory_space<vmem>>) offsets(%arg8 : memref<128xi32, #tpu.memory_space<vmem>>) semaphore(%arg11 : memref<!tpu.dma_semaphore, #tpu.memory_space<semaphore_mem>>)
    %add3A_27 = arith.constant 1 : i32
    %add3A_28 = arith.addi %select_n3A, %add3A_27 : i32
    %mul3A_29 = arith.constant 128 : i32
    %mul3A_30 = arith.muli %add3A_28, %mul3A_29 : i32
    "tpu.region"() ({
      %run_scoped3A = tpu.sem_alloc : memref<!tpu.dma_semaphore, #tpu.memory_space<semaphore_mem>>
      %dma_start3A_54 = tpu.memref_slice %arg3[%mul3A_30] : memref<323584xi32, #tpu.memory_space<hbm>> -> memref<128xi32, #tpu.memory_space<hbm>>
      %dma_start3A_55 = tpu.memref_slice %arg3[%mul3A_30] : memref<323584xi32, #tpu.memory_space<hbm>> -> memref<128xi32, #tpu.memory_space<hbm>>
      tpu.enqueue_dma source(%dma_start3A_55 : memref<128xi32, #tpu.memory_space<hbm>>) target(%arg12 : memref<128xi32, #tpu.memory_space<vmem>>) target_semaphore(%run_scoped3A : memref<!tpu.dma_semaphore, #tpu.memory_space<semaphore_mem>>)
      %dma_wait3A = tpu.memref_slice %arg3[%mul3A_30] : memref<323584xi32, #tpu.memory_space<hbm>> -> memref<128xi32, #tpu.memory_space<hbm>>
      %dma_wait3A_56 = tpu.memref_slice %arg3[%mul3A_30] : memref<323584xi32, #tpu.memory_space<hbm>> -> memref<128xi32, #tpu.memory_space<hbm>>
      tpu.wait_dma2 semaphore(%run_scoped3A : memref<!tpu.dma_semaphore, #tpu.memory_space<semaphore_mem>>) src(%dma_wait3A_56 : memref<128xi32, #tpu.memory_space<hbm>>) dst(%arg12 : memref<128xi32, #tpu.memory_space<vmem>>)
      tpu.yield
    }) : () -> ()
    "tpu.region"() ({
      %run_scoped3A = tpu.sem_alloc : memref<!tpu.dma_semaphore, #tpu.memory_space<semaphore_mem>>
      %dma_start3A_54 = tpu.memref_slice %arg4[%mul3A_30] : memref<323584xi32, #tpu.memory_space<hbm>> -> memref<128xi32, #tpu.memory_space<hbm>>
      %dma_start3A_55 = tpu.memref_slice %arg4[%mul3A_30] : memref<323584xi32, #tpu.memory_space<hbm>> -> memref<128xi32, #tpu.memory_space<hbm>>
      tpu.enqueue_dma source(%dma_start3A_55 : memref<128xi32, #tpu.memory_space<hbm>>) target(%arg13 : memref<128xi32, #tpu.memory_space<vmem>>) target_semaphore(%run_scoped3A : memref<!tpu.dma_semaphore, #tpu.memory_space<semaphore_mem>>)
      %dma_wait3A = tpu.memref_slice %arg4[%mul3A_30] : memref<323584xi32, #tpu.memory_space<hbm>> -> memref<128xi32, #tpu.memory_space<hbm>>
      %dma_wait3A_56 = tpu.memref_slice %arg4[%mul3A_30] : memref<323584xi32, #tpu.memory_space<hbm>> -> memref<128xi32, #tpu.memory_space<hbm>>
      tpu.wait_dma2 semaphore(%run_scoped3A : memref<!tpu.dma_semaphore, #tpu.memory_space<semaphore_mem>>) src(%dma_wait3A_56 : memref<128xi32, #tpu.memory_space<hbm>>) dst(%arg13 : memref<128xi32, #tpu.memory_space<vmem>>)
      tpu.yield
    }) : () -> ()
    %dma_start3A_31 = arith.constant 0 : i32
    %dma_start3A_32 = arith.constant 0 : i32
    %dma_start3A_33 = tpu.memref_slice %arg2[%dma_start3A_31, %dma_start3A_32] : memref<10000x128xf32, #tpu.memory_space<hbm>> -> memref<10000x128xf32, #tpu.memory_space<hbm>>
    tpu.enqueue_indirect_dma source(%dma_start3A_33 : memref<10000x128xf32, #tpu.memory_space<hbm>>) target(%arg14 : memref<128x128xf32, #tpu.memory_space<vmem>>) offsets(%arg12 : memref<128xi32, #tpu.memory_space<vmem>>) semaphore(%arg15 : memref<!tpu.dma_semaphore, #tpu.memory_space<semaphore_mem>>)
    %while3A = arith.constant 0 : i32
    %while3A_34 = arith.constant 0 : i32
    %while3A_35 = arith.subi %select_n3A_10, %while3A_34 : i32
    %while3A_36 = arith.addi %while3A_34, %while3A_35 : i32
    %while3A_37 = arith.constant 1 : i32
    %while3A_38 = arith.divsi %while3A_35, %while3A_37 : i32
    %while3A_39 = arith.muli %while3A_38, %while3A_37 : i32
    %while3A_40 = arith.addi %while3A_34, %while3A_39 : i32
    %while3A_41 = arith.constant 1 : i32
    scf.for %while3A_54 = %while3A_34 to %while3A_40 step %while3A_41  : i32 {
      %dma_wait3A = arith.constant 0 : i32
      %dma_wait3A_55 = arith.constant 0 : i32
      %dma_wait3A_56 = tpu.memref_slice %arg2[%dma_wait3A, %dma_wait3A_55] : memref<10000x128xf32, #tpu.memory_space<hbm>> -> memref<10000x128xf32, #tpu.memory_space<hbm>>
      tpu.wait_indirect_dma semaphore(%arg11 : memref<!tpu.dma_semaphore, #tpu.memory_space<semaphore_mem>>) src(%dma_wait3A_56 : memref<10000x128xf32, #tpu.memory_space<hbm>>) dst(%arg10 : memref<128x128xf32, #tpu.memory_space<vmem>>)
      "tpu.region"() ({
        %run_scoped3A = tpu.sem_alloc : memref<!tpu.dma_semaphore, #tpu.memory_space<semaphore_mem>>
        %dma_start3A_68 = arith.constant 0 : i32
        %dma_start3A_69 = arith.constant 0 : i32
        %dma_start3A_70 = tpu.memref_slice %arg7[%dma_start3A_68, %dma_start3A_69] : memref<10112x128xf32, #tpu.memory_space<vmem_shared>> -> memref<10112x128xf32, #tpu.memory_space<vmem_shared>>
        tpu.enqueue_indirect_dma source(%arg10 : memref<128x128xf32, #tpu.memory_space<vmem>>) target(%dma_start3A_70 : memref<10112x128xf32, #tpu.memory_space<vmem_shared>>) offsets(%arg9 : memref<128xi32, #tpu.memory_space<vmem>>) semaphore(%run_scoped3A : memref<!tpu.dma_semaphore, #tpu.memory_space<semaphore_mem>>) {add = true}
        %dma_wait3A_71 = arith.constant 0 : i32
        %dma_wait3A_72 = arith.constant 0 : i32
        %dma_wait3A_73 = tpu.memref_slice %arg7[%dma_wait3A_71, %dma_wait3A_72] : memref<10112x128xf32, #tpu.memory_space<vmem_shared>> -> memref<10112x128xf32, #tpu.memory_space<vmem_shared>>
        tpu.wait_indirect_dma semaphore(%run_scoped3A : memref<!tpu.dma_semaphore, #tpu.memory_space<semaphore_mem>>) src(%arg10 : memref<128x128xf32, #tpu.memory_space<vmem>>) dst(%dma_wait3A_73 : memref<10112x128xf32, #tpu.memory_space<vmem_shared>>)
        tpu.yield
      }) : () -> ()
      %sub3A = arith.constant 1 : i32
      %sub3A_57 = arith.subi %select_n3A_10, %sub3A : i32
      %lt3A = arith.cmpi slt, %while3A_54, %sub3A_57 : i32
      %convert_element_type3A = arith.extui %lt3A : i1 to i32
      %cond3A = arith.constant 0 : i32
      %cond3A_58 = arith.cmpi ne, %convert_element_type3A, %cond3A : i32
      scf.if %cond3A_58 {
        %mul3A_68 = arith.constant 2 : i32
        %mul3A_69 = arith.muli %mul3A_68, %while3A_54 : i32
        %add3A_70 = arith.constant 2 : i32
        %add3A_71 = arith.addi %mul3A_69, %add3A_70 : i32
        %add3A_72 = arith.addi %select_n3A, %add3A_71 : i32
        %mul3A_73 = arith.constant 128 : i32
        %mul3A_74 = arith.muli %add3A_72, %mul3A_73 : i32
        "tpu.region"() ({
          %run_scoped3A = tpu.sem_alloc : memref<!tpu.dma_semaphore, #tpu.memory_space<semaphore_mem>>
          %dma_start3A_78 = tpu.memref_slice %arg3[%mul3A_74] : memref<323584xi32, #tpu.memory_space<hbm>> -> memref<128xi32, #tpu.memory_space<hbm>>
          %dma_start3A_79 = tpu.memref_slice %arg3[%mul3A_74] : memref<323584xi32, #tpu.memory_space<hbm>> -> memref<128xi32, #tpu.memory_space<hbm>>
          tpu.enqueue_dma source(%dma_start3A_79 : memref<128xi32, #tpu.memory_space<hbm>>) target(%arg8 : memref<128xi32, #tpu.memory_space<vmem>>) target_semaphore(%run_scoped3A : memref<!tpu.dma_semaphore, #tpu.memory_space<semaphore_mem>>)
          %dma_wait3A_80 = tpu.memref_slice %arg3[%mul3A_74] : memref<323584xi32, #tpu.memory_space<hbm>> -> memref<128xi32, #tpu.memory_space<hbm>>
          %dma_wait3A_81 = tpu.memref_slice %arg3[%mul3A_74] : memref<323584xi32, #tpu.memory_space<hbm>> -> memref<128xi32, #tpu.memory_space<hbm>>
          tpu.wait_dma2 semaphore(%run_scoped3A : memref<!tpu.dma_semaphore, #tpu.memory_space<semaphore_mem>>) src(%dma_wait3A_81 : memref<128xi32, #tpu.memory_space<hbm>>) dst(%arg8 : memref<128xi32, #tpu.memory_space<vmem>>)
          tpu.yield
        }) : () -> ()
        "tpu.region"() ({
          %run_scoped3A = tpu.sem_alloc : memref<!tpu.dma_semaphore, #tpu.memory_space<semaphore_mem>>
          %dma_start3A_78 = tpu.memref_slice %arg4[%mul3A_74] : memref<323584xi32, #tpu.memory_space<hbm>> -> memref<128xi32, #tpu.memory_space<hbm>>
          %dma_start3A_79 = tpu.memref_slice %arg4[%mul3A_74] : memref<323584xi32, #tpu.memory_space<hbm>> -> memref<128xi32, #tpu.memory_space<hbm>>
          tpu.enqueue_dma source(%dma_start3A_79 : memref<128xi32, #tpu.memory_space<hbm>>) target(%arg9 : memref<128xi32, #tpu.memory_space<vmem>>) target_semaphore(%run_scoped3A : memref<!tpu.dma_semaphore, #tpu.memory_space<semaphore_mem>>)
          %dma_wait3A_80 = tpu.memref_slice %arg4[%mul3A_74] : memref<323584xi32, #tpu.memory_space<hbm>> -> memref<128xi32, #tpu.memory_space<hbm>>
          %dma_wait3A_81 = tpu.memref_slice %arg4[%mul3A_74] : memref<323584xi32, #tpu.memory_space<hbm>> -> memref<128xi32, #tpu.memory_space<hbm>>
          tpu.wait_dma2 semaphore(%run_scoped3A : memref<!tpu.dma_semaphore, #tpu.memory_space<semaphore_mem>>) src(%dma_wait3A_81 : memref<128xi32, #tpu.memory_space<hbm>>) dst(%arg9 : memref<128xi32, #tpu.memory_space<vmem>>)
          tpu.yield
        }) : () -> ()
        %dma_start3A_75 = arith.constant 0 : i32
        %dma_start3A_76 = arith.constant 0 : i32
        %dma_start3A_77 = tpu.memref_slice %arg2[%dma_start3A_75, %dma_start3A_76] : memref<10000x128xf32, #tpu.memory_space<hbm>> -> memref<10000x128xf32, #tpu.memory_space<hbm>>
        tpu.enqueue_indirect_dma source(%dma_start3A_77 : memref<10000x128xf32, #tpu.memory_space<hbm>>) target(%arg10 : memref<128x128xf32, #tpu.memory_space<vmem>>) offsets(%arg8 : memref<128xi32, #tpu.memory_space<vmem>>) semaphore(%arg11 : memref<!tpu.dma_semaphore, #tpu.memory_space<semaphore_mem>>)
      } else {
      }
      %dma_wait3A_59 = arith.constant 0 : i32
      %dma_wait3A_60 = arith.constant 0 : i32
      %dma_wait3A_61 = tpu.memref_slice %arg2[%dma_wait3A_59, %dma_wait3A_60] : memref<10000x128xf32, #tpu.memory_space<hbm>> -> memref<10000x128xf32, #tpu.memory_space<hbm>>
      tpu.wait_indirect_dma semaphore(%arg15 : memref<!tpu.dma_semaphore, #tpu.memory_space<semaphore_mem>>) src(%dma_wait3A_61 : memref<10000x128xf32, #tpu.memory_space<hbm>>) dst(%arg14 : memref<128x128xf32, #tpu.memory_space<vmem>>)
      "tpu.region"() ({
        %run_scoped3A = tpu.sem_alloc : memref<!tpu.dma_semaphore, #tpu.memory_space<semaphore_mem>>
        %dma_start3A_68 = arith.constant 0 : i32
        %dma_start3A_69 = arith.constant 0 : i32
        %dma_start3A_70 = tpu.memref_slice %arg7[%dma_start3A_68, %dma_start3A_69] : memref<10112x128xf32, #tpu.memory_space<vmem_shared>> -> memref<10112x128xf32, #tpu.memory_space<vmem_shared>>
        tpu.enqueue_indirect_dma source(%arg14 : memref<128x128xf32, #tpu.memory_space<vmem>>) target(%dma_start3A_70 : memref<10112x128xf32, #tpu.memory_space<vmem_shared>>) offsets(%arg13 : memref<128xi32, #tpu.memory_space<vmem>>) semaphore(%run_scoped3A : memref<!tpu.dma_semaphore, #tpu.memory_space<semaphore_mem>>) {add = true}
        %dma_wait3A_71 = arith.constant 0 : i32
        %dma_wait3A_72 = arith.constant 0 : i32
        %dma_wait3A_73 = tpu.memref_slice %arg7[%dma_wait3A_71, %dma_wait3A_72] : memref<10112x128xf32, #tpu.memory_space<vmem_shared>> -> memref<10112x128xf32, #tpu.memory_space<vmem_shared>>
        tpu.wait_indirect_dma semaphore(%run_scoped3A : memref<!tpu.dma_semaphore, #tpu.memory_space<semaphore_mem>>) src(%arg14 : memref<128x128xf32, #tpu.memory_space<vmem>>) dst(%dma_wait3A_73 : memref<10112x128xf32, #tpu.memory_space<vmem_shared>>)
        tpu.yield
      }) : () -> ()
      %sub3A_62 = arith.constant 1 : i32
      %sub3A_63 = arith.subi %select_n3A_10, %sub3A_62 : i32
      %lt3A_64 = arith.cmpi slt, %while3A_54, %sub3A_63 : i32
      %convert_element_type3A_65 = arith.extui %lt3A_64 : i1 to i32
      %cond3A_66 = arith.constant 0 : i32
      %cond3A_67 = arith.cmpi ne, %convert_element_type3A_65, %cond3A_66 : i32
      scf.if %cond3A_67 {
        %mul3A_68 = arith.constant 2 : i32
        %mul3A_69 = arith.muli %mul3A_68, %while3A_54 : i32
        %add3A_70 = arith.constant 3 : i32
        %add3A_71 = arith.addi %mul3A_69, %add3A_70 : i32
        %add3A_72 = arith.addi %select_n3A, %add3A_71 : i32
        %mul3A_73 = arith.constant 128 : i32
        %mul3A_74 = arith.muli %add3A_72, %mul3A_73 : i32
        "tpu.region"() ({
          %run_scoped3A = tpu.sem_alloc : memref<!tpu.dma_semaphore, #tpu.memory_space<semaphore_mem>>
          %dma_start3A_78 = tpu.memref_slice %arg3[%mul3A_74] : memref<323584xi32, #tpu.memory_space<hbm>> -> memref<128xi32, #tpu.memory_space<hbm>>
          %dma_start3A_79 = tpu.memref_slice %arg3[%mul3A_74] : memref<323584xi32, #tpu.memory_space<hbm>> -> memref<128xi32, #tpu.memory_space<hbm>>
          tpu.enqueue_dma source(%dma_start3A_79 : memref<128xi32, #tpu.memory_space<hbm>>) target(%arg12 : memref<128xi32, #tpu.memory_space<vmem>>) target_semaphore(%run_scoped3A : memref<!tpu.dma_semaphore, #tpu.memory_space<semaphore_mem>>)
          %dma_wait3A_80 = tpu.memref_slice %arg3[%mul3A_74] : memref<323584xi32, #tpu.memory_space<hbm>> -> memref<128xi32, #tpu.memory_space<hbm>>
          %dma_wait3A_81 = tpu.memref_slice %arg3[%mul3A_74] : memref<323584xi32, #tpu.memory_space<hbm>> -> memref<128xi32, #tpu.memory_space<hbm>>
          tpu.wait_dma2 semaphore(%run_scoped3A : memref<!tpu.dma_semaphore, #tpu.memory_space<semaphore_mem>>) src(%dma_wait3A_81 : memref<128xi32, #tpu.memory_space<hbm>>) dst(%arg12 : memref<128xi32, #tpu.memory_space<vmem>>)
          tpu.yield
        }) : () -> ()
        "tpu.region"() ({
          %run_scoped3A = tpu.sem_alloc : memref<!tpu.dma_semaphore, #tpu.memory_space<semaphore_mem>>
          %dma_start3A_78 = tpu.memref_slice %arg4[%mul3A_74] : memref<323584xi32, #tpu.memory_space<hbm>> -> memref<128xi32, #tpu.memory_space<hbm>>
          %dma_start3A_79 = tpu.memref_slice %arg4[%mul3A_74] : memref<323584xi32, #tpu.memory_space<hbm>> -> memref<128xi32, #tpu.memory_space<hbm>>
          tpu.enqueue_dma source(%dma_start3A_79 : memref<128xi32, #tpu.memory_space<hbm>>) target(%arg13 : memref<128xi32, #tpu.memory_space<vmem>>) target_semaphore(%run_scoped3A : memref<!tpu.dma_semaphore, #tpu.memory_space<semaphore_mem>>)
          %dma_wait3A_80 = tpu.memref_slice %arg4[%mul3A_74] : memref<323584xi32, #tpu.memory_space<hbm>> -> memref<128xi32, #tpu.memory_space<hbm>>
          %dma_wait3A_81 = tpu.memref_slice %arg4[%mul3A_74] : memref<323584xi32, #tpu.memory_space<hbm>> -> memref<128xi32, #tpu.memory_space<hbm>>
          tpu.wait_dma2 semaphore(%run_scoped3A : memref<!tpu.dma_semaphore, #tpu.memory_space<semaphore_mem>>) src(%dma_wait3A_81 : memref<128xi32, #tpu.memory_space<hbm>>) dst(%arg13 : memref<128xi32, #tpu.memory_space<vmem>>)
          tpu.yield
        }) : () -> ()
        %dma_start3A_75 = arith.constant 0 : i32
        %dma_start3A_76 = arith.constant 0 : i32
        %dma_start3A_77 = tpu.memref_slice %arg2[%dma_start3A_75, %dma_start3A_76] : memref<10000x128xf32, #tpu.memory_space<hbm>> -> memref<10000x128xf32, #tpu.memory_space<hbm>>
        tpu.enqueue_indirect_dma source(%dma_start3A_77 : memref<10000x128xf32, #tpu.memory_space<hbm>>) target(%arg14 : memref<128x128xf32, #tpu.memory_space<vmem>>) offsets(%arg12 : memref<128xi32, #tpu.memory_space<vmem>>) semaphore(%arg15 : memref<!tpu.dma_semaphore, #tpu.memory_space<semaphore_mem>>)
      } else {
      }
    }
    %while3A_42 = arith.constant 1 : i32
    scf.for %while3A_54 = %while3A_40 to %while3A_36 step %while3A_42  : i32 {
      %dma_wait3A = arith.constant 0 : i32
      %dma_wait3A_55 = arith.constant 0 : i32
      %dma_wait3A_56 = tpu.memref_slice %arg2[%dma_wait3A, %dma_wait3A_55] : memref<10000x128xf32, #tpu.memory_space<hbm>> -> memref<10000x128xf32, #tpu.memory_space<hbm>>
      tpu.wait_indirect_dma semaphore(%arg11 : memref<!tpu.dma_semaphore, #tpu.memory_space<semaphore_mem>>) src(%dma_wait3A_56 : memref<10000x128xf32, #tpu.memory_space<hbm>>) dst(%arg10 : memref<128x128xf32, #tpu.memory_space<vmem>>)
      "tpu.region"() ({
        %run_scoped3A = tpu.sem_alloc : memref<!tpu.dma_semaphore, #tpu.memory_space<semaphore_mem>>
        %dma_start3A_68 = arith.constant 0 : i32
        %dma_start3A_69 = arith.constant 0 : i32
        %dma_start3A_70 = tpu.memref_slice %arg7[%dma_start3A_68, %dma_start3A_69] : memref<10112x128xf32, #tpu.memory_space<vmem_shared>> -> memref<10112x128xf32, #tpu.memory_space<vmem_shared>>
        tpu.enqueue_indirect_dma source(%arg10 : memref<128x128xf32, #tpu.memory_space<vmem>>) target(%dma_start3A_70 : memref<10112x128xf32, #tpu.memory_space<vmem_shared>>) offsets(%arg9 : memref<128xi32, #tpu.memory_space<vmem>>) semaphore(%run_scoped3A : memref<!tpu.dma_semaphore, #tpu.memory_space<semaphore_mem>>) {add = true}
        %dma_wait3A_71 = arith.constant 0 : i32
        %dma_wait3A_72 = arith.constant 0 : i32
        %dma_wait3A_73 = tpu.memref_slice %arg7[%dma_wait3A_71, %dma_wait3A_72] : memref<10112x128xf32, #tpu.memory_space<vmem_shared>> -> memref<10112x128xf32, #tpu.memory_space<vmem_shared>>
        tpu.wait_indirect_dma semaphore(%run_scoped3A : memref<!tpu.dma_semaphore, #tpu.memory_space<semaphore_mem>>) src(%arg10 : memref<128x128xf32, #tpu.memory_space<vmem>>) dst(%dma_wait3A_73 : memref<10112x128xf32, #tpu.memory_space<vmem_shared>>)
        tpu.yield
      }) : () -> ()
      %sub3A = arith.constant 1 : i32
      %sub3A_57 = arith.subi %select_n3A_10, %sub3A : i32
      %lt3A = arith.cmpi slt, %while3A_54, %sub3A_57 : i32
      %convert_element_type3A = arith.extui %lt3A : i1 to i32
      %cond3A = arith.constant 0 : i32
      %cond3A_58 = arith.cmpi ne, %convert_element_type3A, %cond3A : i32
      scf.if %cond3A_58 {
        %mul3A_68 = arith.constant 2 : i32
        %mul3A_69 = arith.muli %mul3A_68, %while3A_54 : i32
        %add3A_70 = arith.constant 2 : i32
        %add3A_71 = arith.addi %mul3A_69, %add3A_70 : i32
        %add3A_72 = arith.addi %select_n3A, %add3A_71 : i32
        %mul3A_73 = arith.constant 128 : i32
        %mul3A_74 = arith.muli %add3A_72, %mul3A_73 : i32
        "tpu.region"() ({
          %run_scoped3A = tpu.sem_alloc : memref<!tpu.dma_semaphore, #tpu.memory_space<semaphore_mem>>
          %dma_start3A_78 = tpu.memref_slice %arg3[%mul3A_74] : memref<323584xi32, #tpu.memory_space<hbm>> -> memref<128xi32, #tpu.memory_space<hbm>>
          %dma_start3A_79 = tpu.memref_slice %arg3[%mul3A_74] : memref<323584xi32, #tpu.memory_space<hbm>> -> memref<128xi32, #tpu.memory_space<hbm>>
          tpu.enqueue_dma source(%dma_start3A_79 : memref<128xi32, #tpu.memory_space<hbm>>) target(%arg8 : memref<128xi32, #tpu.memory_space<vmem>>) target_semaphore(%run_scoped3A : memref<!tpu.dma_semaphore, #tpu.memory_space<semaphore_mem>>)
          %dma_wait3A_80 = tpu.memref_slice %arg3[%mul3A_74] : memref<323584xi32, #tpu.memory_space<hbm>> -> memref<128xi32, #tpu.memory_space<hbm>>
          %dma_wait3A_81 = tpu.memref_slice %arg3[%mul3A_74] : memref<323584xi32, #tpu.memory_space<hbm>> -> memref<128xi32, #tpu.memory_space<hbm>>
          tpu.wait_dma2 semaphore(%run_scoped3A : memref<!tpu.dma_semaphore, #tpu.memory_space<semaphore_mem>>) src(%dma_wait3A_81 : memref<128xi32, #tpu.memory_space<hbm>>) dst(%arg8 : memref<128xi32, #tpu.memory_space<vmem>>)
          tpu.yield
        }) : () -> ()
        "tpu.region"() ({
          %run_scoped3A = tpu.sem_alloc : memref<!tpu.dma_semaphore, #tpu.memory_space<semaphore_mem>>
          %dma_start3A_78 = tpu.memref_slice %arg4[%mul3A_74] : memref<323584xi32, #tpu.memory_space<hbm>> -> memref<128xi32, #tpu.memory_space<hbm>>
          %dma_start3A_79 = tpu.memref_slice %arg4[%mul3A_74] : memref<323584xi32, #tpu.memory_space<hbm>> -> memref<128xi32, #tpu.memory_space<hbm>>
          tpu.enqueue_dma source(%dma_start3A_79 : memref<128xi32, #tpu.memory_space<hbm>>) target(%arg9 : memref<128xi32, #tpu.memory_space<vmem>>) target_semaphore(%run_scoped3A : memref<!tpu.dma_semaphore, #tpu.memory_space<semaphore_mem>>)
          %dma_wait3A_80 = tpu.memref_slice %arg4[%mul3A_74] : memref<323584xi32, #tpu.memory_space<hbm>> -> memref<128xi32, #tpu.memory_space<hbm>>
          %dma_wait3A_81 = tpu.memref_slice %arg4[%mul3A_74] : memref<323584xi32, #tpu.memory_space<hbm>> -> memref<128xi32, #tpu.memory_space<hbm>>
          tpu.wait_dma2 semaphore(%run_scoped3A : memref<!tpu.dma_semaphore, #tpu.memory_space<semaphore_mem>>) src(%dma_wait3A_81 : memref<128xi32, #tpu.memory_space<hbm>>) dst(%arg9 : memref<128xi32, #tpu.memory_space<vmem>>)
          tpu.yield
        }) : () -> ()
        %dma_start3A_75 = arith.constant 0 : i32
        %dma_start3A_76 = arith.constant 0 : i32
        %dma_start3A_77 = tpu.memref_slice %arg2[%dma_start3A_75, %dma_start3A_76] : memref<10000x128xf32, #tpu.memory_space<hbm>> -> memref<10000x128xf32, #tpu.memory_space<hbm>>
        tpu.enqueue_indirect_dma source(%dma_start3A_77 : memref<10000x128xf32, #tpu.memory_space<hbm>>) target(%arg10 : memref<128x128xf32, #tpu.memory_space<vmem>>) offsets(%arg8 : memref<128xi32, #tpu.memory_space<vmem>>) semaphore(%arg11 : memref<!tpu.dma_semaphore, #tpu.memory_space<semaphore_mem>>)
      } else {
      }
      %dma_wait3A_59 = arith.constant 0 : i32
      %dma_wait3A_60 = arith.constant 0 : i32
      %dma_wait3A_61 = tpu.memref_slice %arg2[%dma_wait3A_59, %dma_wait3A_60] : memref<10000x128xf32, #tpu.memory_space<hbm>> -> memref<10000x128xf32, #tpu.memory_space<hbm>>
      tpu.wait_indirect_dma semaphore(%arg15 : memref<!tpu.dma_semaphore, #tpu.memory_space<semaphore_mem>>) src(%dma_wait3A_61 : memref<10000x128xf32, #tpu.memory_space<hbm>>) dst(%arg14 : memref<128x128xf32, #tpu.memory_space<vmem>>)
      "tpu.region"() ({
        %run_scoped3A = tpu.sem_alloc : memref<!tpu.dma_semaphore, #tpu.memory_space<semaphore_mem>>
        %dma_start3A_68 = arith.constant 0 : i32
        %dma_start3A_69 = arith.constant 0 : i32
        %dma_start3A_70 = tpu.memref_slice %arg7[%dma_start3A_68, %dma_start3A_69] : memref<10112x128xf32, #tpu.memory_space<vmem_shared>> -> memref<10112x128xf32, #tpu.memory_space<vmem_shared>>
        tpu.enqueue_indirect_dma source(%arg14 : memref<128x128xf32, #tpu.memory_space<vmem>>) target(%dma_start3A_70 : memref<10112x128xf32, #tpu.memory_space<vmem_shared>>) offsets(%arg13 : memref<128xi32, #tpu.memory_space<vmem>>) semaphore(%run_scoped3A : memref<!tpu.dma_semaphore, #tpu.memory_space<semaphore_mem>>) {add = true}
        %dma_wait3A_71 = arith.constant 0 : i32
        %dma_wait3A_72 = arith.constant 0 : i32
        %dma_wait3A_73 = tpu.memref_slice %arg7[%dma_wait3A_71, %dma_wait3A_72] : memref<10112x128xf32, #tpu.memory_space<vmem_shared>> -> memref<10112x128xf32, #tpu.memory_space<vmem_shared>>
        tpu.wait_indirect_dma semaphore(%run_scoped3A : memref<!tpu.dma_semaphore, #tpu.memory_space<semaphore_mem>>) src(%arg14 : memref<128x128xf32, #tpu.memory_space<vmem>>) dst(%dma_wait3A_73 : memref<10112x128xf32, #tpu.memory_space<vmem_shared>>)
        tpu.yield
      }) : () -> ()
      %sub3A_62 = arith.constant 1 : i32
      %sub3A_63 = arith.subi %select_n3A_10, %sub3A_62 : i32
      %lt3A_64 = arith.cmpi slt, %while3A_54, %sub3A_63 : i32
      %convert_element_type3A_65 = arith.extui %lt3A_64 : i1 to i32
      %cond3A_66 = arith.constant 0 : i32
      %cond3A_67 = arith.cmpi ne, %convert_element_type3A_65, %cond3A_66 : i32
      scf.if %cond3A_67 {
        %mul3A_68 = arith.constant 2 : i32
        %mul3A_69 = arith.muli %mul3A_68, %while3A_54 : i32
        %add3A_70 = arith.constant 3 : i32
        %add3A_71 = arith.addi %mul3A_69, %add3A_70 : i32
        %add3A_72 = arith.addi %select_n3A, %add3A_71 : i32
        %mul3A_73 = arith.constant 128 : i32
        %mul3A_74 = arith.muli %add3A_72, %mul3A_73 : i32
        "tpu.region"() ({
          %run_scoped3A = tpu.sem_alloc : memref<!tpu.dma_semaphore, #tpu.memory_space<semaphore_mem>>
          %dma_start3A_78 = tpu.memref_slice %arg3[%mul3A_74] : memref<323584xi32, #tpu.memory_space<hbm>> -> memref<128xi32, #tpu.memory_space<hbm>>
          %dma_start3A_79 = tpu.memref_slice %arg3[%mul3A_74] : memref<323584xi32, #tpu.memory_space<hbm>> -> memref<128xi32, #tpu.memory_space<hbm>>
          tpu.enqueue_dma source(%dma_start3A_79 : memref<128xi32, #tpu.memory_space<hbm>>) target(%arg12 : memref<128xi32, #tpu.memory_space<vmem>>) target_semaphore(%run_scoped3A : memref<!tpu.dma_semaphore, #tpu.memory_space<semaphore_mem>>)
          %dma_wait3A_80 = tpu.memref_slice %arg3[%mul3A_74] : memref<323584xi32, #tpu.memory_space<hbm>> -> memref<128xi32, #tpu.memory_space<hbm>>
          %dma_wait3A_81 = tpu.memref_slice %arg3[%mul3A_74] : memref<323584xi32, #tpu.memory_space<hbm>> -> memref<128xi32, #tpu.memory_space<hbm>>
          tpu.wait_dma2 semaphore(%run_scoped3A : memref<!tpu.dma_semaphore, #tpu.memory_space<semaphore_mem>>) src(%dma_wait3A_81 : memref<128xi32, #tpu.memory_space<hbm>>) dst(%arg12 : memref<128xi32, #tpu.memory_space<vmem>>)
          tpu.yield
        }) : () -> ()
        "tpu.region"() ({
          %run_scoped3A = tpu.sem_alloc : memref<!tpu.dma_semaphore, #tpu.memory_space<semaphore_mem>>
          %dma_start3A_78 = tpu.memref_slice %arg4[%mul3A_74] : memref<323584xi32, #tpu.memory_space<hbm>> -> memref<128xi32, #tpu.memory_space<hbm>>
          %dma_start3A_79 = tpu.memref_slice %arg4[%mul3A_74] : memref<323584xi32, #tpu.memory_space<hbm>> -> memref<128xi32, #tpu.memory_space<hbm>>
          tpu.enqueue_dma source(%dma_start3A_79 : memref<128xi32, #tpu.memory_space<hbm>>) target(%arg13 : memref<128xi32, #tpu.memory_space<vmem>>) target_semaphore(%run_scoped3A : memref<!tpu.dma_semaphore, #tpu.memory_space<semaphore_mem>>)
          %dma_wait3A_80 = tpu.memref_slice %arg4[%mul3A_74] : memref<323584xi32, #tpu.memory_space<hbm>> -> memref<128xi32, #tpu.memory_space<hbm>>
          %dma_wait3A_81 = tpu.memref_slice %arg4[%mul3A_74] : memref<323584xi32, #tpu.memory_space<hbm>> -> memref<128xi32, #tpu.memory_space<hbm>>
          tpu.wait_dma2 semaphore(%run_scoped3A : memref<!tpu.dma_semaphore, #tpu.memory_space<semaphore_mem>>) src(%dma_wait3A_81 : memref<128xi32, #tpu.memory_space<hbm>>) dst(%arg13 : memref<128xi32, #tpu.memory_space<vmem>>)
          tpu.yield
        }) : () -> ()
        %dma_start3A_75 = arith.constant 0 : i32
        %dma_start3A_76 = arith.constant 0 : i32
        %dma_start3A_77 = tpu.memref_slice %arg2[%dma_start3A_75, %dma_start3A_76] : memref<10000x128xf32, #tpu.memory_space<hbm>> -> memref<10000x128xf32, #tpu.memory_space<hbm>>
        tpu.enqueue_indirect_dma source(%dma_start3A_77 : memref<10000x128xf32, #tpu.memory_space<hbm>>) target(%arg14 : memref<128x128xf32, #tpu.memory_space<vmem>>) offsets(%arg12 : memref<128xi32, #tpu.memory_space<vmem>>) semaphore(%arg15 : memref<!tpu.dma_semaphore, #tpu.memory_space<semaphore_mem>>)
      } else {
      }
    }
    %barrier3A_43 = arith.constant 0 : index
    tpu.barrier barrier_id(%barrier3A_43)
    "tpu.region"() ({
      %run_scoped3A = tpu.sem_alloc : memref<!tpu.dma_semaphore, #tpu.memory_space<semaphore_mem>>
      %dma_start3A_54 = arith.constant 0 : i32
      %dma_start3A_55 = arith.constant 0 : i32
      %dma_start3A_56 = tpu.memref_slice %arg10[%dma_start3A_54, %dma_start3A_55] : memref<128x128xf32, #tpu.memory_space<vmem>> -> memref<128x128xf32, #tpu.memory_space<vmem>>
      %dma_start3A_57 = arith.constant 0 : i32
      %dma_start3A_58 = tpu.memref_slice %arg7[%mul3A_0, %dma_start3A_57] : memref<10112x128xf32, #tpu.memory_space<vmem_shared>> -> memref<128x128xf32, #tpu.memory_space<vmem_shared>>
      %dma_start3A_59 = arith.constant 0 : i32
      %dma_start3A_60 = arith.constant 0 : i32
      %dma_start3A_61 = tpu.memref_slice %arg10[%dma_start3A_59, %dma_start3A_60] : memref<128x128xf32, #tpu.memory_space<vmem>> -> memref<128x128xf32, #tpu.memory_space<vmem>>
      %dma_start3A_62 = arith.constant 0 : i32
      %dma_start3A_63 = tpu.memref_slice %arg7[%mul3A_0, %dma_start3A_62] : memref<10112x128xf32, #tpu.memory_space<vmem_shared>> -> memref<128x128xf32, #tpu.memory_space<vmem_shared>>
      tpu.enqueue_dma source(%dma_start3A_63 : memref<128x128xf32, #tpu.memory_space<vmem_shared>>) target(%dma_start3A_61 : memref<128x128xf32, #tpu.memory_space<vmem>>) target_semaphore(%run_scoped3A : memref<!tpu.dma_semaphore, #tpu.memory_space<semaphore_mem>>)
      %dma_wait3A = arith.constant 0 : i32
      %dma_wait3A_64 = arith.constant 0 : i32
      %dma_wait3A_65 = tpu.memref_slice %arg10[%dma_wait3A, %dma_wait3A_64] : memref<128x128xf32, #tpu.memory_space<vmem>> -> memref<128x128xf32, #tpu.memory_space<vmem>>
      %dma_wait3A_66 = arith.constant 0 : i32
      %dma_wait3A_67 = tpu.memref_slice %arg7[%mul3A_0, %dma_wait3A_66] : memref<10112x128xf32, #tpu.memory_space<vmem_shared>> -> memref<128x128xf32, #tpu.memory_space<vmem_shared>>
      %dma_wait3A_68 = arith.constant 0 : i32
      %dma_wait3A_69 = arith.constant 0 : i32
      %dma_wait3A_70 = tpu.memref_slice %arg10[%dma_wait3A_68, %dma_wait3A_69] : memref<128x128xf32, #tpu.memory_space<vmem>> -> memref<128x128xf32, #tpu.memory_space<vmem>>
      %dma_wait3A_71 = arith.constant 0 : i32
      %dma_wait3A_72 = tpu.memref_slice %arg7[%mul3A_0, %dma_wait3A_71] : memref<10112x128xf32, #tpu.memory_space<vmem_shared>> -> memref<128x128xf32, #tpu.memory_space<vmem_shared>>
      tpu.wait_dma2 semaphore(%run_scoped3A : memref<!tpu.dma_semaphore, #tpu.memory_space<semaphore_mem>>) src(%dma_wait3A_72 : memref<128x128xf32, #tpu.memory_space<vmem_shared>>) dst(%dma_wait3A_70 : memref<128x128xf32, #tpu.memory_space<vmem>>)
      tpu.yield
    }) : () -> ()
    "tpu.region"() ({
      %run_scoped3A = tpu.sem_alloc : memref<!tpu.dma_semaphore, #tpu.memory_space<semaphore_mem>>
      %dma_start3A_54 = arith.constant 0 : i32
      %dma_start3A_55 = arith.constant 0 : i32
      %dma_start3A_56 = tpu.memref_slice %arg10[%dma_start3A_54, %dma_start3A_55] : memref<128x128xf32, #tpu.memory_space<vmem>> -> memref<128x128xf32, #tpu.memory_space<vmem>>
      %dma_start3A_57 = arith.constant 0 : i32
      %dma_start3A_58 = tpu.memref_slice %arg6[%arg0, %mul3A_0, %dma_start3A_57] : memref<2x10112x128xf32, #tpu.memory_space<hbm>> -> memref<1x128x128xf32, #tpu.memory_space<hbm>>
      %dma_start3A_59 = tpu.memref_squeeze %dma_start3A_58 : memref<1x128x128xf32, #tpu.memory_space<hbm>> -> memref<128x128xf32, #tpu.memory_space<hbm>>
      %dma_start3A_60 = arith.constant 0 : i32
      %dma_start3A_61 = tpu.memref_slice %arg6[%arg0, %mul3A_0, %dma_start3A_60] : memref<2x10112x128xf32, #tpu.memory_space<hbm>> -> memref<1x128x128xf32, #tpu.memory_space<hbm>>
      %dma_start3A_62 = tpu.memref_squeeze %dma_start3A_61 : memref<1x128x128xf32, #tpu.memory_space<hbm>> -> memref<128x128xf32, #tpu.memory_space<hbm>>
      %dma_start3A_63 = arith.constant 0 : i32
      %dma_start3A_64 = arith.constant 0 : i32
      %dma_start3A_65 = tpu.memref_slice %arg10[%dma_start3A_63, %dma_start3A_64] : memref<128x128xf32, #tpu.memory_space<vmem>> -> memref<128x128xf32, #tpu.memory_space<vmem>>
      tpu.enqueue_dma source(%dma_start3A_65 : memref<128x128xf32, #tpu.memory_space<vmem>>) target(%dma_start3A_62 : memref<128x128xf32, #tpu.memory_space<hbm>>) target_semaphore(%run_scoped3A : memref<!tpu.dma_semaphore, #tpu.memory_space<semaphore_mem>>)
      %dma_wait3A = arith.constant 0 : i32
      %dma_wait3A_66 = arith.constant 0 : i32
      %dma_wait3A_67 = tpu.memref_slice %arg10[%dma_wait3A, %dma_wait3A_66] : memref<128x128xf32, #tpu.memory_space<vmem>> -> memref<128x128xf32, #tpu.memory_space<vmem>>
      %dma_wait3A_68 = arith.constant 0 : i32
      %dma_wait3A_69 = tpu.memref_slice %arg6[%arg0, %mul3A_0, %dma_wait3A_68] : memref<2x10112x128xf32, #tpu.memory_space<hbm>> -> memref<1x128x128xf32, #tpu.memory_space<hbm>>
      %dma_wait3A_70 = tpu.memref_squeeze %dma_wait3A_69 : memref<1x128x128xf32, #tpu.memory_space<hbm>> -> memref<128x128xf32, #tpu.memory_space<hbm>>
      %dma_wait3A_71 = arith.constant 0 : i32
      %dma_wait3A_72 = tpu.memref_slice %arg6[%arg0, %mul3A_0, %dma_wait3A_71] : memref<2x10112x128xf32, #tpu.memory_space<hbm>> -> memref<1x128x128xf32, #tpu.memory_space<hbm>>
      %dma_wait3A_73 = tpu.memref_squeeze %dma_wait3A_72 : memref<1x128x128xf32, #tpu.memory_space<hbm>> -> memref<128x128xf32, #tpu.memory_space<hbm>>
      %dma_wait3A_74 = arith.constant 0 : i32
      %dma_wait3A_75 = arith.constant 0 : i32
      %dma_wait3A_76 = tpu.memref_slice %arg10[%dma_wait3A_74, %dma_wait3A_75] : memref<128x128xf32, #tpu.memory_space<vmem>> -> memref<128x128xf32, #tpu.memory_space<vmem>>
      tpu.wait_dma2 semaphore(%run_scoped3A : memref<!tpu.dma_semaphore, #tpu.memory_space<semaphore_mem>>) src(%dma_wait3A_76 : memref<128x128xf32, #tpu.memory_space<vmem>>) dst(%dma_wait3A_73 : memref<128x128xf32, #tpu.memory_space<hbm>>)
      tpu.yield
    }) : () -> ()
    %add3A_44 = arith.constant 128 : i32
    %add3A_45 = arith.addi %mul3A_0, %add3A_44 : i32
    "tpu.region"() ({
      %run_scoped3A = tpu.sem_alloc : memref<!tpu.dma_semaphore, #tpu.memory_space<semaphore_mem>>
      %dma_start3A_54 = arith.constant 0 : i32
      %dma_start3A_55 = arith.constant 0 : i32
      %dma_start3A_56 = tpu.memref_slice %arg10[%dma_start3A_54, %dma_start3A_55] : memref<128x128xf32, #tpu.memory_space<vmem>> -> memref<128x128xf32, #tpu.memory_space<vmem>>
      %dma_start3A_57 = arith.constant 0 : i32
      %dma_start3A_58 = tpu.memref_slice %arg7[%add3A_45, %dma_start3A_57] : memref<10112x128xf32, #tpu.memory_space<vmem_shared>> -> memref<128x128xf32, #tpu.memory_space<vmem_shared>>
      %dma_start3A_59 = arith.constant 0 : i32
      %dma_start3A_60 = arith.constant 0 : i32
      %dma_start3A_61 = tpu.memref_slice %arg10[%dma_start3A_59, %dma_start3A_60] : memref<128x128xf32, #tpu.memory_space<vmem>> -> memref<128x128xf32, #tpu.memory_space<vmem>>
      %dma_start3A_62 = arith.constant 0 : i32
      %dma_start3A_63 = tpu.memref_slice %arg7[%add3A_45, %dma_start3A_62] : memref<10112x128xf32, #tpu.memory_space<vmem_shared>> -> memref<128x128xf32, #tpu.memory_space<vmem_shared>>
      tpu.enqueue_dma source(%dma_start3A_63 : memref<128x128xf32, #tpu.memory_space<vmem_shared>>) target(%dma_start3A_61 : memref<128x128xf32, #tpu.memory_space<vmem>>) target_semaphore(%run_scoped3A : memref<!tpu.dma_semaphore, #tpu.memory_space<semaphore_mem>>)
      %dma_wait3A = arith.constant 0 : i32
      %dma_wait3A_64 = arith.constant 0 : i32
      %dma_wait3A_65 = tpu.memref_slice %arg10[%dma_wait3A, %dma_wait3A_64] : memref<128x128xf32, #tpu.memory_space<vmem>> -> memref<128x128xf32, #tpu.memory_space<vmem>>
      %dma_wait3A_66 = arith.constant 0 : i32
      %dma_wait3A_67 = tpu.memref_slice %arg7[%add3A_45, %dma_wait3A_66] : memref<10112x128xf32, #tpu.memory_space<vmem_shared>> -> memref<128x128xf32, #tpu.memory_space<vmem_shared>>
      %dma_wait3A_68 = arith.constant 0 : i32
      %dma_wait3A_69 = arith.constant 0 : i32
      %dma_wait3A_70 = tpu.memref_slice %arg10[%dma_wait3A_68, %dma_wait3A_69] : memref<128x128xf32, #tpu.memory_space<vmem>> -> memref<128x128xf32, #tpu.memory_space<vmem>>
      %dma_wait3A_71 = arith.constant 0 : i32
      %dma_wait3A_72 = tpu.memref_slice %arg7[%add3A_45, %dma_wait3A_71] : memref<10112x128xf32, #tpu.memory_space<vmem_shared>> -> memref<128x128xf32, #tpu.memory_space<vmem_shared>>
      tpu.wait_dma2 semaphore(%run_scoped3A : memref<!tpu.dma_semaphore, #tpu.memory_space<semaphore_mem>>) src(%dma_wait3A_72 : memref<128x128xf32, #tpu.memory_space<vmem_shared>>) dst(%dma_wait3A_70 : memref<128x128xf32, #tpu.memory_space<vmem>>)
      tpu.yield
    }) : () -> ()
    "tpu.region"() ({
      %run_scoped3A = tpu.sem_alloc : memref<!tpu.dma_semaphore, #tpu.memory_space<semaphore_mem>>
      %dma_start3A_54 = arith.constant 0 : i32
      %dma_start3A_55 = arith.constant 0 : i32
      %dma_start3A_56 = tpu.memref_slice %arg10[%dma_start3A_54, %dma_start3A_55] : memref<128x128xf32, #tpu.memory_space<vmem>> -> memref<128x128xf32, #tpu.memory_space<vmem>>
      %dma_start3A_57 = arith.constant 0 : i32
      %dma_start3A_58 = tpu.memref_slice %arg6[%arg0, %add3A_45, %dma_start3A_57] : memref<2x10112x128xf32, #tpu.memory_space<hbm>> -> memref<1x128x128xf32, #tpu.memory_space<hbm>>
      %dma_start3A_59 = tpu.memref_squeeze %dma_start3A_58 : memref<1x128x128xf32, #tpu.memory_space<hbm>> -> memref<128x128xf32, #tpu.memory_space<hbm>>
      %dma_start3A_60 = arith.constant 0 : i32
      %dma_start3A_61 = tpu.memref_slice %arg6[%arg0, %add3A_45, %dma_start3A_60] : memref<2x10112x128xf32, #tpu.memory_space<hbm>> -> memref<1x128x128xf32, #tpu.memory_space<hbm>>
      %dma_start3A_62 = tpu.memref_squeeze %dma_start3A_61 : memref<1x128x128xf32, #tpu.memory_space<hbm>> -> memref<128x128xf32, #tpu.memory_space<hbm>>
      %dma_start3A_63 = arith.constant 0 : i32
      %dma_start3A_64 = arith.constant 0 : i32
      %dma_start3A_65 = tpu.memref_slice %arg10[%dma_start3A_63, %dma_start3A_64] : memref<128x128xf32, #tpu.memory_space<vmem>> -> memref<128x128xf32, #tpu.memory_space<vmem>>
      tpu.enqueue_dma source(%dma_start3A_65 : memref<128x128xf32, #tpu.memory_space<vmem>>) target(%dma_start3A_62 : memref<128x128xf32, #tpu.memory_space<hbm>>) target_semaphore(%run_scoped3A : memref<!tpu.dma_semaphore, #tpu.memory_space<semaphore_mem>>)
      %dma_wait3A = arith.constant 0 : i32
      %dma_wait3A_66 = arith.constant 0 : i32
      %dma_wait3A_67 = tpu.memref_slice %arg10[%dma_wait3A, %dma_wait3A_66] : memref<128x128xf32, #tpu.memory_space<vmem>> -> memref<128x128xf32, #tpu.memory_space<vmem>>
      %dma_wait3A_68 = arith.constant 0 : i32
      %dma_wait3A_69 = tpu.memref_slice %arg6[%arg0, %add3A_45, %dma_wait3A_68] : memref<2x10112x128xf32, #tpu.memory_space<hbm>> -> memref<1x128x128xf32, #tpu.memory_space<hbm>>
      %dma_wait3A_70 = tpu.memref_squeeze %dma_wait3A_69 : memref<1x128x128xf32, #tpu.memory_space<hbm>> -> memref<128x128xf32, #tpu.memory_space<hbm>>
      %dma_wait3A_71 = arith.constant 0 : i32
      %dma_wait3A_72 = tpu.memref_slice %arg6[%arg0, %add3A_45, %dma_wait3A_71] : memref<2x10112x128xf32, #tpu.memory_space<hbm>> -> memref<1x128x128xf32, #tpu.memory_space<hbm>>
      %dma_wait3A_73 = tpu.memref_squeeze %dma_wait3A_72 : memref<1x128x128xf32, #tpu.memory_space<hbm>> -> memref<128x128xf32, #tpu.memory_space<hbm>>
      %dma_wait3A_74 = arith.constant 0 : i32
      %dma_wait3A_75 = arith.constant 0 : i32
      %dma_wait3A_76 = tpu.memref_slice %arg10[%dma_wait3A_74, %dma_wait3A_75] : memref<128x128xf32, #tpu.memory_space<vmem>> -> memref<128x128xf32, #tpu.memory_space<vmem>>
      tpu.wait_dma2 semaphore(%run_scoped3A : memref<!tpu.dma_semaphore, #tpu.memory_space<semaphore_mem>>) src(%dma_wait3A_76 : memref<128x128xf32, #tpu.memory_space<vmem>>) dst(%dma_wait3A_73 : memref<128x128xf32, #tpu.memory_space<hbm>>)
      tpu.yield
    }) : () -> ()
    %add3A_46 = arith.constant 128 : i32
    %add3A_47 = arith.addi %add3A_45, %add3A_46 : i32
    "tpu.region"() ({
      %run_scoped3A = tpu.sem_alloc : memref<!tpu.dma_semaphore, #tpu.memory_space<semaphore_mem>>
      %dma_start3A_54 = arith.constant 0 : i32
      %dma_start3A_55 = arith.constant 0 : i32
      %dma_start3A_56 = tpu.memref_slice %arg10[%dma_start3A_54, %dma_start3A_55] : memref<128x128xf32, #tpu.memory_space<vmem>> -> memref<128x128xf32, #tpu.memory_space<vmem>>
      %dma_start3A_57 = arith.constant 0 : i32
      %dma_start3A_58 = tpu.memref_slice %arg7[%add3A_47, %dma_start3A_57] : memref<10112x128xf32, #tpu.memory_space<vmem_shared>> -> memref<128x128xf32, #tpu.memory_space<vmem_shared>>
      %dma_start3A_59 = arith.constant 0 : i32
      %dma_start3A_60 = arith.constant 0 : i32
      %dma_start3A_61 = tpu.memref_slice %arg10[%dma_start3A_59, %dma_start3A_60] : memref<128x128xf32, #tpu.memory_space<vmem>> -> memref<128x128xf32, #tpu.memory_space<vmem>>
      %dma_start3A_62 = arith.constant 0 : i32
      %dma_start3A_63 = tpu.memref_slice %arg7[%add3A_47, %dma_start3A_62] : memref<10112x128xf32, #tpu.memory_space<vmem_shared>> -> memref<128x128xf32, #tpu.memory_space<vmem_shared>>
      tpu.enqueue_dma source(%dma_start3A_63 : memref<128x128xf32, #tpu.memory_space<vmem_shared>>) target(%dma_start3A_61 : memref<128x128xf32, #tpu.memory_space<vmem>>) target_semaphore(%run_scoped3A : memref<!tpu.dma_semaphore, #tpu.memory_space<semaphore_mem>>)
      %dma_wait3A = arith.constant 0 : i32
      %dma_wait3A_64 = arith.constant 0 : i32
      %dma_wait3A_65 = tpu.memref_slice %arg10[%dma_wait3A, %dma_wait3A_64] : memref<128x128xf32, #tpu.memory_space<vmem>> -> memref<128x128xf32, #tpu.memory_space<vmem>>
      %dma_wait3A_66 = arith.constant 0 : i32
      %dma_wait3A_67 = tpu.memref_slice %arg7[%add3A_47, %dma_wait3A_66] : memref<10112x128xf32, #tpu.memory_space<vmem_shared>> -> memref<128x128xf32, #tpu.memory_space<vmem_shared>>
      %dma_wait3A_68 = arith.constant 0 : i32
      %dma_wait3A_69 = arith.constant 0 : i32
      %dma_wait3A_70 = tpu.memref_slice %arg10[%dma_wait3A_68, %dma_wait3A_69] : memref<128x128xf32, #tpu.memory_space<vmem>> -> memref<128x128xf32, #tpu.memory_space<vmem>>
      %dma_wait3A_71 = arith.constant 0 : i32
      %dma_wait3A_72 = tpu.memref_slice %arg7[%add3A_47, %dma_wait3A_71] : memref<10112x128xf32, #tpu.memory_space<vmem_shared>> -> memref<128x128xf32, #tpu.memory_space<vmem_shared>>
      tpu.wait_dma2 semaphore(%run_scoped3A : memref<!tpu.dma_semaphore, #tpu.memory_space<semaphore_mem>>) src(%dma_wait3A_72 : memref<128x128xf32, #tpu.memory_space<vmem_shared>>) dst(%dma_wait3A_70 : memref<128x128xf32, #tpu.memory_space<vmem>>)
      tpu.yield
    }) : () -> ()
    "tpu.region"() ({
      %run_scoped3A = tpu.sem_alloc : memref<!tpu.dma_semaphore, #tpu.memory_space<semaphore_mem>>
      %dma_start3A_54 = arith.constant 0 : i32
      %dma_start3A_55 = arith.constant 0 : i32
      %dma_start3A_56 = tpu.memref_slice %arg10[%dma_start3A_54, %dma_start3A_55] : memref<128x128xf32, #tpu.memory_space<vmem>> -> memref<128x128xf32, #tpu.memory_space<vmem>>
      %dma_start3A_57 = arith.constant 0 : i32
      %dma_start3A_58 = tpu.memref_slice %arg6[%arg0, %add3A_47, %dma_start3A_57] : memref<2x10112x128xf32, #tpu.memory_space<hbm>> -> memref<1x128x128xf32, #tpu.memory_space<hbm>>
      %dma_start3A_59 = tpu.memref_squeeze %dma_start3A_58 : memref<1x128x128xf32, #tpu.memory_space<hbm>> -> memref<128x128xf32, #tpu.memory_space<hbm>>
      %dma_start3A_60 = arith.constant 0 : i32
      %dma_start3A_61 = tpu.memref_slice %arg6[%arg0, %add3A_47, %dma_start3A_60] : memref<2x10112x128xf32, #tpu.memory_space<hbm>> -> memref<1x128x128xf32, #tpu.memory_space<hbm>>
      %dma_start3A_62 = tpu.memref_squeeze %dma_start3A_61 : memref<1x128x128xf32, #tpu.memory_space<hbm>> -> memref<128x128xf32, #tpu.memory_space<hbm>>
      %dma_start3A_63 = arith.constant 0 : i32
      %dma_start3A_64 = arith.constant 0 : i32
      %dma_start3A_65 = tpu.memref_slice %arg10[%dma_start3A_63, %dma_start3A_64] : memref<128x128xf32, #tpu.memory_space<vmem>> -> memref<128x128xf32, #tpu.memory_space<vmem>>
      tpu.enqueue_dma source(%dma_start3A_65 : memref<128x128xf32, #tpu.memory_space<vmem>>) target(%dma_start3A_62 : memref<128x128xf32, #tpu.memory_space<hbm>>) target_semaphore(%run_scoped3A : memref<!tpu.dma_semaphore, #tpu.memory_space<semaphore_mem>>)
      %dma_wait3A = arith.constant 0 : i32
      %dma_wait3A_66 = arith.constant 0 : i32
      %dma_wait3A_67 = tpu.memref_slice %arg10[%dma_wait3A, %dma_wait3A_66] : memref<128x128xf32, #tpu.memory_space<vmem>> -> memref<128x128xf32, #tpu.memory_space<vmem>>
      %dma_wait3A_68 = arith.constant 0 : i32
      %dma_wait3A_69 = tpu.memref_slice %arg6[%arg0, %add3A_47, %dma_wait3A_68] : memref<2x10112x128xf32, #tpu.memory_space<hbm>> -> memref<1x128x128xf32, #tpu.memory_space<hbm>>
      %dma_wait3A_70 = tpu.memref_squeeze %dma_wait3A_69 : memref<1x128x128xf32, #tpu.memory_space<hbm>> -> memref<128x128xf32, #tpu.memory_space<hbm>>
      %dma_wait3A_71 = arith.constant 0 : i32
      %dma_wait3A_72 = tpu.memref_slice %arg6[%arg0, %add3A_47, %dma_wait3A_71] : memref<2x10112x128xf32, #tpu.memory_space<hbm>> -> memref<1x128x128xf32, #tpu.memory_space<hbm>>
      %dma_wait3A_73 = tpu.memref_squeeze %dma_wait3A_72 : memref<1x128x128xf32, #tpu.memory_space<hbm>> -> memref<128x128xf32, #tpu.memory_space<hbm>>
      %dma_wait3A_74 = arith.constant 0 : i32
      %dma_wait3A_75 = arith.constant 0 : i32
      %dma_wait3A_76 = tpu.memref_slice %arg10[%dma_wait3A_74, %dma_wait3A_75] : memref<128x128xf32, #tpu.memory_space<vmem>> -> memref<128x128xf32, #tpu.memory_space<vmem>>
      tpu.wait_dma2 semaphore(%run_scoped3A : memref<!tpu.dma_semaphore, #tpu.memory_space<semaphore_mem>>) src(%dma_wait3A_76 : memref<128x128xf32, #tpu.memory_space<vmem>>) dst(%dma_wait3A_73 : memref<128x128xf32, #tpu.memory_space<hbm>>)
      tpu.yield
    }) : () -> ()
    %add3A_48 = arith.constant 128 : i32
    %add3A_49 = arith.addi %add3A_47, %add3A_48 : i32
    "tpu.region"() ({
      %run_scoped3A = tpu.sem_alloc : memref<!tpu.dma_semaphore, #tpu.memory_space<semaphore_mem>>
      %dma_start3A_54 = arith.constant 0 : i32
      %dma_start3A_55 = arith.constant 0 : i32
      %dma_start3A_56 = tpu.memref_slice %arg10[%dma_start3A_54, %dma_start3A_55] : memref<128x128xf32, #tpu.memory_space<vmem>> -> memref<128x128xf32, #tpu.memory_space<vmem>>
      %dma_start3A_57 = arith.constant 0 : i32
      %dma_start3A_58 = tpu.memref_slice %arg7[%add3A_49, %dma_start3A_57] : memref<10112x128xf32, #tpu.memory_space<vmem_shared>> -> memref<128x128xf32, #tpu.memory_space<vmem_shared>>
      %dma_start3A_59 = arith.constant 0 : i32
      %dma_start3A_60 = arith.constant 0 : i32
      %dma_start3A_61 = tpu.memref_slice %arg10[%dma_start3A_59, %dma_start3A_60] : memref<128x128xf32, #tpu.memory_space<vmem>> -> memref<128x128xf32, #tpu.memory_space<vmem>>
      %dma_start3A_62 = arith.constant 0 : i32
      %dma_start3A_63 = tpu.memref_slice %arg7[%add3A_49, %dma_start3A_62] : memref<10112x128xf32, #tpu.memory_space<vmem_shared>> -> memref<128x128xf32, #tpu.memory_space<vmem_shared>>
      tpu.enqueue_dma source(%dma_start3A_63 : memref<128x128xf32, #tpu.memory_space<vmem_shared>>) target(%dma_start3A_61 : memref<128x128xf32, #tpu.memory_space<vmem>>) target_semaphore(%run_scoped3A : memref<!tpu.dma_semaphore, #tpu.memory_space<semaphore_mem>>)
      %dma_wait3A = arith.constant 0 : i32
      %dma_wait3A_64 = arith.constant 0 : i32
      %dma_wait3A_65 = tpu.memref_slice %arg10[%dma_wait3A, %dma_wait3A_64] : memref<128x128xf32, #tpu.memory_space<vmem>> -> memref<128x128xf32, #tpu.memory_space<vmem>>
      %dma_wait3A_66 = arith.constant 0 : i32
      %dma_wait3A_67 = tpu.memref_slice %arg7[%add3A_49, %dma_wait3A_66] : memref<10112x128xf32, #tpu.memory_space<vmem_shared>> -> memref<128x128xf32, #tpu.memory_space<vmem_shared>>
      %dma_wait3A_68 = arith.constant 0 : i32
      %dma_wait3A_69 = arith.constant 0 : i32
      %dma_wait3A_70 = tpu.memref_slice %arg10[%dma_wait3A_68, %dma_wait3A_69] : memref<128x128xf32, #tpu.memory_space<vmem>> -> memref<128x128xf32, #tpu.memory_space<vmem>>
      %dma_wait3A_71 = arith.constant 0 : i32
      %dma_wait3A_72 = tpu.memref_slice %arg7[%add3A_49, %dma_wait3A_71] : memref<10112x128xf32, #tpu.memory_space<vmem_shared>> -> memref<128x128xf32, #tpu.memory_space<vmem_shared>>
      tpu.wait_dma2 semaphore(%run_scoped3A : memref<!tpu.dma_semaphore, #tpu.memory_space<semaphore_mem>>) src(%dma_wait3A_72 : memref<128x128xf32, #tpu.memory_space<vmem_shared>>) dst(%dma_wait3A_70 : memref<128x128xf32, #tpu.memory_space<vmem>>)
      tpu.yield
    }) : () -> ()
    "tpu.region"() ({
      %run_scoped3A = tpu.sem_alloc : memref<!tpu.dma_semaphore, #tpu.memory_space<semaphore_mem>>
      %dma_start3A_54 = arith.constant 0 : i32
      %dma_start3A_55 = arith.constant 0 : i32
      %dma_start3A_56 = tpu.memref_slice %arg10[%dma_start3A_54, %dma_start3A_55] : memref<128x128xf32, #tpu.memory_space<vmem>> -> memref<128x128xf32, #tpu.memory_space<vmem>>
      %dma_start3A_57 = arith.constant 0 : i32
      %dma_start3A_58 = tpu.memref_slice %arg6[%arg0, %add3A_49, %dma_start3A_57] : memref<2x10112x128xf32, #tpu.memory_space<hbm>> -> memref<1x128x128xf32, #tpu.memory_space<hbm>>
      %dma_start3A_59 = tpu.memref_squeeze %dma_start3A_58 : memref<1x128x128xf32, #tpu.memory_space<hbm>> -> memref<128x128xf32, #tpu.memory_space<hbm>>
      %dma_start3A_60 = arith.constant 0 : i32
      %dma_start3A_61 = tpu.memref_slice %arg6[%arg0, %add3A_49, %dma_start3A_60] : memref<2x10112x128xf32, #tpu.memory_space<hbm>> -> memref<1x128x128xf32, #tpu.memory_space<hbm>>
      %dma_start3A_62 = tpu.memref_squeeze %dma_start3A_61 : memref<1x128x128xf32, #tpu.memory_space<hbm>> -> memref<128x128xf32, #tpu.memory_space<hbm>>
      %dma_start3A_63 = arith.constant 0 : i32
      %dma_start3A_64 = arith.constant 0 : i32
      %dma_start3A_65 = tpu.memref_slice %arg10[%dma_start3A_63, %dma_start3A_64] : memref<128x128xf32, #tpu.memory_space<vmem>> -> memref<128x128xf32, #tpu.memory_space<vmem>>
      tpu.enqueue_dma source(%dma_start3A_65 : memref<128x128xf32, #tpu.memory_space<vmem>>) target(%dma_start3A_62 : memref<128x128xf32, #tpu.memory_space<hbm>>) target_semaphore(%run_scoped3A : memref<!tpu.dma_semaphore, #tpu.memory_space<semaphore_mem>>)
      %dma_wait3A = arith.constant 0 : i32
      %dma_wait3A_66 = arith.constant 0 : i32
      %dma_wait3A_67 = tpu.memref_slice %arg10[%dma_wait3A, %dma_wait3A_66] : memref<128x128xf32, #tpu.memory_space<vmem>> -> memref<128x128xf32, #tpu.memory_space<vmem>>
      %dma_wait3A_68 = arith.constant 0 : i32
      %dma_wait3A_69 = tpu.memref_slice %arg6[%arg0, %add3A_49, %dma_wait3A_68] : memref<2x10112x128xf32, #tpu.memory_space<hbm>> -> memref<1x128x128xf32, #tpu.memory_space<hbm>>
      %dma_wait3A_70 = tpu.memref_squeeze %dma_wait3A_69 : memref<1x128x128xf32, #tpu.memory_space<hbm>> -> memref<128x128xf32, #tpu.memory_space<hbm>>
      %dma_wait3A_71 = arith.constant 0 : i32
      %dma_wait3A_72 = tpu.memref_slice %arg6[%arg0, %add3A_49, %dma_wait3A_71] : memref<2x10112x128xf32, #tpu.memory_space<hbm>> -> memref<1x128x128xf32, #tpu.memory_space<hbm>>
      %dma_wait3A_73 = tpu.memref_squeeze %dma_wait3A_72 : memref<1x128x128xf32, #tpu.memory_space<hbm>> -> memref<128x128xf32, #tpu.memory_space<hbm>>
      %dma_wait3A_74 = arith.constant 0 : i32
      %dma_wait3A_75 = arith.constant 0 : i32
      %dma_wait3A_76 = tpu.memref_slice %arg10[%dma_wait3A_74, %dma_wait3A_75] : memref<128x128xf32, #tpu.memory_space<vmem>> -> memref<128x128xf32, #tpu.memory_space<vmem>>
      tpu.wait_dma2 semaphore(%run_scoped3A : memref<!tpu.dma_semaphore, #tpu.memory_space<semaphore_mem>>) src(%dma_wait3A_76 : memref<128x128xf32, #tpu.memory_space<vmem>>) dst(%dma_wait3A_73 : memref<128x128xf32, #tpu.memory_space<hbm>>)
      tpu.yield
    }) : () -> ()
    %add3A_50 = arith.constant 128 : i32
    %add3A_51 = arith.addi %add3A_49, %add3A_50 : i32
    "tpu.region"() ({
      %run_scoped3A = tpu.sem_alloc : memref<!tpu.dma_semaphore, #tpu.memory_space<semaphore_mem>>
      %dma_start3A_54 = arith.constant 0 : i32
      %dma_start3A_55 = arith.constant 0 : i32
      %dma_start3A_56 = tpu.memref_slice %arg10[%dma_start3A_54, %dma_start3A_55] : memref<128x128xf32, #tpu.memory_space<vmem>> -> memref<120x128xf32, #tpu.memory_space<vmem>>
      %dma_start3A_57 = arith.constant 0 : i32
      %dma_start3A_58 = tpu.memref_slice %arg7[%add3A_51, %dma_start3A_57] : memref<10112x128xf32, #tpu.memory_space<vmem_shared>> -> memref<120x128xf32, #tpu.memory_space<vmem_shared>>
      %dma_start3A_59 = arith.constant 0 : i32
      %dma_start3A_60 = arith.constant 0 : i32
      %dma_start3A_61 = tpu.memref_slice %arg10[%dma_start3A_59, %dma_start3A_60] : memref<128x128xf32, #tpu.memory_space<vmem>> -> memref<120x128xf32, #tpu.memory_space<vmem>>
      %dma_start3A_62 = arith.constant 0 : i32
      %dma_start3A_63 = tpu.memref_slice %arg7[%add3A_51, %dma_start3A_62] : memref<10112x128xf32, #tpu.memory_space<vmem_shared>> -> memref<120x128xf32, #tpu.memory_space<vmem_shared>>
      tpu.enqueue_dma source(%dma_start3A_63 : memref<120x128xf32, #tpu.memory_space<vmem_shared>>) target(%dma_start3A_61 : memref<120x128xf32, #tpu.memory_space<vmem>>) target_semaphore(%run_scoped3A : memref<!tpu.dma_semaphore, #tpu.memory_space<semaphore_mem>>)
      %dma_wait3A = arith.constant 0 : i32
      %dma_wait3A_64 = arith.constant 0 : i32
      %dma_wait3A_65 = tpu.memref_slice %arg10[%dma_wait3A, %dma_wait3A_64] : memref<128x128xf32, #tpu.memory_space<vmem>> -> memref<120x128xf32, #tpu.memory_space<vmem>>
      %dma_wait3A_66 = arith.constant 0 : i32
      %dma_wait3A_67 = tpu.memref_slice %arg7[%add3A_51, %dma_wait3A_66] : memref<10112x128xf32, #tpu.memory_space<vmem_shared>> -> memref<120x128xf32, #tpu.memory_space<vmem_shared>>
      %dma_wait3A_68 = arith.constant 0 : i32
      %dma_wait3A_69 = arith.constant 0 : i32
      %dma_wait3A_70 = tpu.memref_slice %arg10[%dma_wait3A_68, %dma_wait3A_69] : memref<128x128xf32, #tpu.memory_space<vmem>> -> memref<120x128xf32, #tpu.memory_space<vmem>>
      %dma_wait3A_71 = arith.constant 0 : i32
      %dma_wait3A_72 = tpu.memref_slice %arg7[%add3A_51, %dma_wait3A_71] : memref<10112x128xf32, #tpu.memory_space<vmem_shared>> -> memref<120x128xf32, #tpu.memory_space<vmem_shared>>
      tpu.wait_dma2 semaphore(%run_scoped3A : memref<!tpu.dma_semaphore, #tpu.memory_space<semaphore_mem>>) src(%dma_wait3A_72 : memref<120x128xf32, #tpu.memory_space<vmem_shared>>) dst(%dma_wait3A_70 : memref<120x128xf32, #tpu.memory_space<vmem>>)
      tpu.yield
    }) : () -> ()
    "tpu.region"() ({
      %run_scoped3A = tpu.sem_alloc : memref<!tpu.dma_semaphore, #tpu.memory_space<semaphore_mem>>
      %dma_start3A_54 = arith.constant 0 : i32
      %dma_start3A_55 = arith.constant 0 : i32
      %dma_start3A_56 = tpu.memref_slice %arg10[%dma_start3A_54, %dma_start3A_55] : memref<128x128xf32, #tpu.memory_space<vmem>> -> memref<120x128xf32, #tpu.memory_space<vmem>>
      %dma_start3A_57 = arith.constant 0 : i32
      %dma_start3A_58 = tpu.memref_slice %arg6[%arg0, %add3A_51, %dma_start3A_57] : memref<2x10112x128xf32, #tpu.memory_space<hbm>> -> memref<1x120x128xf32, #tpu.memory_space<hbm>>
      %dma_start3A_59 = tpu.memref_squeeze %dma_start3A_58 : memref<1x120x128xf32, #tpu.memory_space<hbm>> -> memref<120x128xf32, #tpu.memory_space<hbm>>
      %dma_start3A_60 = arith.constant 0 : i32
      %dma_start3A_61 = tpu.memref_slice %arg6[%arg0, %add3A_51, %dma_start3A_60] : memref<2x10112x128xf32, #tpu.memory_space<hbm>> -> memref<1x120x128xf32, #tpu.memory_space<hbm>>
      %dma_start3A_62 = tpu.memref_squeeze %dma_start3A_61 : memref<1x120x128xf32, #tpu.memory_space<hbm>> -> memref<120x128xf32, #tpu.memory_space<hbm>>
      %dma_start3A_63 = arith.constant 0 : i32
      %dma_start3A_64 = arith.constant 0 : i32
      %dma_start3A_65 = tpu.memref_slice %arg10[%dma_start3A_63, %dma_start3A_64] : memref<128x128xf32, #tpu.memory_space<vmem>> -> memref<120x128xf32, #tpu.memory_space<vmem>>
      tpu.enqueue_dma source(%dma_start3A_65 : memref<120x128xf32, #tpu.memory_space<vmem>>) target(%dma_start3A_62 : memref<120x128xf32, #tpu.memory_space<hbm>>) target_semaphore(%run_scoped3A : memref<!tpu.dma_semaphore, #tpu.memory_space<semaphore_mem>>)
      %dma_wait3A = arith.constant 0 : i32
      %dma_wait3A_66 = arith.constant 0 : i32
      %dma_wait3A_67 = tpu.memref_slice %arg10[%dma_wait3A, %dma_wait3A_66] : memref<128x128xf32, #tpu.memory_space<vmem>> -> memref<120x128xf32, #tpu.memory_space<vmem>>
      %dma_wait3A_68 = arith.constant 0 : i32
      %dma_wait3A_69 = tpu.memref_slice %arg6[%arg0, %add3A_51, %dma_wait3A_68] : memref<2x10112x128xf32, #tpu.memory_space<hbm>> -> memref<1x120x128xf32, #tpu.memory_space<hbm>>
      %dma_wait3A_70 = tpu.memref_squeeze %dma_wait3A_69 : memref<1x120x128xf32, #tpu.memory_space<hbm>> -> memref<120x128xf32, #tpu.memory_space<hbm>>
      %dma_wait3A_71 = arith.constant 0 : i32
      %dma_wait3A_72 = tpu.memref_slice %arg6[%arg0, %add3A_51, %dma_wait3A_71] : memref<2x10112x128xf32, #tpu.memory_space<hbm>> -> memref<1x120x128xf32, #tpu.memory_space<hbm>>
      %dma_wait3A_73 = tpu.memref_squeeze %dma_wait3A_72 : memref<1x120x128xf32, #tpu.memory_space<hbm>> -> memref<120x128xf32, #tpu.memory_space<hbm>>
      %dma_wait3A_74 = arith.constant 0 : i32
      %dma_wait3A_75 = arith.constant 0 : i32
      %dma_wait3A_76 = tpu.memref_slice %arg10[%dma_wait3A_74, %dma_wait3A_75] : memref<128x128xf32, #tpu.memory_space<vmem>> -> memref<120x128xf32, #tpu.memory_space<vmem>>
      tpu.wait_dma2 semaphore(%run_scoped3A : memref<!tpu.dma_semaphore, #tpu.memory_space<semaphore_mem>>) src(%dma_wait3A_76 : memref<120x128xf32, #tpu.memory_space<vmem>>) dst(%dma_wait3A_73 : memref<120x128xf32, #tpu.memory_space<hbm>>)
      tpu.yield
    }) : () -> ()
    %add3A_52 = arith.constant 120 : i32
    %add3A_53 = arith.addi %add3A_51, %add3A_52 : i32
    return
  }
}

module attributes {stable_mosaic.version = 14 : i64} {
  func.func @_dense1_body(%arg0: i32, %arg1: memref<2x1000x128xf32, #tpu.memory_space<vmem>>, %arg2: memref<2x1000x128xf32, #tpu.memory_space<vmem>>, %arg3: memref<1000x128xf32, #tpu.memory_space<vmem>>, %arg4: memref<256x128xf32, #tpu.memory_space<vmem>>, %arg5: memref<1x256xf32, #tpu.memory_space<vmem>>, %arg6: memref<256x128xf32, #tpu.memory_space<vmem>>, %arg7: memref<128x256xf32, #tpu.memory_space<vmem>>, %arg8: memref<128x256xf32, #tpu.memory_space<vmem>>, %arg9: memref<1000x128xf32, #tpu.memory_space<vmem>>, %arg10: memref<1000x128xf32, #tpu.memory_space<vmem>>) attributes {dimension_semantics = [#tpu.dimension_semantics<arbitrary>], iteration_bounds = array<i64: 10>, scalar_prefetch = 0 : i64, scratch_operands = 0 : i64, tpu.core_type = #tpu.core_type<tc>, window_params = [{transform_indices = @transform_0, window_bounds = array<i64: 2, 1000, 128>}, {transform_indices = @transform_1, window_bounds = array<i64: 2, 1000, 128>}, {transform_indices = @transform_2, window_bounds = array<i64: 1000, 128>}, {pipeline_mode = #tpu.pipeline_mode<synchronous>, transform_indices = @transform_3, window_bounds = array<i64: 256, 128>}, {pipeline_mode = #tpu.pipeline_mode<synchronous>, transform_indices = @transform_4, window_bounds = array<i64: 1, 256>}, {pipeline_mode = #tpu.pipeline_mode<synchronous>, transform_indices = @transform_5, window_bounds = array<i64: 256, 128>}, {pipeline_mode = #tpu.pipeline_mode<synchronous>, transform_indices = @transform_6, window_bounds = array<i64: 128, 256>}, {pipeline_mode = #tpu.pipeline_mode<synchronous>, transform_indices = @transform_7, window_bounds = array<i64: 128, 256>}, {transform_indices = @transform_8, window_bounds = array<i64: 1000, 128>}, {transform_indices = @transform_9, window_bounds = array<i64: 1000, 128>}]} {
    %get3A = arith.constant 0 : index
    %get3A_0 = arith.constant 0 : index
    %get3A_1 = arith.constant 0 : index
    %get3A_2 = vector.load %arg2[%get3A, %get3A_0, %get3A_1] : memref<2x1000x128xf32, #tpu.memory_space<vmem>>, vector<1x1000x128xf32>
    %get3A_3 = vector.shape_cast %get3A_2 : vector<1x1000x128xf32> to vector<1000x128xf32>
    %slice3A = vector.extract_strided_slice %get3A_3 {offsets = [0, 0], sizes = [1000, 1], strides = [1, 1]} : vector<1000x128xf32> to vector<1000x1xf32>
    %get3A_4 = arith.constant 1 : index
    %get3A_5 = arith.constant 0 : index
    %get3A_6 = arith.constant 0 : index
    %get3A_7 = vector.load %arg2[%get3A_4, %get3A_5, %get3A_6] : memref<2x1000x128xf32, #tpu.memory_space<vmem>>, vector<1x1000x128xf32>
    %get3A_8 = vector.shape_cast %get3A_7 : vector<1x1000x128xf32> to vector<1000x128xf32>
    %slice3A_9 = vector.extract_strided_slice %get3A_8 {offsets = [0, 0], sizes = [1000, 1], strides = [1, 1]} : vector<1000x128xf32> to vector<1000x1xf32>
    %add3A = arith.addf %slice3A, %slice3A_9 : vector<1000x1xf32>
    %get3A_10 = arith.constant 0 : index
    %get3A_11 = arith.constant 0 : index
    %get3A_12 = arith.constant 0 : index
    %get3A_13 = vector.load %arg1[%get3A_10, %get3A_11, %get3A_12] : memref<2x1000x128xf32, #tpu.memory_space<vmem>>, vector<1x1000x128xf32>
    %get3A_14 = vector.shape_cast %get3A_13 : vector<1x1000x128xf32> to vector<1000x128xf32>
    %get3A_15 = arith.constant 1 : index
    %get3A_16 = arith.constant 0 : index
    %get3A_17 = arith.constant 0 : index
    %get3A_18 = vector.load %arg1[%get3A_15, %get3A_16, %get3A_17] : memref<2x1000x128xf32, #tpu.memory_space<vmem>>, vector<1x1000x128xf32>
    %get3A_19 = vector.shape_cast %get3A_18 : vector<1x1000x128xf32> to vector<1000x128xf32>
    %add3A_20 = arith.addf %get3A_14, %get3A_19 : vector<1000x128xf32>
    %max3A = arith.constant 1.000000e+00 : f32
    %max3A_21 = vector.broadcast %max3A : f32 to vector<1000x1xf32>
    %max3A_22 = arith.maximumf %add3A, %max3A_21 : vector<1000x1xf32>
    %div3A = vector.broadcast %max3A_22 : vector<1000x1xf32> to vector<1000x128xf32>
    %div3A_23 = arith.divf %add3A_20, %div3A : vector<1000x128xf32>
    %get3A_24 = arith.constant 0 : index
    %get3A_25 = arith.constant 0 : index
    %get3A_26 = vector.load %arg4[%get3A_24, %get3A_25] : memref<256x128xf32, #tpu.memory_space<vmem>>, vector<256x128xf32>
    %dot_general3A = arith.constant dense<0.000000e+00> : vector<1000x256xf32>
    %dot_general3A_27 = tpu.matmul %div3A_23, %get3A_26, %dot_general3A {dimension_numbers = #tpu.dot_dimension_numbers<[1], [1], [0], [0], [0, 0, 1, 0], [], []>, transpose_lhs_hint = false} : vector<1000x128xf32>, vector<256x128xf32>, vector<1000x256xf32> -> vector<1000x256xf32>
    %get3A_28 = arith.constant 0 : index
    %get3A_29 = arith.constant 0 : index
    %get3A_30 = vector.load %arg5[%get3A_28, %get3A_29] : memref<1x256xf32, #tpu.memory_space<vmem>>, vector<1x256xf32>
    %add3A_31 = vector.broadcast %get3A_30 : vector<1x256xf32> to vector<1000x256xf32>
    %add3A_32 = arith.addf %dot_general3A_27, %add3A_31 : vector<1000x256xf32>
    %get3A_33 = arith.constant 0 : index
    %get3A_34 = arith.constant 0 : index
    %get3A_35 = vector.load %arg3[%get3A_33, %get3A_34] : memref<1000x128xf32, #tpu.memory_space<vmem>>, vector<1000x128xf32>
    %get3A_36 = arith.constant 0 : index
    %get3A_37 = arith.constant 0 : index
    %get3A_38 = vector.load %arg6[%get3A_36, %get3A_37] : memref<256x128xf32, #tpu.memory_space<vmem>>, vector<256x128xf32>
    %dot_general3A_39 = arith.constant dense<0.000000e+00> : vector<1000x256xf32>
    %dot_general3A_40 = tpu.matmul %get3A_35, %get3A_38, %dot_general3A_39 {dimension_numbers = #tpu.dot_dimension_numbers<[1], [1], [0], [0], [0, 0, 1, 0], [], []>, transpose_lhs_hint = false} : vector<1000x128xf32>, vector<256x128xf32>, vector<1000x256xf32> -> vector<1000x256xf32>
    %add3A_41 = arith.addf %add3A_32, %dot_general3A_40 : vector<1000x256xf32>
    %max3A_42 = arith.constant 0.000000e+00 : f32
    %max3A_43 = vector.broadcast %max3A_42 : f32 to vector<1000x256xf32>
    %max3A_44 = arith.maximumf %add3A_41, %max3A_43 : vector<1000x256xf32>
    %get3A_45 = arith.constant 0 : index
    %get3A_46 = arith.constant 0 : index
    %get3A_47 = vector.load %arg7[%get3A_45, %get3A_46] : memref<128x256xf32, #tpu.memory_space<vmem>>, vector<128x256xf32>
    %dot_general3A_48 = arith.constant dense<0.000000e+00> : vector<1000x128xf32>
    %dot_general3A_49 = tpu.matmul %max3A_44, %get3A_47, %dot_general3A_48 {dimension_numbers = #tpu.dot_dimension_numbers<[1], [1], [0], [0], [0, 0, 1, 0], [], []>, transpose_lhs_hint = false} : vector<1000x256xf32>, vector<128x256xf32>, vector<1000x128xf32> -> vector<1000x128xf32>
    %swap3A = arith.constant 0 : index
    %swap3A_50 = arith.constant 0 : index
    %swap3A_51 = vector.load %arg9[%swap3A, %swap3A_50] : memref<1000x128xf32, #tpu.memory_space<vmem>>, vector<1000x128xf32>
    tpu.vector_store %arg9[%swap3A, %swap3A_50], %dot_general3A_49 {strides = array<i32>} : memref<1000x128xf32, #tpu.memory_space<vmem>>, vector<1000x128xf32>,
    %get3A_52 = arith.constant 0 : index
    %get3A_53 = arith.constant 0 : index
    %get3A_54 = vector.load %arg8[%get3A_52, %get3A_53] : memref<128x256xf32, #tpu.memory_space<vmem>>, vector<128x256xf32>
    %dot_general3A_55 = arith.constant dense<0.000000e+00> : vector<1000x128xf32>
    %dot_general3A_56 = tpu.matmul %max3A_44, %get3A_54, %dot_general3A_55 {dimension_numbers = #tpu.dot_dimension_numbers<[1], [1], [0], [0], [0, 0, 1, 0], [], []>, transpose_lhs_hint = false} : vector<1000x256xf32>, vector<128x256xf32>, vector<1000x128xf32> -> vector<1000x128xf32>
    %swap3A_57 = arith.constant 0 : index
    %swap3A_58 = arith.constant 0 : index
    %swap3A_59 = vector.load %arg10[%swap3A_57, %swap3A_58] : memref<1000x128xf32, #tpu.memory_space<vmem>>, vector<1000x128xf32>
    tpu.vector_store %arg10[%swap3A_57, %swap3A_58], %dot_general3A_56 {strides = array<i32>} : memref<1000x128xf32, #tpu.memory_space<vmem>>, vector<1000x128xf32>,
    return
  }
  func.func @transform_0(%arg0: i32) -> (i32, i32, i32) {
    %c0_i32 = arith.constant 0 : i32
    %c0_i32_0 = arith.constant 0 : i32
    %c0_i32_1 = arith.constant 0 : i32
    return %c0_i32, %arg0, %c0_i32_0 : i32, i32, i32
  }
  func.func @transform_1(%arg0: i32) -> (i32, i32, i32) {
    %c0_i32 = arith.constant 0 : i32
    %c0_i32_0 = arith.constant 0 : i32
    %c0_i32_1 = arith.constant 0 : i32
    return %c0_i32, %arg0, %c0_i32_0 : i32, i32, i32
  }
  func.func @transform_2(%arg0: i32) -> (i32, i32) {
    %c0_i32 = arith.constant 0 : i32
    %c0_i32_0 = arith.constant 0 : i32
    return %arg0, %c0_i32 : i32, i32
  }
  func.func @transform_3(%arg0: i32) -> (i32, i32) {
    %c0_i32 = arith.constant 0 : i32
    %c0_i32_0 = arith.constant 0 : i32
    %c0_i32_1 = arith.constant 0 : i32
    return %c0_i32, %c0_i32_0 : i32, i32
  }
  func.func @transform_4(%arg0: i32) -> (i32, i32) {
    %c0_i32 = arith.constant 0 : i32
    %c0_i32_0 = arith.constant 0 : i32
    %c0_i32_1 = arith.constant 0 : i32
    return %c0_i32, %c0_i32_0 : i32, i32
  }
  func.func @transform_5(%arg0: i32) -> (i32, i32) {
    %c0_i32 = arith.constant 0 : i32
    %c0_i32_0 = arith.constant 0 : i32
    %c0_i32_1 = arith.constant 0 : i32
    return %c0_i32, %c0_i32_0 : i32, i32
  }
  func.func @transform_6(%arg0: i32) -> (i32, i32) {
    %c0_i32 = arith.constant 0 : i32
    %c0_i32_0 = arith.constant 0 : i32
    %c0_i32_1 = arith.constant 0 : i32
    return %c0_i32, %c0_i32_0 : i32, i32
  }
  func.func @transform_7(%arg0: i32) -> (i32, i32) {
    %c0_i32 = arith.constant 0 : i32
    %c0_i32_0 = arith.constant 0 : i32
    %c0_i32_1 = arith.constant 0 : i32
    return %c0_i32, %c0_i32_0 : i32, i32
  }
  func.func @transform_8(%arg0: i32) -> (i32, i32) {
    %c0_i32 = arith.constant 0 : i32
    %c0_i32_0 = arith.constant 0 : i32
    return %arg0, %c0_i32 : i32, i32
  }
  func.func @transform_9(%arg0: i32) -> (i32, i32) {
    %c0_i32 = arith.constant 0 : i32
    %c0_i32_0 = arith.constant 0 : i32
    return %arg0, %c0_i32 : i32, i32
  }
}

module attributes {stable_mosaic.version = 14 : i64} {
  func.func @_dense2_body(%arg0: i32, %arg1: memref<2x1000x128xf32, #tpu.memory_space<vmem>>, %arg2: memref<2x1000x128xf32, #tpu.memory_space<vmem>>, %arg3: memref<1000x128xf32, #tpu.memory_space<vmem>>, %arg4: memref<1x128xf32, #tpu.memory_space<vmem>>, %arg5: memref<1000x128xf32, #tpu.memory_space<vmem>>) attributes {dimension_semantics = [#tpu.dimension_semantics<arbitrary>], iteration_bounds = array<i64: 10>, scalar_prefetch = 0 : i64, scratch_operands = 0 : i64, tpu.core_type = #tpu.core_type<tc>, window_params = [{transform_indices = @transform_0, window_bounds = array<i64: 2, 1000, 128>}, {transform_indices = @transform_1, window_bounds = array<i64: 2, 1000, 128>}, {transform_indices = @transform_2, window_bounds = array<i64: 1000, 128>}, {pipeline_mode = #tpu.pipeline_mode<synchronous>, transform_indices = @transform_3, window_bounds = array<i64: 1, 128>}, {transform_indices = @transform_4, window_bounds = array<i64: 1000, 128>}]} {
    %get3A = arith.constant 0 : index
    %get3A_0 = arith.constant 0 : index
    %get3A_1 = arith.constant 0 : index
    %get3A_2 = vector.load %arg2[%get3A, %get3A_0, %get3A_1] : memref<2x1000x128xf32, #tpu.memory_space<vmem>>, vector<1x1000x128xf32>
    %get3A_3 = vector.shape_cast %get3A_2 : vector<1x1000x128xf32> to vector<1000x128xf32>
    %slice3A = vector.extract_strided_slice %get3A_3 {offsets = [0, 0], sizes = [1000, 1], strides = [1, 1]} : vector<1000x128xf32> to vector<1000x1xf32>
    %get3A_4 = arith.constant 1 : index
    %get3A_5 = arith.constant 0 : index
    %get3A_6 = arith.constant 0 : index
    %get3A_7 = vector.load %arg2[%get3A_4, %get3A_5, %get3A_6] : memref<2x1000x128xf32, #tpu.memory_space<vmem>>, vector<1x1000x128xf32>
    %get3A_8 = vector.shape_cast %get3A_7 : vector<1x1000x128xf32> to vector<1000x128xf32>
    %slice3A_9 = vector.extract_strided_slice %get3A_8 {offsets = [0, 0], sizes = [1000, 1], strides = [1, 1]} : vector<1000x128xf32> to vector<1000x1xf32>
    %add3A = arith.addf %slice3A, %slice3A_9 : vector<1000x1xf32>
    %get3A_10 = arith.constant 0 : index
    %get3A_11 = arith.constant 0 : index
    %get3A_12 = arith.constant 0 : index
    %get3A_13 = vector.load %arg1[%get3A_10, %get3A_11, %get3A_12] : memref<2x1000x128xf32, #tpu.memory_space<vmem>>, vector<1x1000x128xf32>
    %get3A_14 = vector.shape_cast %get3A_13 : vector<1x1000x128xf32> to vector<1000x128xf32>
    %get3A_15 = arith.constant 1 : index
    %get3A_16 = arith.constant 0 : index
    %get3A_17 = arith.constant 0 : index
    %get3A_18 = vector.load %arg1[%get3A_15, %get3A_16, %get3A_17] : memref<2x1000x128xf32, #tpu.memory_space<vmem>>, vector<1x1000x128xf32>
    %get3A_19 = vector.shape_cast %get3A_18 : vector<1x1000x128xf32> to vector<1000x128xf32>
    %add3A_20 = arith.addf %get3A_14, %get3A_19 : vector<1000x128xf32>
    %max3A = arith.constant 1.000000e+00 : f32
    %max3A_21 = vector.broadcast %max3A : f32 to vector<1000x1xf32>
    %max3A_22 = arith.maximumf %add3A, %max3A_21 : vector<1000x1xf32>
    %div3A = vector.broadcast %max3A_22 : vector<1000x1xf32> to vector<1000x128xf32>
    %div3A_23 = arith.divf %add3A_20, %div3A : vector<1000x128xf32>
    %get3A_24 = arith.constant 0 : index
    %get3A_25 = arith.constant 0 : index
    %get3A_26 = vector.load %arg3[%get3A_24, %get3A_25] : memref<1000x128xf32, #tpu.memory_space<vmem>>, vector<1000x128xf32>
    %add3A_27 = arith.addf %div3A_23, %get3A_26 : vector<1000x128xf32>
    %get3A_28 = arith.constant 0 : index
    %get3A_29 = arith.constant 0 : index
    %get3A_30 = vector.load %arg4[%get3A_28, %get3A_29] : memref<1x128xf32, #tpu.memory_space<vmem>>, vector<1x128xf32>
    %add3A_31 = vector.broadcast %get3A_30 : vector<1x128xf32> to vector<1000x128xf32>
    %add3A_32 = arith.addf %add3A_27, %add3A_31 : vector<1000x128xf32>
    %reduce_max3A = arith.constant dense<0xFF800000> : vector<1000xf32>
    %reduce_max3A_33 = vector.multi_reduction <maximumf>, %add3A_32, %reduce_max3A [1] : vector<1000x128xf32> to vector<1000xf32>
    %broadcast_in_dim3A = vector.shape_cast %reduce_max3A_33 : vector<1000xf32> to vector<1000x1xf32>
    %sub3A = vector.broadcast %broadcast_in_dim3A : vector<1000x1xf32> to vector<1000x128xf32>
    %sub3A_34 = arith.subf %add3A_32, %sub3A : vector<1000x128xf32>
    %exp3A = math.exp %sub3A_34 : vector<1000x128xf32>
    %sub3A_35 = vector.broadcast %broadcast_in_dim3A : vector<1000x1xf32> to vector<1000x128xf32>
    %sub3A_36 = arith.subf %add3A_32, %sub3A_35 : vector<1000x128xf32>
    %reduce_sum3A = arith.constant dense<0.000000e+00> : vector<1000xf32>
    %reduce_sum3A_37 = vector.multi_reduction <add>, %exp3A, %reduce_sum3A [1] : vector<1000x128xf32> to vector<1000xf32>
    %broadcast_in_dim3A_38 = vector.shape_cast %reduce_sum3A_37 : vector<1000xf32> to vector<1000x1xf32>
    %log3A = math.log %broadcast_in_dim3A_38 : vector<1000x1xf32>
    %sub3A_39 = vector.broadcast %log3A : vector<1000x1xf32> to vector<1000x128xf32>
    %sub3A_40 = arith.subf %sub3A_36, %sub3A_39 : vector<1000x128xf32>
    %swap3A = arith.constant 0 : index
    %swap3A_41 = arith.constant 0 : index
    %swap3A_42 = vector.load %arg5[%swap3A, %swap3A_41] : memref<1000x128xf32, #tpu.memory_space<vmem>>, vector<1000x128xf32>
    tpu.vector_store %arg5[%swap3A, %swap3A_41], %sub3A_40 {strides = array<i32>} : memref<1000x128xf32, #tpu.memory_space<vmem>>, vector<1000x128xf32>,
    return
  }
  func.func @transform_0(%arg0: i32) -> (i32, i32, i32) {
    %c0_i32 = arith.constant 0 : i32
    %c0_i32_0 = arith.constant 0 : i32
    %c0_i32_1 = arith.constant 0 : i32
    return %c0_i32, %arg0, %c0_i32_0 : i32, i32, i32
  }
  func.func @transform_1(%arg0: i32) -> (i32, i32, i32) {
    %c0_i32 = arith.constant 0 : i32
    %c0_i32_0 = arith.constant 0 : i32
    %c0_i32_1 = arith.constant 0 : i32
    return %c0_i32, %arg0, %c0_i32_0 : i32, i32, i32
  }
  func.func @transform_2(%arg0: i32) -> (i32, i32) {
    %c0_i32 = arith.constant 0 : i32
    %c0_i32_0 = arith.constant 0 : i32
    return %arg0, %c0_i32 : i32, i32
  }
  func.func @transform_3(%arg0: i32) -> (i32, i32) {
    %c0_i32 = arith.constant 0 : i32
    %c0_i32_0 = arith.constant 0 : i32
    %c0_i32_1 = arith.constant 0 : i32
    return %c0_i32, %c0_i32_0 : i32, i32
  }
  func.func @transform_4(%arg0: i32) -> (i32, i32) {
    %c0_i32 = arith.constant 0 : i32
    %c0_i32_0 = arith.constant 0 : i32
    return %arg0, %c0_i32 : i32, i32
  }
}

</mosaic_0001>

<sc_bundles>
// kernel: kernel.10.cloned.1.call-start
scs
__scs_entry_jumppad:
0x0: {  	(pc) =	sbr.rel $0x88, $3  }
0x1: {  	(tag) =	ssettag $0x0;
	lr =	simm.s32 $0x1  }
0x2: {  	[smem:$0x3F99] =	sst lr;
	_ =	strace $0xD0000000  }
0x3: {  	_ = 	snop  }
0x4: {  	_ = 	snop  }
0x5: {  	_ = 	snop  }
0x6: {  	_ = 	snop  }
0x7: {  	_ = 	snop  }
__scs_overlays_trampoline_lowered:
0x8: {  	[smem:$0x3FA8] =	sst s0  }
0x9: {  	[smem:$0x3FA9] =	sst s1  }
0xa: {  	[smem:$0x3FAA] =	sst s2  }
0xb: {  	[smem:$0x3FAB] =	sst s3  }
0xc: {  	[smem:$0x3FAC] =	sst s4  }
0xd: {  	[smem:$0x3FAD] =	sst s5  }
0xe: {  	[smem:$0x3FAE] =	sst s6  }
0xf: {  	[smem:$0x3FAF] =	sst s7  }
0x10: {  	[smem:$0x3FB0] =	sst s8  }
0x11: {  	[smem:$0x3FB1] =	sst s9;
	s0 =	simm.s32 @!p0 $0x0  }
0x12: {  	s1 =	sld [smem:$0x3F97];
	s0 =	simm.s32 @p0 $0x1  }
0x13: {  	[smem:$0x3FB2] =	sst s0;
	s0 =	simm.s32 @!p1 $0x0  }
0x14: {  	s2 =	sld [smem:$0x3F96];
	s0 =	simm.s32 @p1 $0x1  }
0x15: {  	[smem:$0x3FB3] =	sst s0;
	s0 =	simm.s32 @!p2 $0x0  }
0x16: {  	s3 =	sld [smem:$0x3FDB];
	s0 =	simm.s32 @p2 $0x1  }
0x17: {  	s4 =	simm.s32 $0x1BF5;
	[smem:$0x3FB5] =	sst s0  }
0x18: {  	s0 =	sld [smem:$0x3F98];
	_ =	swait.ge [sflag:s4], $0x0  }
0x19: {  	s7 =	sld [smem:$0x3F99]  }
0x1a: {  	s8 =	sadd.s32 $0xFFFFE003, lr  }
0x1b: {  	s9 =	sadd.s32 $0xFFFFFEF7, lr;
	s5 =	simm.s32 $0xFFFFFFFF;
	p2 =	slt.u32 s8, $0xFFFFF086  }
0x1c: {  	p1 =	slt.u32 s9, $0xF7A;
	s5 =	simm.s32 @!p2 $0x0  }
0x1d: {  	s5 =	simm.s32 @p1 $0x1;
	p0 =	seq.s32 s7, s2  }
0x1e: {  	s7 =	smul.u32 @!p0 $0xF7A, s2;
	p2 =	seq.s32 @!p0 s5, $0x0  }
0x1f: {  	s9 =	smul.u32 $0xF7A, s1;
	s8 =	simm.s32 @!p0 $0x1BF5;
	p2 =	por !p2, p0  }
0x20: {  	[sflag:s8] =	ssyncset.s32 @!p0 $0xFFFFF086;
	s6 =	sadd.s32 @!p0 s3, s7;
	s7 =	simm.s32 @!p0 $0x108  }
0x21: {  	s3 =	sadd.s32 s3, s9;
	s6 =	sadd.s32 @!p0 $0x88, s6;
	s7 =	simm.s32 @p2 $0x1082  }
0x22: {  	[simem:s7], [sflag:s8] =	dma.local @!p0 [hbm:s6], $0xF7A  }
0x23: {  	s9 =	sor.u32 $0xD0000000, s2;
	s6 =	simm.s32 $0x108;
	_ =	swait.ge @!p0 [sflag:s8], $0x0  }
0x24: {  	s3 =	sadd.s32 $0x88, s3;
	s6 =	simm.s32 @!p1 $0x1082;
	[sflag:s4] =	ssyncset.s32 $0xFFFFF086  }
0x25: {  	[simem:s6], [sflag:s4] =	dma.local [hbm:s3], $0xF7A  }
0x26: {  	[smem:$0x3F99] =	sst s1;
	(tag) =	ssettag s2;
	_ =	strace s9  }
0x27: {  	s1 =	sld [smem:$0x3FA9]  }
0x28: {  	s2 =	sld [smem:$0x3FAA]  }
0x29: {  	s4 =	sld [smem:$0x3FAC]  }
0x2a: {  	p0 =	seq.s32 s5, $0x0;
	s5 =	sld [smem:$0x3FAD]  }
0x2b: {  	s6 =	sld [smem:$0x3FAE]  }
0x2c: {  	s7 =	sld [smem:$0x3FAF]  }
0x2d: {  	s3 =	simm.s32 $0x108;
	s8 =	sld [smem:$0x3FB0]  }
0x2e: {  	s3 =	simm.s32 @!p0 $0x1082;
	s9 =	sld [smem:$0x3FB1]  }
0x2f: {  	lr =	sadd.s32 s0, s3;
	s0 =	sld [smem:$0x3FA8]  }
0x30: {  	s3 =	sld [smem:$0x3FAB]  }
0x31: {  	[smem:$0x3FB4] =	sst s10  }
0x32: {  	s10 =	sld [smem:$0x3FB2];
	_ =	sdelay $0x3  }
0x33: {  	p0 =	seq.s32 s10, $0x1;
	s10 =	sld [smem:$0x3FB4];
	_ =	sdelay $0x3  }
0x34: {  	[smem:$0x3FB4] =	sst s10  }
0x35: {  	s10 =	sld [smem:$0x3FB3];
	_ =	sdelay $0x3  }
0x36: {  	p1 =	seq.s32 s10, $0x1;
	s10 =	sld [smem:$0x3FB4];
	_ =	sdelay $0x3  }
0x37: {  	[smem:$0x3FB4] =	sst s10  }
0x38: {  	s10 =	sld [smem:$0x3FB5]  }
0x39: {  	_ = 	snop;
	(pc) =	sbr.ind lr, $3  }
0x3a: {  	_ = 	snop  }
0x3b: {  	_ = 	snop  }
0x3c: {  	p2 =	seq.s32 s10, $0x1;
	s10 =	sld [smem:$0x3FB4]  }
0x3d: {  	_ =	shalt  }
0x3e: {  	_ =	shalt  }
0x3f: {  	_ =	shalt  }
0x40: {  	_ =	shalt  }
0x41: {  	_ =	shalt  }
0x42: {  	_ =	shalt  }
0x43: {  	_ =	shalt  }
0x44: {  	_ =	shalt  }
0x45: {  	_ =	shalt  }
0x46: {  	_ =	shalt  }
0x47: {  	_ =	shalt  }
0x48: {  	_ =	shalt  }
0x49: {  	_ =	shalt  }
0x4a: {  	_ =	shalt  }
0x4b: {  	_ =	shalt  }
0x4c: {  	_ =	shalt  }
0x4d: {  	_ =	shalt  }
0x4e: {  	_ =	shalt  }
0x4f: {  	_ =	shalt  }
0x50: {  	_ =	shalt  }
0x51: {  	_ =	shalt  }
0x52: {  	_ =	shalt  }
0x53: {  	_ =	shalt  }
0x54: {  	_ =	shalt  }
0x55: {  	_ =	shalt  }
0x56: {  	_ =	shalt  }
0x57: {  	_ =	shalt  }
0x58: {  	_ =	shalt  }
0x59: {  	_ =	shalt  }
0x5a: {  	_ =	shalt  }
0x5b: {  	_ =	shalt  }
0x5c: {  	_ =	shalt  }
0x5d: {  	_ =	shalt  }
0x5e: {  	_ =	shalt  }
0x5f: {  	_ =	shalt  }
0x60: {  	_ =	shalt  }
0x61: {  	_ =	shalt  }
0x62: {  	_ =	shalt  }
0x63: {  	_ =	shalt  }
0x64: {  	_ =	shalt  }
0x65: {  	_ =	shalt  }
0x66: {  	_ =	shalt  }
0x67: {  	_ =	shalt  }
0x68: {  	_ =	shalt  }
0x69: {  	_ =	shalt  }
0x6a: {  	_ =	shalt  }
0x6b: {  	_ =	shalt  }
0x6c: {  	_ =	shalt  }
0x6d: {  	_ =	shalt  }
0x6e: {  	_ =	shalt  }
0x6f: {  	_ =	shalt  }
0x70: {  	_ =	shalt  }
0x71: {  	_ =	shalt  }
0x72: {  	_ =	shalt  }
0x73: {  	_ =	shalt  }
0x74: {  	_ =	shalt  }
0x75: {  	_ =	shalt  }
0x76: {  	_ =	shalt  }
0x77: {  	_ =	shalt  }
0x78: {  	_ =	shalt  }
0x79: {  	_ =	shalt  }
0x7a: {  	_ =	shalt  }
0x7b: {  	_ =	shalt  }
0x7c: {  	_ =	shalt  }
0x7d: {  	_ =	shalt  }
0x7e: {  	_ =	shalt  }
0x7f: {  	_ =	shalt  }
0x80: {  	_ =	shalt  }
0x81: {  	_ =	shalt  }
0x82: {  	_ =	shalt  }
0x83: {  	_ =	shalt  }
0x84: {  	_ =	shalt  }
0x85: {  	_ =	shalt  }
0x86: {  	_ =	shalt  }
0x87: {  	_ =	shalt  }
.Lfunc_end0:
.L_simem_size_0:
called_computation.1_lowered:
.L_overlay_start_0:
0x88: {  	s2 =	sld [smem:$0x3FD9]  }
0x89: {  	s3 =	sld [smem:$0x3FFE];
	_ =	sdelay $0x1  }
0x8a: {  	s1 =	srdreg.scid  }
0x8b: {  	s0 =	sand.u32 $0x1, s1  }
0x8c: {  	s17 =	sshll.u32 s0, $0xA;
	s2 =	sadd.s32 s3, s2  }
0x8d: {  	s2 =	sadd.s32 s2, s17  }
0x8e: {  	[smem:$0x3FC0] =	sst s2  }
0x8f: {  	_ = 	snop  }
0x90: {  	s2 =	sld [smem:$0x3FC9];
	(tm) =	ssettm $0x1  }
0x91: {  	s18 =	sld [smem:$0x3FFB];
	_ =	sdelay $0x3  }
0x92: {  	_ =	strace s18  }
0x93: {  	s3 =	sld [smem:$0x3FFC];
	_ =	sdelay $0x3  }
0x94: {  	_ =	strace s3  }
0x95: {  	s3 =	sld [smem:$0x3FFD];
	_ =	sdelay $0x3  }
0x96: {  	_ =	strace s3  }
0x97: {  	_ =	strace $0x8FFFFFFF  }
0x98: {  	s19 =	sld [smem:$0x3FDB];
	_ =	sdelay $0x1  }
0x99: {  	s4 =	simm.s32 $_scs_section_size  }
0x9a: {  	s5 =	simm.s32 $_size__tile_overlayer_lowered;
	s6 =	simm.s32 $_tile_overlayer_lowered  }
0x9b: {  	s22 =	simm.s32 $0x1BFF;
	s21 =	sshll.u32 s6, $0x1;
	s3 =	sadd.s32 s4, s19  }
0x9c: {  	s7 =	simm.s32 $0x0;
	s20 =	sshll.u32 s5, $0x1;
	s5 =	sadd.s32 s21, s3  }
0x9d: {  	[timem:s7], [sflag:s22] =	dma.local [hbm:s5], s20  }
0x9e: {  	_ =	swait.ge [sflag:s22], s20  }
0x9f: {  	s4 =	ssub.s32 $0x0, s20;
	[sflag:s22] =	ssyncset.done $0x0  }
0xa0: {  	[sflag:s22] =	ssyncadd.s32 s4;
	_ =	sdelay $0x1  }
0xa1: {  	s23 =	simm.s32 $0x1B8B  }
0xa2: {  	_ =	swait.ge [sflag:s23], $0x1  }
0xa3: {  	[sflag:s23] =	ssyncset.done $0x0  }
0xa4: {  	s25 =	simm.s32 $0x1B8E;
	s24 =	sld [smem:$0x3FFE];
	[sflag:s23] =	ssyncadd.s32 $0xFFFFFFFF  }
0xa5: {  	s26 =	simm.s32 $execute0_lowered;
	[smem:$0x3FD2] =	sst s25  }
0xa6: {  	s5 =	sshll.u32 s26, $0x1;
	_ =	strace $0x80000046;
	[dreg:$0x1] =	wrdreg $0xFFFFFFFF  }
0xa7: {  	s28 =	simm.s32 $_size_execute0_lowered;
	s3 =	sadd.s32 s3, s5;
	[dreg:$0x0] =	wrdreg $0x0  }
0xa8: {  	s5 =	sshll.u32 s28, $0x1;
	[dreg:$0x2] =	wrdreg s3  }
0xa9: {  	[dreg:$0x3] =	wrdreg s5  }
0xaa: {  	[dreg:$0x4] =	wrdreg $0xC0  }
0xab: {  	_ =	task [dreg:s7], $0x5FFFF  }
0xac: {  	[dreg:$0x1] =	wrdreg $0xFFFFFFFF  }
0xad: {  	[dreg:$0x0] =	wrdreg $0x60  }
0xae: {  	[dreg:$0x2] =	wrdreg s2  }
0xaf: {  	[dreg:$0x3] =	wrdreg s24  }
0xb0: {  	[dreg:$0x4] =	wrdreg $0x0  }
0xb1: {  	[dreg:$0x5] =	wrdreg $0xA  }
0xb2: {  	_ =	task.clear_ibuf [dreg:s7], $0x6FFFF;
	_ =	strace $0x90000046  }
0xb3: {  	s29 =	simm.s32 $0xA;
	_ =	strace $0x80000048  }
0xb4: {  	_ =	swait.ge [sflag:s29], $0x1  }
0xb5: {  	[sflag:s29] =	ssyncadd.s32 $0xFFFFFFFF  }
0xb6: {  	_ =	strace $0x90000048  }
0xb7: {  	_ =	sfence  }
0xb8: {  	s30 =	sld [smem:$0x0];
	_ =	sdelay $0x2  }
0xb9: {  	s31 =	sshll.u32 s1, $0xD;
	s1 =	sshrl.u32 s1, $0x2  }
0xba: {  	s3 =	sand.u32 $0x4000, s31;
	s1 =	sadd.s32 s1, s30  }
0xbb: {  	s0 =	sor.u32 s3, s0;
	s1 =	sshll.u32 s1, $0x11  }
0xbc: {  	s0 =	sor.u32 s1, s0  }
0xbd: {  	s0 =	sadd.s32 $0x8F2B, s0  }
0xbe: {  	[sflag:s0] =	ssyncadd.remote.s32 $0x1  }
0xbf: {  	_ =	sfence.sel $0xFFFF  }
0xc0: {  	[dreg:$0x0] =	wrdreg $0xFFFFFFFF;
	(pc) =	sbr.abs _section_cstart, $3  }
0xc1: {  	[dreg:$0x1] =	wrdreg $0xFFFFFFFF  }
0xc2: {  	_ =	task.clear_ibuf [dreg:s7], $0x2FFFF;
	_ =	strace $0x9FFFFFFF  }
0xc3: {  	(tm) =	ssettm $0x7FFFFFFF  }
tec
execute0_lowered:
.L_overlay_start_1:
0x0: {  	(tag) =	ssettag $0x1  }
0x1: {  	s1 =	rddreg [dreg:$0x0]  }
0x2: {  	s0 =	rddreg [dreg:$0x1]  }
0x3: {  	s2 =	rddreg [dreg:$0x2]  }
0x4: {  	s3 =	simm.s32 $0x0;
	s4 =	srdreg.scid;
	s9 =	stileid.u32  }
0x5: {  	s22 =	simm.s32 $0x3E;
	s28 =	simm.s32 $0x80;
	s29 =	simm.s32 $0x17D00  }
0x6: {  	s30 =	simm.s32 $0x17D80;
	s31 =	simm.s32 $0x17E00;
	[smem:$0x7FF] =	sst s3  }
0x7: {  	s5 =	sadd.s32 $0xBC00, s0;
	s4 =	sand.u32 $0x1, s4;
	s8 =	smul.u32 $0x22, s9  }
0x8: {  	s13 =	sadd.s32 $0x1E00, s0;
	s7 =	sadd.s32 $0x15A00, s0;
	s12 =	smul.u32 $0x4F000, s9  }
0x9: {  	s0 =	sadd.s32 $0x16200, s0;
	s15 =	smul.u32 $0x13C00, s9;
	_ =	strace $0x80000047  }
0xa: {  	s6 =	ssub.s32 $0x2, s4;
	[dreg:$0x4] =	wrdreg s7;
	s7 =	smul.u32 $0x7C, s9  }
0xb: {  	p0 =	seq.s32 s4, $0x0;
	s4 =	smul.u32 $0x13C000, s4;
	s11 =	sshrl.u32 s6, $0x1  }
0xc: {  	s10 =	sadd.s32 $0x7C0, s8;
	s22 =	simm.s32 @!p0 $0x11;
	s16 =	sadd.s32 $0x4000, s15  }
0xd: {  	s18 =	sadd.s32 $0x8000, s15;
	s19 =	sadd.s32 $0xC000, s15;
	s20 =	sadd.s32 $0x10000, s15  }
0xe: {  	s14 =	ssub.s32 s6, s11;
	s6 =	sshrl.u32 s12, $0x2;
	s10 =	smov.u32 @p0 s7  }
0xf: {  	s7 =	sadd.s32 s16, s2;
	s8 =	sadd.s32 s18, s2;
	s9 =	sadd.s32 s19, s2  }
0x10: {  	s15 =	sadd.s32 s15, s4;
	s16 =	sadd.s32 s4, s16;
	s23 =	sadd.s32 s4, s18  }
0x11: {  	s24 =	sadd.s32 s4, s19;
	s4 =	sadd.s32 s4, s20;
	s26 =	sshll.u32 s22, $0x5  }
0x12: {  	s6 =	sadd.s32 s6, s2;
	s12 =	sshll.u32 s10, $0x4;
	s10 =	sadd.s32 s20, s2  }
0x13: {  	s21 =	sshrl.u32 s16, $0x3;
	s4 =	sshrl.u32 s4, $0x3;
	s17 =	sor.u32 $0x10, s12  }
0x14: {  	s11 =	sadd.s32 s5, s12;
	s12 =	sadd.s32 s13, s12;
	s5 =	sadd.s32 s5, s17  }
0x15: {  	s13 =	sadd.s32 s13, s17;
	s17 =	sadd.s32 $0xFFFFFFFF, s22;
	[dreg:$0x5] =	wrdreg s5  }
0x16: {  	s22 =	sadd.s32 $0xFFFFFFE0, s26;
	[dreg:$0x6] =	wrdreg s13;
	s5 =	sshrl.u32 s15, $0x3  }
0x17: {  	[dreg:$0x7] =	wrdreg s17;
	s13 =	sshrl.u32 s24, $0x3;
	s5 =	sadd.s32 s0, s5  }
0x18: {  	s26 =	simm.s32 $0x13C80;
	s25 =	sadd.s32 s0, s13;
	[dreg:$0x8] =	wrdreg s5  }
0x19: {  	s24 =	simm.s32 $0x3;
	s5 =	sadd.s32 s0, s21;
	[dreg:$0xb] =	wrdreg s25  }
0x1a: {  	s21 =	smax.u32 s14, $0x1;
	[dreg:$0x9] =	wrdreg s5;
	s5 =	sshrl.u32 s23, $0x3  }
0x1b: {  	s25 =	simm.s32 $0x13C00;
	s23 =	simm.s32 $0x13D00;
	s5 =	sadd.s32 s0, s5  }
0x1c: {  	s0 =	sadd.s32 s0, s4;
	s4 =	simm.s32 $0x2;
	[dreg:$0xa] =	wrdreg s5  }
0x1d: {  	[dreg:$0xc] =	wrdreg s0;
	s0 =	simm.s32 $0x1;
	s5 =	simm.s32 $0x0  }
.LBB2_1:
0x1e: {  	s13 =	rddreg [dreg:$0x4]  }
0x1f: {  	[tilespmem:s23], [sflag:$0x3] =	stream.linear.gather [hbm4b:s13+s3], $0x4000, $0x38;
	[tilespmem:$0x1BE00] =	vst v63  }
0x20: {  	_ =	swait.ge [sflag:s24], $0x4000  }
0x21: {  	[sflag:s24] =	ssyncset.done $0x0  }
0x22: {  	[sflag:s24] =	ssyncadd.s32 $0xFFFFC000  }
0x23: {  	[spmem:s6] =	stream.linear.scatter [tilespmem:s23], [sflag:$0x3], $0x4000, $0x38;
	[tilespmem:$0x1BE00] =	vst v63  }
0x24: {  	_ =	swait.ge [sflag:s24], $0x4000  }
0x25: {  	[sflag:s24] =	ssyncset.done $0x0  }
0x26: {  	[sflag:s24] =	ssyncadd.s32 $0xFFFFC000  }
0x27: {  	[spmem:s7] =	stream.linear.scatter [tilespmem:s23], [sflag:$0x3], $0x4000, $0x38;
	[tilespmem:$0x1BE00] =	vst v63  }
0x28: {  	_ =	swait.ge [sflag:s24], $0x4000  }
0x29: {  	[sflag:s24] =	ssyncset.done $0x0  }
0x2a: {  	[sflag:s24] =	ssyncadd.s32 $0xFFFFC000  }
0x2b: {  	[spmem:s8] =	stream.linear.scatter [tilespmem:s23], [sflag:$0x3], $0x4000, $0x38;
	[tilespmem:$0x1BE00] =	vst v63  }
0x2c: {  	_ =	swait.ge [sflag:s24], $0x4000  }
0x2d: {  	[sflag:s24] =	ssyncset.done $0x0  }
0x2e: {  	[sflag:s24] =	ssyncadd.s32 $0xFFFFC000  }
0x2f: {  	[spmem:s9] =	stream.linear.scatter [tilespmem:s23], [sflag:$0x3], $0x4000, $0x38;
	[tilespmem:$0x1BE00] =	vst v63  }
0x30: {  	_ =	swait.ge [sflag:s24], $0x4000  }
0x31: {  	[sflag:s24] =	ssyncset.done $0x0  }
0x32: {  	[sflag:s24] =	ssyncadd.s32 $0xFFFFC000  }
0x33: {  	[spmem:s10] =	stream.linear.scatter [tilespmem:s23], [sflag:$0x3], $0x3C00, $0x38;
	[tilespmem:$0x1BE00] =	vst v63  }
0x34: {  	_ =	swait.ge [sflag:s24], $0x3C00  }
0x35: {  	[sflag:s24] =	ssyncset.done $0x0  }
0x36: {  	[sflag:s24] =	ssyncadd.s32 $0xFFFFC400  }
0x37: {  	[bflag:$0x0] =	sbarrier.arrive $0xFFFF  }
0x38: {  	[tilespmem:s25], [sflag:$0x3] =	stream.linear.gather [hbm4b:s11+s3], $0x80, $0x38;
	[tilespmem:$0x1BE00] =	vst v63  }
0x39: {  	_ =	swait.ge [sflag:s24], $0x80  }
0x3a: {  	[sflag:s24] =	ssyncset.done $0x0  }
0x3b: {  	[sflag:s24] =	ssyncadd.s32 $0xFFFFFF80  }
0x3c: {  	[tilespmem:s26], [sflag:$0x3] =	stream.linear.gather [hbm4b:s12+s3], $0x80, $0x38;
	[tilespmem:$0x1BE00] =	vst v63  }
0x3d: {  	_ =	swait.ge [sflag:s24], $0x80  }
0x3e: {  	[sflag:s24] =	ssyncset.done $0x0  }
0x3f: {  	[sflag:s24] =	ssyncadd.s32 $0xFFFFFF80  }
0x40: {  	[tilespmem:s23], [sflag:$0x1] =	stream.indirect.gather [hbm4b:s1+s28], $0x80, s25, s28, $0xb8;
	[tilespmem:$0x1BE00] =	vst v63  }
0x41: {  	s16 =	rddreg [dreg:$0x5]  }
0x42: {  	[tilespmem:s29], [sflag:$0x3] =	stream.linear.gather [hbm4b:s16+s3], $0x80, $0x38;
	[tilespmem:$0x1BE00] =	vst v63  }
0x43: {  	_ =	swait.ge [sflag:s24], $0x80  }
0x44: {  	[sflag:s24] =	ssyncset.done $0x0  }
0x45: {  	s17 =	rddreg [dreg:$0x6];
	[sflag:s24] =	ssyncadd.s32 $0xFFFFFF80  }
0x46: {  	[tilespmem:s30], [sflag:$0x3] =	stream.linear.gather [hbm4b:s17+s3], $0x80, $0x38;
	[tilespmem:$0x1BE00] =	vst v63  }
0x47: {  	_ =	swait.ge [sflag:s24], $0x80  }
0x48: {  	[sflag:s24] =	ssyncset.done $0x0  }
0x49: {  	[sflag:s24] =	ssyncadd.s32 $0xFFFFFF80  }
0x4a: {  	[tilespmem:s31], [sflag:$0x2] =	stream.indirect.gather [hbm4b:s1+s28], $0x80, s29, s28, $0xb8;
	[tilespmem:$0x1BE00] =	vst v63  }
0x4b: {  	_ =	swait.ge [sflag:s0], $0x4000  }
0x4c: {  	[sflag:s0] =	ssyncset.done $0x0  }
0x4d: {  	[sflag:s0] =	ssyncadd.s32 $0xFFFFC000  }
0x4e: {  	[spmem:s2] =	stream.indirect.scatter.add.f32 [tilespmem:s23], [sflag:$0x3], $0x80, s26, s28, $0xb8;
	[tilespmem:$0x1BE00] =	vst v63  }
0x4f: {  	_ =	swait.ge [sflag:s24], $0x4000  }
0x50: {  	s18 =	sadd.s32 $0x0, s11;
	[sflag:s24] =	ssyncset.done $0x0  }
0x51: {  	s14 =	sadd.s32 $0x20, s18;
	[sflag:s24] =	ssyncadd.s32 $0xFFFFC000  }
0x52: {  	[tilespmem:s25], [sflag:$0x3] =	stream.linear.gather [hbm4b:s14+s3], $0x80, $0x38;
	[tilespmem:$0x1BE00] =	vst v63  }
0x53: {  	_ =	swait.ge [sflag:s24], $0x80  }
0x54: {  	s19 =	sadd.s32 $0x0, s12;
	[sflag:s24] =	ssyncset.done $0x0  }
0x55: {  	s15 =	sadd.s32 $0x20, s19;
	[sflag:s24] =	ssyncadd.s32 $0xFFFFFF80  }
0x56: {  	[tilespmem:s26], [sflag:$0x3] =	stream.linear.gather [hbm4b:s15+s3], $0x80, $0x38;
	[tilespmem:$0x1BE00] =	vst v63  }
0x57: {  	_ =	swait.ge [sflag:s24], $0x80  }
0x58: {  	[sflag:s24] =	ssyncset.done $0x0  }
0x59: {  	[sflag:s24] =	ssyncadd.s32 $0xFFFFFF80  }
0x5a: {  	[tilespmem:s23], [sflag:$0x1] =	stream.indirect.gather [hbm4b:s1+s28], $0x80, s25, s28, $0xb8;
	[tilespmem:$0x1BE00] =	vst v63  }
0x5b: {  	_ =	swait.ge [sflag:s4], $0x4000  }
0x5c: {  	[sflag:s4] =	ssyncset.done $0x0  }
0x5d: {  	[sflag:s4] =	ssyncadd.s32 $0xFFFFC000  }
0x5e: {  	[spmem:s2] =	stream.indirect.scatter.add.f32 [tilespmem:s31], [sflag:$0x3], $0x80, s30, s28, $0xb8;
	[tilespmem:$0x1BE00] =	vst v63  }
0x5f: {  	_ =	swait.ge [sflag:s24], $0x4000  }
0x60: {  	[sflag:s24] =	ssyncset.done $0x0  }
0x61: {  	s13 =	sadd.s32 $0x30, s18;
	[sflag:s24] =	ssyncadd.s32 $0xFFFFC000  }
0x62: {  	[tilespmem:s29], [sflag:$0x3] =	stream.linear.gather [hbm4b:s13+s3], $0x80, $0x38;
	[tilespmem:$0x1BE00] =	vst v63  }
0x63: {  	_ =	swait.ge [sflag:s24], $0x80  }
0x64: {  	p0 =	sne.s32 s22, $0x20;
	[sflag:s24] =	ssyncset.done $0x0  }
.Ltmp0:
0x65: {  	s20 =	sadd.s32 $0x30, s19;
	[sflag:s24] =	ssyncadd.s32 $0xFFFFFF80;
	(pc) =	sbr.rel @!p0 .LBB2_3-.Ltmp0, $4  }
0x66: {  	[tilespmem:s30], [sflag:$0x3] =	stream.linear.gather [hbm4b:s20+s3], $0x80, $0x38;
	[tilespmem:$0x1BE00] =	vst v63  }
0x67: {  	_ =	swait.ge [sflag:s24], $0x80  }
0x68: {  	[sflag:s24] =	ssyncset.done $0x0  }
0x69: {  	s14 =	simm.s32 $0x1;
	s13 =	simm.s32 $0x20;
	[sflag:s24] =	ssyncadd.s32 $0xFFFFFF80  }
.LBB2_2:
0x6a: {  	[tilespmem:s31], [sflag:$0x2] =	stream.indirect.gather [hbm4b:s1+s28], $0x80, s29, s28, $0xb8;
	[tilespmem:$0x1BE00] =	vst v63  }
0x6b: {  	s15 =	smov.u32 s13;
	s13 =	sadd.s32 $0x20, s13;
	_ =	swait.ge [sflag:s0], $0x4000  }
0x6c: {  	p0 =	sne.s32 s22, s13;
	[sflag:s0] =	ssyncset.done $0x0  }
0x6d: {  	[sflag:s0] =	ssyncadd.s32 $0xFFFFC000  }
0x6e: {  	[spmem:s2] =	stream.indirect.scatter.add.f32 [tilespmem:s23], [sflag:$0x3], $0x80, s26, s28, $0xb8;
	[tilespmem:$0x1BE00] =	vst v63  }
0x6f: {  	_ =	swait.ge [sflag:s24], $0x4000  }
0x70: {  	s16 =	sadd.s32 s15, s11;
	[sflag:s24] =	ssyncset.done $0x0  }
0x71: {  	s17 =	sadd.s32 $0x20, s16;
	[sflag:s24] =	ssyncadd.s32 $0xFFFFC000  }
0x72: {  	[tilespmem:s25], [sflag:$0x3] =	stream.linear.gather [hbm4b:s17+s3], $0x80, $0x38;
	[tilespmem:$0x1BE00] =	vst v63  }
0x73: {  	_ =	swait.ge [sflag:s24], $0x80  }
0x74: {  	s15 =	sadd.s32 s15, s12;
	[sflag:s24] =	ssyncset.done $0x0  }
0x75: {  	s17 =	sadd.s32 $0x20, s15;
	[sflag:s24] =	ssyncadd.s32 $0xFFFFFF80  }
0x76: {  	[tilespmem:s26], [sflag:$0x3] =	stream.linear.gather [hbm4b:s17+s3], $0x80, $0x38;
	[tilespmem:$0x1BE00] =	vst v63  }
0x77: {  	_ =	swait.ge [sflag:s24], $0x80  }
0x78: {  	[sflag:s24] =	ssyncset.done $0x0  }
0x79: {  	[sflag:s24] =	ssyncadd.s32 $0xFFFFFF80  }
0x7a: {  	[tilespmem:s23], [sflag:$0x1] =	stream.indirect.gather [hbm4b:s1+s28], $0x80, s25, s28, $0xb8;
	[tilespmem:$0x1BE00] =	vst v63  }
0x7b: {  	_ =	swait.ge [sflag:s4], $0x4000  }
0x7c: {  	[sflag:s4] =	ssyncset.done $0x0  }
0x7d: {  	[sflag:s4] =	ssyncadd.s32 $0xFFFFC000  }
0x7e: {  	[spmem:s2] =	stream.indirect.scatter.add.f32 [tilespmem:s31], [sflag:$0x3], $0x80, s30, s28, $0xb8;
	[tilespmem:$0x1BE00] =	vst v63  }
0x7f: {  	_ =	swait.ge [sflag:s24], $0x4000  }
0x80: {  	[sflag:s24] =	ssyncset.done $0x0  }
0x81: {  	s16 =	sadd.s32 $0x30, s16;
	[sflag:s24] =	ssyncadd.s32 $0xFFFFC000  }
0x82: {  	[tilespmem:s29], [sflag:$0x3] =	stream.linear.gather [hbm4b:s16+s3], $0x80, $0x38;
	[tilespmem:$0x1BE00] =	vst v63  }
0x83: {  	_ =	swait.ge [sflag:s24], $0x80  }
0x84: {  	[sflag:s24] =	ssyncset.done $0x0  }
.Ltmp1:
0x85: {  	s15 =	sadd.s32 $0x30, s15;
	[sflag:s24] =	ssyncadd.s32 $0xFFFFFF80;
	(pc) =	sbr.rel @p0 .LBB2_2-.Ltmp1, $4  }
0x86: {  	[tilespmem:s30], [sflag:$0x3] =	stream.linear.gather [hbm4b:s15+s3], $0x80, $0x38;
	[tilespmem:$0x1BE00] =	vst v63  }
0x87: {  	_ =	swait.ge [sflag:s24], $0x80  }
0x88: {  	[sflag:s24] =	ssyncset.done $0x0  }
0x89: {  	s14 =	sadd.s32 $0x1, s14;
	[sflag:s24] =	ssyncadd.s32 $0xFFFFFF80  }
.LBB2_3:
0x8a: {  	[tilespmem:s31], [sflag:$0x2] =	stream.indirect.gather [hbm4b:s1+s28], $0x80, s29, s28, $0xb8;
	[tilespmem:$0x1BE00] =	vst v63  }
0x8b: {  	_ =	swait.ge [sflag:s0], $0x4000  }
0x8c: {  	[sflag:s0] =	ssyncset.done $0x0  }
0x8d: {  	[sflag:s0] =	ssyncadd.s32 $0xFFFFC000  }
0x8e: {  	[spmem:s2] =	stream.indirect.scatter.add.f32 [tilespmem:s23], [sflag:$0x3], $0x80, s26, s28, $0xb8;
	[tilespmem:$0x1BE00] =	vst v63  }
0x8f: {  	_ =	swait.ge [sflag:s24], $0x4000  }
0x90: {  	s15 =	rddreg [dreg:$0x7]  }
0x91: {  	[sflag:s24] =	ssyncset.done $0x0;
	p0 =	slt.u32 s14, s15  }
0x92: {  	[sflag:s24] =	ssyncadd.s32 $0xFFFFC000;
	s14 =	sadd.s32 @p0 s13, s11  }
0x93: {  	s16 =	simm.s32 @p0 $0x0;
	s17 =	simm.s32 @p0 $0x13C00;
	s15 =	sadd.s32 @p0 $0x20, s14  }
0x94: {  	[tilespmem:s17], [sflag:$0x3] =	stream.linear.gather @p0 [hbm4b:s15+s16], $0x80, $0x38;
	[tilespmem:$0x1BE00] =	vst v63  }
0x95: {  	s15 =	simm.s32 @p0 $0x3  }
0x96: {  	_ =	swait.ge @p0 [sflag:s15], $0x80  }
0x97: {  	s13 =	sadd.s32 @p0 s13, s12;
	[sflag:s15] =	ssyncset.done @p0 $0x0  }
0x98: {  	s19 =	simm.s32 @p0 $0x13C80;
	s18 =	sadd.s32 @p0 $0x20, s13;
	[sflag:s15] =	ssyncadd.s32 @p0 $0xFFFFFF80  }
0x99: {  	[tilespmem:s19], [sflag:$0x3] =	stream.linear.gather @p0 [hbm4b:s18+s16], $0x80, $0x38;
	[tilespmem:$0x1BE00] =	vst v63  }
0x9a: {  	_ =	swait.ge @p0 [sflag:s15], $0x80  }
0x9b: {  	[sflag:s15] =	ssyncset.done @p0 $0x0  }
0x9c: {  	s18 =	simm.s32 @p0 $0x80;
	s19 =	simm.s32 @p0 $0x13D00;
	[sflag:s15] =	ssyncadd.s32 @p0 $0xFFFFFF80  }
0x9d: {  	[tilespmem:s19], [sflag:$0x1] =	stream.indirect.gather @p0 [hbm4b:s1+s18], $0x80, s17, s18, $0xb8;
	[tilespmem:$0x1BE00] =	vst v63  }
0x9e: {  	s17 =	simm.s32 @p0 $0x2  }
0x9f: {  	_ =	swait.ge @p0 [sflag:s17], $0x4000  }
0xa0: {  	[sflag:s17] =	ssyncset.done @p0 $0x0  }
0xa1: {  	s19 =	simm.s32 @p0 $0x17E00;
	[sflag:s17] =	ssyncadd.s32 @p0 $0xFFFFC000;
	s17 =	simm.s32 @p0 $0x17D80  }
0xa2: {  	[spmem:s2] =	stream.indirect.scatter.add.f32 @p0 [tilespmem:s19], [sflag:$0x3], $0x80, s17, s18, $0xb8;
	[tilespmem:$0x1BE00] =	vst v63  }
0xa3: {  	_ =	swait.ge @p0 [sflag:s15], $0x4000  }
0xa4: {  	[sflag:s15] =	ssyncset.done @p0 $0x0  }
0xa5: {  	s20 =	simm.s32 @p0 $0x17D00;
	s14 =	sadd.s32 @p0 $0x30, s14;
	[sflag:s15] =	ssyncadd.s32 @p0 $0xFFFFC000  }
0xa6: {  	[tilespmem:s20], [sflag:$0x3] =	stream.linear.gather @p0 [hbm4b:s14+s16], $0x80, $0x38;
	[tilespmem:$0x1BE00] =	vst v63  }
0xa7: {  	_ =	swait.ge @p0 [sflag:s15], $0x80  }
0xa8: {  	[sflag:s15] =	ssyncset.done @p0 $0x0  }
0xa9: {  	s13 =	sadd.s32 @p0 $0x30, s13;
	[sflag:s15] =	ssyncadd.s32 @p0 $0xFFFFFF80  }
0xaa: {  	[tilespmem:s17], [sflag:$0x3] =	stream.linear.gather @p0 [hbm4b:s13+s16], $0x80, $0x38;
	[tilespmem:$0x1BE00] =	vst v63  }
0xab: {  	_ =	swait.ge @p0 [sflag:s15], $0x80  }
0xac: {  	[sflag:s15] =	ssyncset.done @p0 $0x0  }
0xad: {  	s13 =	simm.s32 @!p0 $0x2;
	[sflag:s15] =	ssyncadd.s32 @p0 $0xFFFFFF80  }
0xae: {  	[tilespmem:s19], [sflag:$0x2] =	stream.indirect.gather @p0 [hbm4b:s1+s18], $0x80, s20, s18, $0xb8;
	[tilespmem:$0x1BE00] =	vst v63  }
0xaf: {  	_ =	swait.ge @!p0 [sflag:s13], $0x4000  }
0xb0: {  	s14 =	simm.s32 @!p0 $0x17D80;
	[sflag:s13] =	ssyncset.done @!p0 $0x0  }
0xb1: {  	s15 =	simm.s32 @!p0 $0x17E00;
	[sflag:s13] =	ssyncadd.s32 @!p0 $0xFFFFC000;
	s13 =	simm.s32 @!p0 $0x80  }
0xb2: {  	[spmem:s2] =	stream.indirect.scatter.add.f32 @!p0 [tilespmem:s15], [sflag:$0x3], $0x80, s14, s13, $0xb8;
	[tilespmem:$0x1BE00] =	vst v63  }
0xb3: {  	s13 =	simm.s32 @!p0 $0x3  }
0xb4: {  	_ =	swait.ge @!p0 [sflag:s13], $0x4000  }
0xb5: {  	[sflag:s13] =	ssyncset.done @!p0 $0x0  }
0xb6: {  	[sflag:s13] =	ssyncadd.s32 @!p0 $0xFFFFC000  }
0xb7: {  	[bflag:$0x0] =	sbarrier.arrive $0xFFFF  }
0xb8: {  	[tilespmem:s23], [sflag:$0x3] =	stream.linear.gather [spmem:s6], $0x4000, $0x38;
	[tilespmem:$0x1BE00] =	vst v63  }
0xb9: {  	_ =	swait.ge [sflag:s24], $0x4000  }
0xba: {  	[sflag:s24] =	ssyncset.done $0x0  }
0xbb: {  	s16 =	rddreg [dreg:$0x8];
	[sflag:s24] =	ssyncadd.s32 $0xFFFFC000  }
0xbc: {  	[hbm4b:s16+s3] =	stream.linear.scatter [tilespmem:s23], [sflag:$0x3], $0x4000, $0x38;
	[tilespmem:$0x1BE00] =	vst v63  }
0xbd: {  	_ =	swait.ge [sflag:s24], $0x4000  }
0xbe: {  	[sflag:s24] =	ssyncset.done $0x0  }
0xbf: {  	[sflag:s24] =	ssyncadd.s32 $0xFFFFC000  }
0xc0: {  	[tilespmem:s23], [sflag:$0x3] =	stream.linear.gather [spmem:s7], $0x4000, $0x38;
	[tilespmem:$0x1BE00] =	vst v63  }
0xc1: {  	_ =	swait.ge [sflag:s24], $0x4000  }
0xc2: {  	[sflag:s24] =	ssyncset.done $0x0  }
0xc3: {  	s17 =	rddreg [dreg:$0x9];
	[sflag:s24] =	ssyncadd.s32 $0xFFFFC000  }
0xc4: {  	[hbm4b:s17+s3] =	stream.linear.scatter [tilespmem:s23], [sflag:$0x3], $0x4000, $0x38;
	[tilespmem:$0x1BE00] =	vst v63  }
0xc5: {  	_ =	swait.ge [sflag:s24], $0x4000  }
0xc6: {  	[sflag:s24] =	ssyncset.done $0x0  }
0xc7: {  	[sflag:s24] =	ssyncadd.s32 $0xFFFFC000  }
0xc8: {  	[tilespmem:s23], [sflag:$0x3] =	stream.linear.gather [spmem:s8], $0x4000, $0x38;
	[tilespmem:$0x1BE00] =	vst v63  }
0xc9: {  	_ =	swait.ge [sflag:s24], $0x4000  }
0xca: {  	[sflag:s24] =	ssyncset.done $0x0  }
0xcb: {  	s18 =	rddreg [dreg:$0xa];
	[sflag:s24] =	ssyncadd.s32 $0xFFFFC000  }
0xcc: {  	[hbm4b:s18+s3] =	stream.linear.scatter [tilespmem:s23], [sflag:$0x3], $0x4000, $0x38;
	[tilespmem:$0x1BE00] =	vst v63  }
0xcd: {  	_ =	swait.ge [sflag:s24], $0x4000  }
0xce: {  	[sflag:s24] =	ssyncset.done $0x0  }
0xcf: {  	[sflag:s24] =	ssyncadd.s32 $0xFFFFC000  }
0xd0: {  	[tilespmem:s23], [sflag:$0x3] =	stream.linear.gather [spmem:s9], $0x4000, $0x38;
	[tilespmem:$0x1BE00] =	vst v63  }
0xd1: {  	_ =	swait.ge [sflag:s24], $0x4000  }
0xd2: {  	[sflag:s24] =	ssyncset.done $0x0  }
0xd3: {  	s19 =	rddreg [dreg:$0xb];
	[sflag:s24] =	ssyncadd.s32 $0xFFFFC000  }
0xd4: {  	[hbm4b:s19+s3] =	stream.linear.scatter [tilespmem:s23], [sflag:$0x3], $0x4000, $0x38;
	[tilespmem:$0x1BE00] =	vst v63  }
0xd5: {  	_ =	swait.ge [sflag:s24], $0x4000  }
0xd6: {  	[sflag:s24] =	ssyncset.done $0x0  }
0xd7: {  	[sflag:s24] =	ssyncadd.s32 $0xFFFFC000  }
0xd8: {  	[tilespmem:s23], [sflag:$0x3] =	stream.linear.gather [spmem:s10], $0x3C00, $0x38;
	[tilespmem:$0x1BE00] =	vst v63  }
0xd9: {  	s5 =	sadd.s32 $0x1, s5;
	_ =	swait.ge [sflag:s24], $0x3C00  }
0xda: {  	p0 =	sne.s32 s5, s21;
	[sflag:s24] =	ssyncset.done $0x0  }
.Ltmp2:
0xdb: {  	s20 =	rddreg [dreg:$0xc];
	[sflag:s24] =	ssyncadd.s32 $0xFFFFC400;
	(pc) =	sbr.rel @p0 .LBB2_1-.Ltmp2, $4  }
0xdc: {  	[hbm4b:s20+s3] =	stream.linear.scatter [tilespmem:s23], [sflag:$0x3], $0x3C00, $0x38;
	[tilespmem:$0x1BE00] =	vst v63  }
0xdd: {  	_ =	swait.ge [sflag:s24], $0x3C00  }
0xde: {  	[sflag:s24] =	ssyncset.done $0x0  }
0xdf: {  	[sflag:s24] =	ssyncadd.s32 $0xFFFFC400  }
0xe0: {  	_ =	sfence.sel $0x180000  }
0xe1: {  	[bflag:$0x0] =	sbarrier.arrive $0xFFFF  }
0xe2: {  	_ =	strace $0x90000047  }
0xe3: {  	s0 =	stileid.u32;
	[bflag:$0x2] =	sbarrier.arrive $0xFFFF  }
0xe4: {  	p0 =	sne.s32 s0, $0x0;
	s0 =	rddreg [dreg:$0x3]  }
0xe5: {  	s0 =	sadd.s32 @!p0 $0x100000, s0  }
0xe6: {  	[sflag:s0] =	ssyncadd.tile.s32 @!p0 $0x1;
	_ =	shalt  }
.Lfunc_end2:
_tile_overlayer_lowered:
.L_overlay_start_2:
0xe7: {  	(tag) =	ssettag $0x2  }
0xe8: {  	s0 =	rddreg [dreg:$0x0];
	s2 =	stileid.u32  }
0xe9: {  	s1 =	rddreg [dreg:$0x1];
	p0 =	sne.s32 s2, $0x0  }
0xea: {  	s3 =	rddreg [dreg:$0x2];
	[bflag:$0x3] =	sbarrier.arrive $0xFFFF;
	s2 =	simm.s32 @!p0 $0x1C03  }
0xeb: {  	[timem:s3], [sflag:s2] =	dma.local @!p0 [hbm:s0], s1  }
0xec: {  	s0 =	simm.s32 @!p0 $0x3  }
0xed: {  	_ =	swait.ge @!p0 [sflag:s0], s1  }
0xee: {  	s1 =	ssub.s32 @!p0 $0x0, s1;
	[sflag:s0] =	ssyncset.done @!p0 $0x0  }
0xef: {  	[sflag:s0] =	ssyncadd.s32 @!p0 s1  }
0xf0: {  	[bflag:$0x3] =	sbarrier.arrive $0xFFFF  }
0xf1: {  	_ =	shalt  }

// kernel: kernel.13.cloned.1.call-start
scs
__scs_entry_jumppad:
0x0: {  	(pc) =	sbr.rel $0x88, $3  }
0x1: {  	(tag) =	ssettag $0x0;
	lr =	simm.s32 $0x1  }
0x2: {  	[smem:$0x3F99] =	sst lr;
	_ =	strace $0xD0000000  }
0x3: {  	_ = 	snop  }
0x4: {  	_ = 	snop  }
0x5: {  	_ = 	snop  }
0x6: {  	_ = 	snop  }
0x7: {  	_ = 	snop  }
__scs_overlays_trampoline_lowered:
0x8: {  	[smem:$0x3FA8] =	sst s0  }
0x9: {  	[smem:$0x3FA9] =	sst s1  }
0xa: {  	[smem:$0x3FAA] =	sst s2  }
0xb: {  	[smem:$0x3FAB] =	sst s3  }
0xc: {  	[smem:$0x3FAC] =	sst s4  }
0xd: {  	[smem:$0x3FAD] =	sst s5  }
0xe: {  	[smem:$0x3FAE] =	sst s6  }
0xf: {  	[smem:$0x3FAF] =	sst s7  }
0x10: {  	[smem:$0x3FB0] =	sst s8  }
0x11: {  	[smem:$0x3FB1] =	sst s9;
	s0 =	simm.s32 @!p0 $0x0  }
0x12: {  	s1 =	sld [smem:$0x3F97];
	s0 =	simm.s32 @p0 $0x1  }
0x13: {  	[smem:$0x3FB2] =	sst s0;
	s0 =	simm.s32 @!p1 $0x0  }
0x14: {  	s2 =	sld [smem:$0x3F96];
	s0 =	simm.s32 @p1 $0x1  }
0x15: {  	[smem:$0x3FB3] =	sst s0;
	s0 =	simm.s32 @!p2 $0x0  }
0x16: {  	s3 =	sld [smem:$0x3FDB];
	s0 =	simm.s32 @p2 $0x1  }
0x17: {  	s4 =	simm.s32 $0x1BF5;
	[smem:$0x3FB5] =	sst s0  }
0x18: {  	s0 =	sld [smem:$0x3F98];
	_ =	swait.ge [sflag:s4], $0x0  }
0x19: {  	s7 =	sld [smem:$0x3F99]  }
0x1a: {  	s8 =	sadd.s32 $0xFFFFE003, lr  }
0x1b: {  	s9 =	sadd.s32 $0xFFFFFEF7, lr;
	s5 =	simm.s32 $0xFFFFFFFF;
	p2 =	slt.u32 s8, $0xFFFFF086  }
0x1c: {  	p1 =	slt.u32 s9, $0xF7A;
	s5 =	simm.s32 @!p2 $0x0  }
0x1d: {  	s5 =	simm.s32 @p1 $0x1;
	p0 =	seq.s32 s7, s2  }
0x1e: {  	s7 =	smul.u32 @!p0 $0xF7A, s2;
	p2 =	seq.s32 @!p0 s5, $0x0  }
0x1f: {  	s9 =	smul.u32 $0xF7A, s1;
	s8 =	simm.s32 @!p0 $0x1BF5;
	p2 =	por !p2, p0  }
0x20: {  	[sflag:s8] =	ssyncset.s32 @!p0 $0xFFFFF086;
	s6 =	sadd.s32 @!p0 s3, s7;
	s7 =	simm.s32 @!p0 $0x108  }
0x21: {  	s3 =	sadd.s32 s3, s9;
	s6 =	sadd.s32 @!p0 $0x88, s6;
	s7 =	simm.s32 @p2 $0x1082  }
0x22: {  	[simem:s7], [sflag:s8] =	dma.local @!p0 [hbm:s6], $0xF7A  }
0x23: {  	s9 =	sor.u32 $0xD0000000, s2;
	s6 =	simm.s32 $0x108;
	_ =	swait.ge @!p0 [sflag:s8], $0x0  }
0x24: {  	s3 =	sadd.s32 $0x88, s3;
	s6 =	simm.s32 @!p1 $0x1082;
	[sflag:s4] =	ssyncset.s32 $0xFFFFF086  }
0x25: {  	[simem:s6], [sflag:s4] =	dma.local [hbm:s3], $0xF7A  }
0x26: {  	[smem:$0x3F99] =	sst s1;
	(tag) =	ssettag s2;
	_ =	strace s9  }
0x27: {  	s1 =	sld [smem:$0x3FA9]  }
0x28: {  	s2 =	sld [smem:$0x3FAA]  }
0x29: {  	s4 =	sld [smem:$0x3FAC]  }
0x2a: {  	p0 =	seq.s32 s5, $0x0;
	s5 =	sld [smem:$0x3FAD]  }
0x2b: {  	s6 =	sld [smem:$0x3FAE]  }
0x2c: {  	s7 =	sld [smem:$0x3FAF]  }
0x2d: {  	s3 =	simm.s32 $0x108;
	s8 =	sld [smem:$0x3FB0]  }
0x2e: {  	s3 =	simm.s32 @!p0 $0x1082;
	s9 =	sld [smem:$0x3FB1]  }
0x2f: {  	lr =	sadd.s32 s0, s3;
	s0 =	sld [smem:$0x3FA8]  }
0x30: {  	s3 =	sld [smem:$0x3FAB]  }
0x31: {  	[smem:$0x3FB4] =	sst s10  }
0x32: {  	s10 =	sld [smem:$0x3FB2];
	_ =	sdelay $0x3  }
0x33: {  	p0 =	seq.s32 s10, $0x1;
	s10 =	sld [smem:$0x3FB4];
	_ =	sdelay $0x3  }
0x34: {  	[smem:$0x3FB4] =	sst s10  }
0x35: {  	s10 =	sld [smem:$0x3FB3];
	_ =	sdelay $0x3  }
0x36: {  	p1 =	seq.s32 s10, $0x1;
	s10 =	sld [smem:$0x3FB4];
	_ =	sdelay $0x3  }
0x37: {  	[smem:$0x3FB4] =	sst s10  }
0x38: {  	s10 =	sld [smem:$0x3FB5]  }
0x39: {  	_ = 	snop;
	(pc) =	sbr.ind lr, $3  }
0x3a: {  	_ = 	snop  }
0x3b: {  	_ = 	snop  }
0x3c: {  	p2 =	seq.s32 s10, $0x1;
	s10 =	sld [smem:$0x3FB4]  }
0x3d: {  	_ =	shalt  }
0x3e: {  	_ =	shalt  }
0x3f: {  	_ =	shalt  }
0x40: {  	_ =	shalt  }
0x41: {  	_ =	shalt  }
0x42: {  	_ =	shalt  }
0x43: {  	_ =	shalt  }
0x44: {  	_ =	shalt  }
0x45: {  	_ =	shalt  }
0x46: {  	_ =	shalt  }
0x47: {  	_ =	shalt  }
0x48: {  	_ =	shalt  }
0x49: {  	_ =	shalt  }
0x4a: {  	_ =	shalt  }
0x4b: {  	_ =	shalt  }
0x4c: {  	_ =	shalt  }
0x4d: {  	_ =	shalt  }
0x4e: {  	_ =	shalt  }
0x4f: {  	_ =	shalt  }
0x50: {  	_ =	shalt  }
0x51: {  	_ =	shalt  }
0x52: {  	_ =	shalt  }
0x53: {  	_ =	shalt  }
0x54: {  	_ =	shalt  }
0x55: {  	_ =	shalt  }
0x56: {  	_ =	shalt  }
0x57: {  	_ =	shalt  }
0x58: {  	_ =	shalt  }
0x59: {  	_ =	shalt  }
0x5a: {  	_ =	shalt  }
0x5b: {  	_ =	shalt  }
0x5c: {  	_ =	shalt  }
0x5d: {  	_ =	shalt  }
0x5e: {  	_ =	shalt  }
0x5f: {  	_ =	shalt  }
0x60: {  	_ =	shalt  }
0x61: {  	_ =	shalt  }
0x62: {  	_ =	shalt  }
0x63: {  	_ =	shalt  }
0x64: {  	_ =	shalt  }
0x65: {  	_ =	shalt  }
0x66: {  	_ =	shalt  }
0x67: {  	_ =	shalt  }
0x68: {  	_ =	shalt  }
0x69: {  	_ =	shalt  }
0x6a: {  	_ =	shalt  }
0x6b: {  	_ =	shalt  }
0x6c: {  	_ =	shalt  }
0x6d: {  	_ =	shalt  }
0x6e: {  	_ =	shalt  }
0x6f: {  	_ =	shalt  }
0x70: {  	_ =	shalt  }
0x71: {  	_ =	shalt  }
0x72: {  	_ =	shalt  }
0x73: {  	_ =	shalt  }
0x74: {  	_ =	shalt  }
0x75: {  	_ =	shalt  }
0x76: {  	_ =	shalt  }
0x77: {  	_ =	shalt  }
0x78: {  	_ =	shalt  }
0x79: {  	_ =	shalt  }
0x7a: {  	_ =	shalt  }
0x7b: {  	_ =	shalt  }
0x7c: {  	_ =	shalt  }
0x7d: {  	_ =	shalt  }
0x7e: {  	_ =	shalt  }
0x7f: {  	_ =	shalt  }
0x80: {  	_ =	shalt  }
0x81: {  	_ =	shalt  }
0x82: {  	_ =	shalt  }
0x83: {  	_ =	shalt  }
0x84: {  	_ =	shalt  }
0x85: {  	_ =	shalt  }
0x86: {  	_ =	shalt  }
0x87: {  	_ =	shalt  }
.Lfunc_end0:
.L_simem_size_0:
called_computation.2_lowered:
.L_overlay_start_0:
0x88: {  	s2 =	sld [smem:$0x3FD9]  }
0x89: {  	s3 =	sld [smem:$0x3FFE];
	_ =	sdelay $0x1  }
0x8a: {  	s1 =	srdreg.scid  }
0x8b: {  	s0 =	sand.u32 $0x1, s1  }
0x8c: {  	s17 =	sshll.u32 s0, $0xA;
	s2 =	sadd.s32 s3, s2  }
0x8d: {  	s2 =	sadd.s32 s2, s17  }
0x8e: {  	[smem:$0x3FC0] =	sst s2  }
0x8f: {  	_ = 	snop  }
0x90: {  	s2 =	sld [smem:$0x3FD0];
	(tm) =	ssettm $0x1  }
0x91: {  	s18 =	sld [smem:$0x3FFB];
	_ =	sdelay $0x3  }
0x92: {  	_ =	strace s18  }
0x93: {  	s3 =	sld [smem:$0x3FFC];
	_ =	sdelay $0x3  }
0x94: {  	_ =	strace s3  }
0x95: {  	s3 =	sld [smem:$0x3FFD];
	_ =	sdelay $0x3  }
0x96: {  	_ =	strace s3  }
0x97: {  	_ =	strace $0x8FFFFFFF  }
0x98: {  	s19 =	sld [smem:$0x3FDB];
	_ =	sdelay $0x1  }
0x99: {  	s4 =	simm.s32 $_scs_section_size  }
0x9a: {  	s5 =	simm.s32 $_size__tile_overlayer_lowered;
	s6 =	simm.s32 $_tile_overlayer_lowered  }
0x9b: {  	s22 =	simm.s32 $0x1BFF;
	s21 =	sshll.u32 s6, $0x1;
	s3 =	sadd.s32 s4, s19  }
0x9c: {  	s7 =	simm.s32 $0x0;
	s20 =	sshll.u32 s5, $0x1;
	s5 =	sadd.s32 s21, s3  }
0x9d: {  	[timem:s7], [sflag:s22] =	dma.local [hbm:s5], s20  }
0x9e: {  	_ =	swait.ge [sflag:s22], s20  }
0x9f: {  	s4 =	ssub.s32 $0x0, s20;
	[sflag:s22] =	ssyncset.done $0x0  }
0xa0: {  	[sflag:s22] =	ssyncadd.s32 s4;
	_ =	sdelay $0x1  }
0xa1: {  	s23 =	simm.s32 $0x1B8B  }
0xa2: {  	_ =	swait.ge [sflag:s23], $0x1  }
0xa3: {  	[sflag:s23] =	ssyncset.done $0x0  }
0xa4: {  	s25 =	simm.s32 $0x1B8E;
	s24 =	sld [smem:$0x3FFE];
	[sflag:s23] =	ssyncadd.s32 $0xFFFFFFFF  }
0xa5: {  	s26 =	simm.s32 $execute0_lowered;
	[smem:$0x3FD2] =	sst s25  }
0xa6: {  	s5 =	sshll.u32 s26, $0x1;
	_ =	strace $0x8000004C;
	[dreg:$0x1] =	wrdreg $0xFFFFFFFF  }
0xa7: {  	s28 =	simm.s32 $_size_execute0_lowered;
	s3 =	sadd.s32 s3, s5;
	[dreg:$0x0] =	wrdreg $0x0  }
0xa8: {  	s5 =	sshll.u32 s28, $0x1;
	[dreg:$0x2] =	wrdreg s3  }
0xa9: {  	[dreg:$0x3] =	wrdreg s5  }
0xaa: {  	[dreg:$0x4] =	wrdreg $0xC0  }
0xab: {  	_ =	task [dreg:s7], $0x5FFFF  }
0xac: {  	[dreg:$0x1] =	wrdreg $0xFFFFFFFF  }
0xad: {  	[dreg:$0x0] =	wrdreg $0x60  }
0xae: {  	[dreg:$0x2] =	wrdreg s2  }
0xaf: {  	[dreg:$0x3] =	wrdreg s24  }
0xb0: {  	[dreg:$0x4] =	wrdreg $0x0  }
0xb1: {  	[dreg:$0x5] =	wrdreg $0x9  }
0xb2: {  	_ =	task.clear_ibuf [dreg:s7], $0x6FFFF;
	_ =	strace $0x9000004C  }
0xb3: {  	s29 =	simm.s32 $0x9;
	_ =	strace $0x8000004E  }
0xb4: {  	_ =	swait.ge [sflag:s29], $0x1  }
0xb5: {  	[sflag:s29] =	ssyncadd.s32 $0xFFFFFFFF  }
0xb6: {  	_ =	strace $0x9000004E  }
0xb7: {  	_ =	sfence  }
0xb8: {  	s30 =	sld [smem:$0x0];
	_ =	sdelay $0x2  }
0xb9: {  	s31 =	sshll.u32 s1, $0xD;
	s1 =	sshrl.u32 s1, $0x2  }
0xba: {  	s3 =	sand.u32 $0x4000, s31;
	s1 =	sadd.s32 s1, s30  }
0xbb: {  	s0 =	sor.u32 s3, s0;
	s1 =	sshll.u32 s1, $0x11  }
0xbc: {  	s0 =	sor.u32 s1, s0  }
0xbd: {  	s0 =	sadd.s32 $0x8F2B, s0  }
0xbe: {  	[sflag:s0] =	ssyncadd.remote.s32 $0x1  }
0xbf: {  	_ =	sfence.sel $0xFFFF  }
0xc0: {  	[dreg:$0x0] =	wrdreg $0xFFFFFFFF;
	(pc) =	sbr.abs _section_cstart, $3  }
0xc1: {  	[dreg:$0x1] =	wrdreg $0xFFFFFFFF  }
0xc2: {  	_ =	task.clear_ibuf [dreg:s7], $0x2FFFF;
	_ =	strace $0x9FFFFFFF  }
0xc3: {  	(tm) =	ssettm $0x7FFFFFFF  }
tec
execute0_lowered:
.L_overlay_start_1:
0x0: {  	(tag) =	ssettag $0x1  }
0x1: {  	s1 =	rddreg [dreg:$0x0]  }
0x2: {  	s0 =	rddreg [dreg:$0x1]  }
0x3: {  	s2 =	rddreg [dreg:$0x2]  }
0x4: {  	s3 =	simm.s32 $0x0;
	s4 =	srdreg.scid;
	s9 =	stileid.u32  }
0x5: {  	s22 =	simm.s32 $0x3E;
	s28 =	simm.s32 $0x80;
	s29 =	simm.s32 $0x17D00  }
0x6: {  	s30 =	simm.s32 $0x17D80;
	s31 =	simm.s32 $0x17E00;
	[smem:$0x7FF] =	sst s3  }
0x7: {  	s5 =	sadd.s32 $0xBC00, s0;
	s4 =	sand.u32 $0x1, s4;
	s8 =	smul.u32 $0x22, s9  }
0x8: {  	s13 =	sadd.s32 $0x1E00, s0;
	s7 =	sadd.s32 $0x15A00, s0;
	s12 =	smul.u32 $0x4F000, s9  }
0x9: {  	s0 =	sadd.s32 $0x16200, s0;
	s15 =	smul.u32 $0x13C00, s9;
	_ =	strace $0x8000004D  }
0xa: {  	s6 =	ssub.s32 $0x2, s4;
	[dreg:$0x4] =	wrdreg s7;
	s7 =	smul.u32 $0x7C, s9  }
0xb: {  	p0 =	seq.s32 s4, $0x0;
	s4 =	smul.u32 $0x13C000, s4;
	s11 =	sshrl.u32 s6, $0x1  }
0xc: {  	s10 =	sadd.s32 $0x7C0, s8;
	s22 =	simm.s32 @!p0 $0x11;
	s16 =	sadd.s32 $0x4000, s15  }
0xd: {  	s18 =	sadd.s32 $0x8000, s15;
	s19 =	sadd.s32 $0xC000, s15;
	s20 =	sadd.s32 $0x10000, s15  }
0xe: {  	s14 =	ssub.s32 s6, s11;
	s6 =	sshrl.u32 s12, $0x2;
	s10 =	smov.u32 @p0 s7  }
0xf: {  	s7 =	sadd.s32 s16, s2;
	s8 =	sadd.s32 s18, s2;
	s9 =	sadd.s32 s19, s2  }
0x10: {  	s15 =	sadd.s32 s15, s4;
	s16 =	sadd.s32 s4, s16;
	s23 =	sadd.s32 s4, s18  }
0x11: {  	s24 =	sadd.s32 s4, s19;
	s4 =	sadd.s32 s4, s20;
	s26 =	sshll.u32 s22, $0x5  }
0x12: {  	s6 =	sadd.s32 s6, s2;
	s12 =	sshll.u32 s10, $0x4;
	s10 =	sadd.s32 s20, s2  }
0x13: {  	s21 =	sshrl.u32 s16, $0x3;
	s4 =	sshrl.u32 s4, $0x3;
	s17 =	sor.u32 $0x10, s12  }
0x14: {  	s11 =	sadd.s32 s5, s12;
	s12 =	sadd.s32 s13, s12;
	s5 =	sadd.s32 s5, s17  }
0x15: {  	s13 =	sadd.s32 s13, s17;
	s17 =	sadd.s32 $0xFFFFFFFF, s22;
	[dreg:$0x5] =	wrdreg s5  }
0x16: {  	s22 =	sadd.s32 $0xFFFFFFE0, s26;
	[dreg:$0x6] =	wrdreg s13;
	s5 =	sshrl.u32 s15, $0x3  }
0x17: {  	[dreg:$0x7] =	wrdreg s17;
	s13 =	sshrl.u32 s24, $0x3;
	s5 =	sadd.s32 s0, s5  }
0x18: {  	s26 =	simm.s32 $0x13C80;
	s25 =	sadd.s32 s0, s13;
	[dreg:$0x8] =	wrdreg s5  }
0x19: {  	s24 =	simm.s32 $0x3;
	s5 =	sadd.s32 s0, s21;
	[dreg:$0xb] =	wrdreg s25  }
0x1a: {  	s21 =	smax.u32 s14, $0x1;
	[dreg:$0x9] =	wrdreg s5;
	s5 =	sshrl.u32 s23, $0x3  }
0x1b: {  	s25 =	simm.s32 $0x13C00;
	s23 =	simm.s32 $0x13D00;
	s5 =	sadd.s32 s0, s5  }
0x1c: {  	s0 =	sadd.s32 s0, s4;
	s4 =	simm.s32 $0x2;
	[dreg:$0xa] =	wrdreg s5  }
0x1d: {  	[dreg:$0xc] =	wrdreg s0;
	s0 =	simm.s32 $0x1;
	s5 =	simm.s32 $0x0  }
.LBB2_1:
0x1e: {  	s13 =	rddreg [dreg:$0x4]  }
0x1f: {  	[tilespmem:s23], [sflag:$0x3] =	stream.linear.gather [hbm4b:s13+s3], $0x4000, $0x38;
	[tilespmem:$0x1BE00] =	vst v63  }
0x20: {  	_ =	swait.ge [sflag:s24], $0x4000  }
0x21: {  	[sflag:s24] =	ssyncset.done $0x0  }
0x22: {  	[sflag:s24] =	ssyncadd.s32 $0xFFFFC000  }
0x23: {  	[spmem:s6] =	stream.linear.scatter [tilespmem:s23], [sflag:$0x3], $0x4000, $0x38;
	[tilespmem:$0x1BE00] =	vst v63  }
0x24: {  	_ =	swait.ge [sflag:s24], $0x4000  }
0x25: {  	[sflag:s24] =	ssyncset.done $0x0  }
0x26: {  	[sflag:s24] =	ssyncadd.s32 $0xFFFFC000  }
0x27: {  	[spmem:s7] =	stream.linear.scatter [tilespmem:s23], [sflag:$0x3], $0x4000, $0x38;
	[tilespmem:$0x1BE00] =	vst v63  }
0x28: {  	_ =	swait.ge [sflag:s24], $0x4000  }
0x29: {  	[sflag:s24] =	ssyncset.done $0x0  }
0x2a: {  	[sflag:s24] =	ssyncadd.s32 $0xFFFFC000  }
0x2b: {  	[spmem:s8] =	stream.linear.scatter [tilespmem:s23], [sflag:$0x3], $0x4000, $0x38;
	[tilespmem:$0x1BE00] =	vst v63  }
0x2c: {  	_ =	swait.ge [sflag:s24], $0x4000  }
0x2d: {  	[sflag:s24] =	ssyncset.done $0x0  }
0x2e: {  	[sflag:s24] =	ssyncadd.s32 $0xFFFFC000  }
0x2f: {  	[spmem:s9] =	stream.linear.scatter [tilespmem:s23], [sflag:$0x3], $0x4000, $0x38;
	[tilespmem:$0x1BE00] =	vst v63  }
0x30: {  	_ =	swait.ge [sflag:s24], $0x4000  }
0x31: {  	[sflag:s24] =	ssyncset.done $0x0  }
0x32: {  	[sflag:s24] =	ssyncadd.s32 $0xFFFFC000  }
0x33: {  	[spmem:s10] =	stream.linear.scatter [tilespmem:s23], [sflag:$0x3], $0x3C00, $0x38;
	[tilespmem:$0x1BE00] =	vst v63  }
0x34: {  	_ =	swait.ge [sflag:s24], $0x3C00  }
0x35: {  	[sflag:s24] =	ssyncset.done $0x0  }
0x36: {  	[sflag:s24] =	ssyncadd.s32 $0xFFFFC400  }
0x37: {  	[bflag:$0x0] =	sbarrier.arrive $0xFFFF  }
0x38: {  	[tilespmem:s25], [sflag:$0x3] =	stream.linear.gather [hbm4b:s11+s3], $0x80, $0x38;
	[tilespmem:$0x1BE00] =	vst v63  }
0x39: {  	_ =	swait.ge [sflag:s24], $0x80  }
0x3a: {  	[sflag:s24] =	ssyncset.done $0x0  }
0x3b: {  	[sflag:s24] =	ssyncadd.s32 $0xFFFFFF80  }
0x3c: {  	[tilespmem:s26], [sflag:$0x3] =	stream.linear.gather [hbm4b:s12+s3], $0x80, $0x38;
	[tilespmem:$0x1BE00] =	vst v63  }
0x3d: {  	_ =	swait.ge [sflag:s24], $0x80  }
0x3e: {  	[sflag:s24] =	ssyncset.done $0x0  }
0x3f: {  	[sflag:s24] =	ssyncadd.s32 $0xFFFFFF80  }
0x40: {  	[tilespmem:s23], [sflag:$0x1] =	stream.indirect.gather [hbm4b:s1+s28], $0x80, s25, s28, $0xb8;
	[tilespmem:$0x1BE00] =	vst v63  }
0x41: {  	s16 =	rddreg [dreg:$0x5]  }
0x42: {  	[tilespmem:s29], [sflag:$0x3] =	stream.linear.gather [hbm4b:s16+s3], $0x80, $0x38;
	[tilespmem:$0x1BE00] =	vst v63  }
0x43: {  	_ =	swait.ge [sflag:s24], $0x80  }
0x44: {  	[sflag:s24] =	ssyncset.done $0x0  }
0x45: {  	s17 =	rddreg [dreg:$0x6];
	[sflag:s24] =	ssyncadd.s32 $0xFFFFFF80  }
0x46: {  	[tilespmem:s30], [sflag:$0x3] =	stream.linear.gather [hbm4b:s17+s3], $0x80, $0x38;
	[tilespmem:$0x1BE00] =	vst v63  }
0x47: {  	_ =	swait.ge [sflag:s24], $0x80  }
0x48: {  	[sflag:s24] =	ssyncset.done $0x0  }
0x49: {  	[sflag:s24] =	ssyncadd.s32 $0xFFFFFF80  }
0x4a: {  	[tilespmem:s31], [sflag:$0x2] =	stream.indirect.gather [hbm4b:s1+s28], $0x80, s29, s28, $0xb8;
	[tilespmem:$0x1BE00] =	vst v63  }
0x4b: {  	_ =	swait.ge [sflag:s0], $0x4000  }
0x4c: {  	[sflag:s0] =	ssyncset.done $0x0  }
0x4d: {  	[sflag:s0] =	ssyncadd.s32 $0xFFFFC000  }
0x4e: {  	[spmem:s2] =	stream.indirect.scatter.add.f32 [tilespmem:s23], [sflag:$0x3], $0x80, s26, s28, $0xb8;
	[tilespmem:$0x1BE00] =	vst v63  }
0x4f: {  	_ =	swait.ge [sflag:s24], $0x4000  }
0x50: {  	s18 =	sadd.s32 $0x0, s11;
	[sflag:s24] =	ssyncset.done $0x0  }
0x51: {  	s14 =	sadd.s32 $0x20, s18;
	[sflag:s24] =	ssyncadd.s32 $0xFFFFC000  }
0x52: {  	[tilespmem:s25], [sflag:$0x3] =	stream.linear.gather [hbm4b:s14+s3], $0x80, $0x38;
	[tilespmem:$0x1BE00] =	vst v63  }
0x53: {  	_ =	swait.ge [sflag:s24], $0x80  }
0x54: {  	s19 =	sadd.s32 $0x0, s12;
	[sflag:s24] =	ssyncset.done $0x0  }
0x55: {  	s15 =	sadd.s32 $0x20, s19;
	[sflag:s24] =	ssyncadd.s32 $0xFFFFFF80  }
0x56: {  	[tilespmem:s26], [sflag:$0x3] =	stream.linear.gather [hbm4b:s15+s3], $0x80, $0x38;
	[tilespmem:$0x1BE00] =	vst v63  }
0x57: {  	_ =	swait.ge [sflag:s24], $0x80  }
0x58: {  	[sflag:s24] =	ssyncset.done $0x0  }
0x59: {  	[sflag:s24] =	ssyncadd.s32 $0xFFFFFF80  }
0x5a: {  	[tilespmem:s23], [sflag:$0x1] =	stream.indirect.gather [hbm4b:s1+s28], $0x80, s25, s28, $0xb8;
	[tilespmem:$0x1BE00] =	vst v63  }
0x5b: {  	_ =	swait.ge [sflag:s4], $0x4000  }
0x5c: {  	[sflag:s4] =	ssyncset.done $0x0  }
0x5d: {  	[sflag:s4] =	ssyncadd.s32 $0xFFFFC000  }
0x5e: {  	[spmem:s2] =	stream.indirect.scatter.add.f32 [tilespmem:s31], [sflag:$0x3], $0x80, s30, s28, $0xb8;
	[tilespmem:$0x1BE00] =	vst v63  }
0x5f: {  	_ =	swait.ge [sflag:s24], $0x4000  }
0x60: {  	[sflag:s24] =	ssyncset.done $0x0  }
0x61: {  	s13 =	sadd.s32 $0x30, s18;
	[sflag:s24] =	ssyncadd.s32 $0xFFFFC000  }
0x62: {  	[tilespmem:s29], [sflag:$0x3] =	stream.linear.gather [hbm4b:s13+s3], $0x80, $0x38;
	[tilespmem:$0x1BE00] =	vst v63  }
0x63: {  	_ =	swait.ge [sflag:s24], $0x80  }
0x64: {  	p0 =	sne.s32 s22, $0x20;
	[sflag:s24] =	ssyncset.done $0x0  }
.Ltmp0:
0x65: {  	s20 =	sadd.s32 $0x30, s19;
	[sflag:s24] =	ssyncadd.s32 $0xFFFFFF80;
	(pc) =	sbr.rel @!p0 .LBB2_3-.Ltmp0, $4  }
0x66: {  	[tilespmem:s30], [sflag:$0x3] =	stream.linear.gather [hbm4b:s20+s3], $0x80, $0x38;
	[tilespmem:$0x1BE00] =	vst v63  }
0x67: {  	_ =	swait.ge [sflag:s24], $0x80  }
0x68: {  	[sflag:s24] =	ssyncset.done $0x0  }
0x69: {  	s14 =	simm.s32 $0x1;
	s13 =	simm.s32 $0x20;
	[sflag:s24] =	ssyncadd.s32 $0xFFFFFF80  }
.LBB2_2:
0x6a: {  	[tilespmem:s31], [sflag:$0x2] =	stream.indirect.gather [hbm4b:s1+s28], $0x80, s29, s28, $0xb8;
	[tilespmem:$0x1BE00] =	vst v63  }
0x6b: {  	s15 =	smov.u32 s13;
	s13 =	sadd.s32 $0x20, s13;
	_ =	swait.ge [sflag:s0], $0x4000  }
0x6c: {  	p0 =	sne.s32 s22, s13;
	[sflag:s0] =	ssyncset.done $0x0  }
0x6d: {  	[sflag:s0] =	ssyncadd.s32 $0xFFFFC000  }
0x6e: {  	[spmem:s2] =	stream.indirect.scatter.add.f32 [tilespmem:s23], [sflag:$0x3], $0x80, s26, s28, $0xb8;
	[tilespmem:$0x1BE00] =	vst v63  }
0x6f: {  	_ =	swait.ge [sflag:s24], $0x4000  }
0x70: {  	s16 =	sadd.s32 s15, s11;
	[sflag:s24] =	ssyncset.done $0x0  }
0x71: {  	s17 =	sadd.s32 $0x20, s16;
	[sflag:s24] =	ssyncadd.s32 $0xFFFFC000  }
0x72: {  	[tilespmem:s25], [sflag:$0x3] =	stream.linear.gather [hbm4b:s17+s3], $0x80, $0x38;
	[tilespmem:$0x1BE00] =	vst v63  }
0x73: {  	_ =	swait.ge [sflag:s24], $0x80  }
0x74: {  	s15 =	sadd.s32 s15, s12;
	[sflag:s24] =	ssyncset.done $0x0  }
0x75: {  	s17 =	sadd.s32 $0x20, s15;
	[sflag:s24] =	ssyncadd.s32 $0xFFFFFF80  }
0x76: {  	[tilespmem:s26], [sflag:$0x3] =	stream.linear.gather [hbm4b:s17+s3], $0x80, $0x38;
	[tilespmem:$0x1BE00] =	vst v63  }
0x77: {  	_ =	swait.ge [sflag:s24], $0x80  }
0x78: {  	[sflag:s24] =	ssyncset.done $0x0  }
0x79: {  	[sflag:s24] =	ssyncadd.s32 $0xFFFFFF80  }
0x7a: {  	[tilespmem:s23], [sflag:$0x1] =	stream.indirect.gather [hbm4b:s1+s28], $0x80, s25, s28, $0xb8;
	[tilespmem:$0x1BE00] =	vst v63  }
0x7b: {  	_ =	swait.ge [sflag:s4], $0x4000  }
0x7c: {  	[sflag:s4] =	ssyncset.done $0x0  }
0x7d: {  	[sflag:s4] =	ssyncadd.s32 $0xFFFFC000  }
0x7e: {  	[spmem:s2] =	stream.indirect.scatter.add.f32 [tilespmem:s31], [sflag:$0x3], $0x80, s30, s28, $0xb8;
	[tilespmem:$0x1BE00] =	vst v63  }
0x7f: {  	_ =	swait.ge [sflag:s24], $0x4000  }
0x80: {  	[sflag:s24] =	ssyncset.done $0x0  }
0x81: {  	s16 =	sadd.s32 $0x30, s16;
	[sflag:s24] =	ssyncadd.s32 $0xFFFFC000  }
0x82: {  	[tilespmem:s29], [sflag:$0x3] =	stream.linear.gather [hbm4b:s16+s3], $0x80, $0x38;
	[tilespmem:$0x1BE00] =	vst v63  }
0x83: {  	_ =	swait.ge [sflag:s24], $0x80  }
0x84: {  	[sflag:s24] =	ssyncset.done $0x0  }
.Ltmp1:
0x85: {  	s15 =	sadd.s32 $0x30, s15;
	[sflag:s24] =	ssyncadd.s32 $0xFFFFFF80;
	(pc) =	sbr.rel @p0 .LBB2_2-.Ltmp1, $4  }
0x86: {  	[tilespmem:s30], [sflag:$0x3] =	stream.linear.gather [hbm4b:s15+s3], $0x80, $0x38;
	[tilespmem:$0x1BE00] =	vst v63  }
0x87: {  	_ =	swait.ge [sflag:s24], $0x80  }
0x88: {  	[sflag:s24] =	ssyncset.done $0x0  }
0x89: {  	s14 =	sadd.s32 $0x1, s14;
	[sflag:s24] =	ssyncadd.s32 $0xFFFFFF80  }
.LBB2_3:
0x8a: {  	[tilespmem:s31], [sflag:$0x2] =	stream.indirect.gather [hbm4b:s1+s28], $0x80, s29, s28, $0xb8;
	[tilespmem:$0x1BE00] =	vst v63  }
0x8b: {  	_ =	swait.ge [sflag:s0], $0x4000  }
0x8c: {  	[sflag:s0] =	ssyncset.done $0x0  }
0x8d: {  	[sflag:s0] =	ssyncadd.s32 $0xFFFFC000  }
0x8e: {  	[spmem:s2] =	stream.indirect.scatter.add.f32 [tilespmem:s23], [sflag:$0x3], $0x80, s26, s28, $0xb8;
	[tilespmem:$0x1BE00] =	vst v63  }
0x8f: {  	_ =	swait.ge [sflag:s24], $0x4000  }
0x90: {  	s15 =	rddreg [dreg:$0x7]  }
0x91: {  	[sflag:s24] =	ssyncset.done $0x0;
	p0 =	slt.u32 s14, s15  }
0x92: {  	[sflag:s24] =	ssyncadd.s32 $0xFFFFC000;
	s14 =	sadd.s32 @p0 s13, s11  }
0x93: {  	s16 =	simm.s32 @p0 $0x0;
	s17 =	simm.s32 @p0 $0x13C00;
	s15 =	sadd.s32 @p0 $0x20, s14  }
0x94: {  	[tilespmem:s17], [sflag:$0x3] =	stream.linear.gather @p0 [hbm4b:s15+s16], $0x80, $0x38;
	[tilespmem:$0x1BE00] =	vst v63  }
0x95: {  	s15 =	simm.s32 @p0 $0x3  }
0x96: {  	_ =	swait.ge @p0 [sflag:s15], $0x80  }
0x97: {  	s13 =	sadd.s32 @p0 s13, s12;
	[sflag:s15] =	ssyncset.done @p0 $0x0  }
0x98: {  	s19 =	simm.s32 @p0 $0x13C80;
	s18 =	sadd.s32 @p0 $0x20, s13;
	[sflag:s15] =	ssyncadd.s32 @p0 $0xFFFFFF80  }
0x99: {  	[tilespmem:s19], [sflag:$0x3] =	stream.linear.gather @p0 [hbm4b:s18+s16], $0x80, $0x38;
	[tilespmem:$0x1BE00] =	vst v63  }
0x9a: {  	_ =	swait.ge @p0 [sflag:s15], $0x80  }
0x9b: {  	[sflag:s15] =	ssyncset.done @p0 $0x0  }
0x9c: {  	s18 =	simm.s32 @p0 $0x80;
	s19 =	simm.s32 @p0 $0x13D00;
	[sflag:s15] =	ssyncadd.s32 @p0 $0xFFFFFF80  }
0x9d: {  	[tilespmem:s19], [sflag:$0x1] =	stream.indirect.gather @p0 [hbm4b:s1+s18], $0x80, s17, s18, $0xb8;
	[tilespmem:$0x1BE00] =	vst v63  }
0x9e: {  	s17 =	simm.s32 @p0 $0x2  }
0x9f: {  	_ =	swait.ge @p0 [sflag:s17], $0x4000  }
0xa0: {  	[sflag:s17] =	ssyncset.done @p0 $0x0  }
0xa1: {  	s19 =	simm.s32 @p0 $0x17E00;
	[sflag:s17] =	ssyncadd.s32 @p0 $0xFFFFC000;
	s17 =	simm.s32 @p0 $0x17D80  }
0xa2: {  	[spmem:s2] =	stream.indirect.scatter.add.f32 @p0 [tilespmem:s19], [sflag:$0x3], $0x80, s17, s18, $0xb8;
	[tilespmem:$0x1BE00] =	vst v63  }
0xa3: {  	_ =	swait.ge @p0 [sflag:s15], $0x4000  }
0xa4: {  	[sflag:s15] =	ssyncset.done @p0 $0x0  }
0xa5: {  	s20 =	simm.s32 @p0 $0x17D00;
	s14 =	sadd.s32 @p0 $0x30, s14;
	[sflag:s15] =	ssyncadd.s32 @p0 $0xFFFFC000  }
0xa6: {  	[tilespmem:s20], [sflag:$0x3] =	stream.linear.gather @p0 [hbm4b:s14+s16], $0x80, $0x38;
	[tilespmem:$0x1BE00] =	vst v63  }
0xa7: {  	_ =	swait.ge @p0 [sflag:s15], $0x80  }
0xa8: {  	[sflag:s15] =	ssyncset.done @p0 $0x0  }
0xa9: {  	s13 =	sadd.s32 @p0 $0x30, s13;
	[sflag:s15] =	ssyncadd.s32 @p0 $0xFFFFFF80  }
0xaa: {  	[tilespmem:s17], [sflag:$0x3] =	stream.linear.gather @p0 [hbm4b:s13+s16], $0x80, $0x38;
	[tilespmem:$0x1BE00] =	vst v63  }
0xab: {  	_ =	swait.ge @p0 [sflag:s15], $0x80  }
0xac: {  	[sflag:s15] =	ssyncset.done @p0 $0x0  }
0xad: {  	s13 =	simm.s32 @!p0 $0x2;
	[sflag:s15] =	ssyncadd.s32 @p0 $0xFFFFFF80  }
0xae: {  	[tilespmem:s19], [sflag:$0x2] =	stream.indirect.gather @p0 [hbm4b:s1+s18], $0x80, s20, s18, $0xb8;
	[tilespmem:$0x1BE00] =	vst v63  }
0xaf: {  	_ =	swait.ge @!p0 [sflag:s13], $0x4000  }
0xb0: {  	s14 =	simm.s32 @!p0 $0x17D80;
	[sflag:s13] =	ssyncset.done @!p0 $0x0  }
0xb1: {  	s15 =	simm.s32 @!p0 $0x17E00;
	[sflag:s13] =	ssyncadd.s32 @!p0 $0xFFFFC000;
	s13 =	simm.s32 @!p0 $0x80  }
0xb2: {  	[spmem:s2] =	stream.indirect.scatter.add.f32 @!p0 [tilespmem:s15], [sflag:$0x3], $0x80, s14, s13, $0xb8;
	[tilespmem:$0x1BE00] =	vst v63  }
0xb3: {  	s13 =	simm.s32 @!p0 $0x3  }
0xb4: {  	_ =	swait.ge @!p0 [sflag:s13], $0x4000  }
0xb5: {  	[sflag:s13] =	ssyncset.done @!p0 $0x0  }
0xb6: {  	[sflag:s13] =	ssyncadd.s32 @!p0 $0xFFFFC000  }
0xb7: {  	[bflag:$0x0] =	sbarrier.arrive $0xFFFF  }
0xb8: {  	[tilespmem:s23], [sflag:$0x3] =	stream.linear.gather [spmem:s6], $0x4000, $0x38;
	[tilespmem:$0x1BE00] =	vst v63  }
0xb9: {  	_ =	swait.ge [sflag:s24], $0x4000  }
0xba: {  	[sflag:s24] =	ssyncset.done $0x0  }
0xbb: {  	s16 =	rddreg [dreg:$0x8];
	[sflag:s24] =	ssyncadd.s32 $0xFFFFC000  }
0xbc: {  	[hbm4b:s16+s3] =	stream.linear.scatter [tilespmem:s23], [sflag:$0x3], $0x4000, $0x38;
	[tilespmem:$0x1BE00] =	vst v63  }
0xbd: {  	_ =	swait.ge [sflag:s24], $0x4000  }
0xbe: {  	[sflag:s24] =	ssyncset.done $0x0  }
0xbf: {  	[sflag:s24] =	ssyncadd.s32 $0xFFFFC000  }
0xc0: {  	[tilespmem:s23], [sflag:$0x3] =	stream.linear.gather [spmem:s7], $0x4000, $0x38;
	[tilespmem:$0x1BE00] =	vst v63  }
0xc1: {  	_ =	swait.ge [sflag:s24], $0x4000  }
0xc2: {  	[sflag:s24] =	ssyncset.done $0x0  }
0xc3: {  	s17 =	rddreg [dreg:$0x9];
	[sflag:s24] =	ssyncadd.s32 $0xFFFFC000  }
0xc4: {  	[hbm4b:s17+s3] =	stream.linear.scatter [tilespmem:s23], [sflag:$0x3], $0x4000, $0x38;
	[tilespmem:$0x1BE00] =	vst v63  }
0xc5: {  	_ =	swait.ge [sflag:s24], $0x4000  }
0xc6: {  	[sflag:s24] =	ssyncset.done $0x0  }
0xc7: {  	[sflag:s24] =	ssyncadd.s32 $0xFFFFC000  }
0xc8: {  	[tilespmem:s23], [sflag:$0x3] =	stream.linear.gather [spmem:s8], $0x4000, $0x38;
	[tilespmem:$0x1BE00] =	vst v63  }
0xc9: {  	_ =	swait.ge [sflag:s24], $0x4000  }
0xca: {  	[sflag:s24] =	ssyncset.done $0x0  }
0xcb: {  	s18 =	rddreg [dreg:$0xa];
	[sflag:s24] =	ssyncadd.s32 $0xFFFFC000  }
0xcc: {  	[hbm4b:s18+s3] =	stream.linear.scatter [tilespmem:s23], [sflag:$0x3], $0x4000, $0x38;
	[tilespmem:$0x1BE00] =	vst v63  }
0xcd: {  	_ =	swait.ge [sflag:s24], $0x4000  }
0xce: {  	[sflag:s24] =	ssyncset.done $0x0  }
0xcf: {  	[sflag:s24] =	ssyncadd.s32 $0xFFFFC000  }
0xd0: {  	[tilespmem:s23], [sflag:$0x3] =	stream.linear.gather [spmem:s9], $0x4000, $0x38;
	[tilespmem:$0x1BE00] =	vst v63  }
0xd1: {  	_ =	swait.ge [sflag:s24], $0x4000  }
0xd2: {  	[sflag:s24] =	ssyncset.done $0x0  }
0xd3: {  	s19 =	rddreg [dreg:$0xb];
	[sflag:s24] =	ssyncadd.s32 $0xFFFFC000  }
0xd4: {  	[hbm4b:s19+s3] =	stream.linear.scatter [tilespmem:s23], [sflag:$0x3], $0x4000, $0x38;
	[tilespmem:$0x1BE00] =	vst v63  }
0xd5: {  	_ =	swait.ge [sflag:s24], $0x4000  }
0xd6: {  	[sflag:s24] =	ssyncset.done $0x0  }
0xd7: {  	[sflag:s24] =	ssyncadd.s32 $0xFFFFC000  }
0xd8: {  	[tilespmem:s23], [sflag:$0x3] =	stream.linear.gather [spmem:s10], $0x3C00, $0x38;
	[tilespmem:$0x1BE00] =	vst v63  }
0xd9: {  	s5 =	sadd.s32 $0x1, s5;
	_ =	swait.ge [sflag:s24], $0x3C00  }
0xda: {  	p0 =	sne.s32 s5, s21;
	[sflag:s24] =	ssyncset.done $0x0  }
.Ltmp2:
0xdb: {  	s20 =	rddreg [dreg:$0xc];
	[sflag:s24] =	ssyncadd.s32 $0xFFFFC400;
	(pc) =	sbr.rel @p0 .LBB2_1-.Ltmp2, $4  }
0xdc: {  	[hbm4b:s20+s3] =	stream.linear.scatter [tilespmem:s23], [sflag:$0x3], $0x3C00, $0x38;
	[tilespmem:$0x1BE00] =	vst v63  }
0xdd: {  	_ =	swait.ge [sflag:s24], $0x3C00  }
0xde: {  	[sflag:s24] =	ssyncset.done $0x0  }
0xdf: {  	[sflag:s24] =	ssyncadd.s32 $0xFFFFC400  }
0xe0: {  	_ =	sfence.sel $0x180000  }
0xe1: {  	[bflag:$0x0] =	sbarrier.arrive $0xFFFF  }
0xe2: {  	_ =	strace $0x9000004D  }
0xe3: {  	s0 =	stileid.u32;
	[bflag:$0x2] =	sbarrier.arrive $0xFFFF  }
0xe4: {  	p0 =	sne.s32 s0, $0x0;
	s0 =	rddreg [dreg:$0x3]  }
0xe5: {  	s0 =	sadd.s32 @!p0 $0x100000, s0  }
0xe6: {  	[sflag:s0] =	ssyncadd.tile.s32 @!p0 $0x1;
	_ =	shalt  }
.Lfunc_end2:
_tile_overlayer_lowered:
.L_overlay_start_2:
0xe7: {  	(tag) =	ssettag $0x2  }
0xe8: {  	s0 =	rddreg [dreg:$0x0];
	s2 =	stileid.u32  }
0xe9: {  	s1 =	rddreg [dreg:$0x1];
	p0 =	sne.s32 s2, $0x0  }
0xea: {  	s3 =	rddreg [dreg:$0x2];
	[bflag:$0x3] =	sbarrier.arrive $0xFFFF;
	s2 =	simm.s32 @!p0 $0x1C03  }
0xeb: {  	[timem:s3], [sflag:s2] =	dma.local @!p0 [hbm:s0], s1  }
0xec: {  	s0 =	simm.s32 @!p0 $0x3  }
0xed: {  	_ =	swait.ge @!p0 [sflag:s0], s1  }
0xee: {  	s1 =	ssub.s32 @!p0 $0x0, s1;
	[sflag:s0] =	ssyncset.done @!p0 $0x0  }
0xef: {  	[sflag:s0] =	ssyncadd.s32 @!p0 s1  }
0xf0: {  	[bflag:$0x3] =	sbarrier.arrive $0xFFFF  }
0xf1: {  	_ =	shalt  }

// kernel: kernel.7.cloned.1.call-start
scs
__scs_entry_jumppad:
0x0: {  	(pc) =	sbr.rel $0x88, $3  }
0x1: {  	(tag) =	ssettag $0x0;
	lr =	simm.s32 $0x1  }
0x2: {  	[smem:$0x3F99] =	sst lr;
	_ =	strace $0xD0000000  }
0x3: {  	_ = 	snop  }
0x4: {  	_ = 	snop  }
0x5: {  	_ = 	snop  }
0x6: {  	_ = 	snop  }
0x7: {  	_ = 	snop  }
__scs_overlays_trampoline_lowered:
0x8: {  	[smem:$0x3FA8] =	sst s0  }
0x9: {  	[smem:$0x3FA9] =	sst s1  }
0xa: {  	[smem:$0x3FAA] =	sst s2  }
0xb: {  	[smem:$0x3FAB] =	sst s3  }
0xc: {  	[smem:$0x3FAC] =	sst s4  }
0xd: {  	[smem:$0x3FAD] =	sst s5  }
0xe: {  	[smem:$0x3FAE] =	sst s6  }
0xf: {  	[smem:$0x3FAF] =	sst s7  }
0x10: {  	[smem:$0x3FB0] =	sst s8  }
0x11: {  	[smem:$0x3FB1] =	sst s9;
	s0 =	simm.s32 @!p0 $0x0  }
0x12: {  	s1 =	sld [smem:$0x3F97];
	s0 =	simm.s32 @p0 $0x1  }
0x13: {  	[smem:$0x3FB2] =	sst s0;
	s0 =	simm.s32 @!p1 $0x0  }
0x14: {  	s2 =	sld [smem:$0x3F96];
	s0 =	simm.s32 @p1 $0x1  }
0x15: {  	[smem:$0x3FB3] =	sst s0;
	s0 =	simm.s32 @!p2 $0x0  }
0x16: {  	s3 =	sld [smem:$0x3FDB];
	s0 =	simm.s32 @p2 $0x1  }
0x17: {  	s4 =	simm.s32 $0x1BF5;
	[smem:$0x3FB5] =	sst s0  }
0x18: {  	s0 =	sld [smem:$0x3F98];
	_ =	swait.ge [sflag:s4], $0x0  }
0x19: {  	s7 =	sld [smem:$0x3F99]  }
0x1a: {  	s8 =	sadd.s32 $0xFFFFE003, lr  }
0x1b: {  	s9 =	sadd.s32 $0xFFFFFEF7, lr;
	s5 =	simm.s32 $0xFFFFFFFF;
	p2 =	slt.u32 s8, $0xFFFFF086  }
0x1c: {  	p1 =	slt.u32 s9, $0xF7A;
	s5 =	simm.s32 @!p2 $0x0  }
0x1d: {  	s5 =	simm.s32 @p1 $0x1;
	p0 =	seq.s32 s7, s2  }
0x1e: {  	s7 =	smul.u32 @!p0 $0xF7A, s2;
	p2 =	seq.s32 @!p0 s5, $0x0  }
0x1f: {  	s9 =	smul.u32 $0xF7A, s1;
	s8 =	simm.s32 @!p0 $0x1BF5;
	p2 =	por !p2, p0  }
0x20: {  	[sflag:s8] =	ssyncset.s32 @!p0 $0xFFFFF086;
	s6 =	sadd.s32 @!p0 s3, s7;
	s7 =	simm.s32 @!p0 $0x108  }
0x21: {  	s3 =	sadd.s32 s3, s9;
	s6 =	sadd.s32 @!p0 $0x88, s6;
	s7 =	simm.s32 @p2 $0x1082  }
0x22: {  	[simem:s7], [sflag:s8] =	dma.local @!p0 [hbm:s6], $0xF7A  }
0x23: {  	s9 =	sor.u32 $0xD0000000, s2;
	s6 =	simm.s32 $0x108;
	_ =	swait.ge @!p0 [sflag:s8], $0x0  }
0x24: {  	s3 =	sadd.s32 $0x88, s3;
	s6 =	simm.s32 @!p1 $0x1082;
	[sflag:s4] =	ssyncset.s32 $0xFFFFF086  }
0x25: {  	[simem:s6], [sflag:s4] =	dma.local [hbm:s3], $0xF7A  }
0x26: {  	[smem:$0x3F99] =	sst s1;
	(tag) =	ssettag s2;
	_ =	strace s9  }
0x27: {  	s1 =	sld [smem:$0x3FA9]  }
0x28: {  	s2 =	sld [smem:$0x3FAA]  }
0x29: {  	s4 =	sld [smem:$0x3FAC]  }
0x2a: {  	p0 =	seq.s32 s5, $0x0;
	s5 =	sld [smem:$0x3FAD]  }
0x2b: {  	s6 =	sld [smem:$0x3FAE]  }
0x2c: {  	s7 =	sld [smem:$0x3FAF]  }
0x2d: {  	s3 =	simm.s32 $0x108;
	s8 =	sld [smem:$0x3FB0]  }
0x2e: {  	s3 =	simm.s32 @!p0 $0x1082;
	s9 =	sld [smem:$0x3FB1]  }
0x2f: {  	lr =	sadd.s32 s0, s3;
	s0 =	sld [smem:$0x3FA8]  }
0x30: {  	s3 =	sld [smem:$0x3FAB]  }
0x31: {  	[smem:$0x3FB4] =	sst s10  }
0x32: {  	s10 =	sld [smem:$0x3FB2];
	_ =	sdelay $0x3  }
0x33: {  	p0 =	seq.s32 s10, $0x1;
	s10 =	sld [smem:$0x3FB4];
	_ =	sdelay $0x3  }
0x34: {  	[smem:$0x3FB4] =	sst s10  }
0x35: {  	s10 =	sld [smem:$0x3FB3];
	_ =	sdelay $0x3  }
0x36: {  	p1 =	seq.s32 s10, $0x1;
	s10 =	sld [smem:$0x3FB4];
	_ =	sdelay $0x3  }
0x37: {  	[smem:$0x3FB4] =	sst s10  }
0x38: {  	s10 =	sld [smem:$0x3FB5]  }
0x39: {  	_ = 	snop;
	(pc) =	sbr.ind lr, $3  }
0x3a: {  	_ = 	snop  }
0x3b: {  	_ = 	snop  }
0x3c: {  	p2 =	seq.s32 s10, $0x1;
	s10 =	sld [smem:$0x3FB4]  }
0x3d: {  	_ =	shalt  }
0x3e: {  	_ =	shalt  }
0x3f: {  	_ =	shalt  }
0x40: {  	_ =	shalt  }
0x41: {  	_ =	shalt  }
0x42: {  	_ =	shalt  }
0x43: {  	_ =	shalt  }
0x44: {  	_ =	shalt  }
0x45: {  	_ =	shalt  }
0x46: {  	_ =	shalt  }
0x47: {  	_ =	shalt  }
0x48: {  	_ =	shalt  }
0x49: {  	_ =	shalt  }
0x4a: {  	_ =	shalt  }
0x4b: {  	_ =	shalt  }
0x4c: {  	_ =	shalt  }
0x4d: {  	_ =	shalt  }
0x4e: {  	_ =	shalt  }
0x4f: {  	_ =	shalt  }
0x50: {  	_ =	shalt  }
0x51: {  	_ =	shalt  }
0x52: {  	_ =	shalt  }
0x53: {  	_ =	shalt  }
0x54: {  	_ =	shalt  }
0x55: {  	_ =	shalt  }
0x56: {  	_ =	shalt  }
0x57: {  	_ =	shalt  }
0x58: {  	_ =	shalt  }
0x59: {  	_ =	shalt  }
0x5a: {  	_ =	shalt  }
0x5b: {  	_ =	shalt  }
0x5c: {  	_ =	shalt  }
0x5d: {  	_ =	shalt  }
0x5e: {  	_ =	shalt  }
0x5f: {  	_ =	shalt  }
0x60: {  	_ =	shalt  }
0x61: {  	_ =	shalt  }
0x62: {  	_ =	shalt  }
0x63: {  	_ =	shalt  }
0x64: {  	_ =	shalt  }
0x65: {  	_ =	shalt  }
0x66: {  	_ =	shalt  }
0x67: {  	_ =	shalt  }
0x68: {  	_ =	shalt  }
0x69: {  	_ =	shalt  }
0x6a: {  	_ =	shalt  }
0x6b: {  	_ =	shalt  }
0x6c: {  	_ =	shalt  }
0x6d: {  	_ =	shalt  }
0x6e: {  	_ =	shalt  }
0x6f: {  	_ =	shalt  }
0x70: {  	_ =	shalt  }
0x71: {  	_ =	shalt  }
0x72: {  	_ =	shalt  }
0x73: {  	_ =	shalt  }
0x74: {  	_ =	shalt  }
0x75: {  	_ =	shalt  }
0x76: {  	_ =	shalt  }
0x77: {  	_ =	shalt  }
0x78: {  	_ =	shalt  }
0x79: {  	_ =	shalt  }
0x7a: {  	_ =	shalt  }
0x7b: {  	_ =	shalt  }
0x7c: {  	_ =	shalt  }
0x7d: {  	_ =	shalt  }
0x7e: {  	_ =	shalt  }
0x7f: {  	_ =	shalt  }
0x80: {  	_ =	shalt  }
0x81: {  	_ =	shalt  }
0x82: {  	_ =	shalt  }
0x83: {  	_ =	shalt  }
0x84: {  	_ =	shalt  }
0x85: {  	_ =	shalt  }
0x86: {  	_ =	shalt  }
0x87: {  	_ =	shalt  }
.Lfunc_end0:
.L_simem_size_0:
called_computation_lowered:
.L_overlay_start_0:
0x88: {  	s2 =	sld [smem:$0x3FD9]  }
0x89: {  	s3 =	sld [smem:$0x3FFE];
	_ =	sdelay $0x1  }
0x8a: {  	s1 =	srdreg.scid  }
0x8b: {  	s0 =	sand.u32 $0x1, s1  }
0x8c: {  	s17 =	sshll.u32 s0, $0xA;
	s2 =	sadd.s32 s3, s2  }
0x8d: {  	s2 =	sadd.s32 s2, s17  }
0x8e: {  	[smem:$0x3FC0] =	sst s2  }
0x8f: {  	_ = 	snop  }
0x90: {  	s18 =	sld [smem:$0x3FD0];
	(tm) =	ssettm $0x1  }
0x91: {  	s19 =	sld [smem:$0x3FFB];
	_ =	sdelay $0x3  }
0x92: {  	_ =	strace s19  }
0x93: {  	s2 =	sld [smem:$0x3FFC];
	_ =	sdelay $0x3  }
0x94: {  	_ =	strace s2  }
0x95: {  	s2 =	sld [smem:$0x3FFD];
	_ =	sdelay $0x3  }
0x96: {  	_ =	strace s2  }
0x97: {  	_ =	strace $0x8FFFFFFF  }
0x98: {  	s20 =	sld [smem:$0x3FDB];
	_ =	sdelay $0x1  }
0x99: {  	s4 =	simm.s32 $_scs_section_size  }
0x9a: {  	s5 =	simm.s32 $_size__tile_overlayer_lowered;
	s6 =	simm.s32 $_tile_overlayer_lowered  }
0x9b: {  	s7 =	simm.s32 $0x1BFF;
	s21 =	sshll.u32 s6, $0x1;
	s4 =	sadd.s32 s4, s20  }
0x9c: {  	s22 =	simm.s32 $0x0;
	s5 =	sshll.u32 s5, $0x1;
	s6 =	sadd.s32 s21, s4  }
0x9d: {  	[timem:s22], [sflag:s7] =	dma.local [hbm:s6], s5  }
0x9e: {  	_ =	swait.ge [sflag:s7], s5  }
0x9f: {  	s5 =	ssub.s32 $0x0, s5;
	[sflag:s7] =	ssyncset.done $0x0  }
0xa0: {  	[sflag:s7] =	ssyncadd.s32 s5;
	_ =	sdelay $0x1  }
0xa1: {  	s23 =	simm.s32 $0x1B8B  }
0xa2: {  	_ =	swait.ge [sflag:s23], $0x1  }
0xa3: {  	[sflag:s23] =	ssyncset.done $0x0  }
0xa4: {  	[sflag:s23] =	ssyncadd.s32 $0xFFFFFFFF  }
0xa5: {  	s5 =	sld [smem:$0x0]  }
0xa6: {  	s6 =	sand.u32 $0xFFFFFFFE, s1  }
0xa7: {  	p0 =	sne.s32 s1, s6  }
0xa8: {  	s6 =	sshll.u32 @p0 s6, $0xE  }
0xa9: {  	s6 =	sadd.s32 @p0 $0x11B8D, s6;
	s7 =	sshll.u32 @p0 s5, $0x11  }
0xaa: {  	s6 =	sor.u32 @p0 s7, s6  }
0xab: {  	[sflag:s6] =	ssyncadd.remote.s32 @p0 $0x1;
	_ =	sdelay $0x1  }
0xac: {  	s6 =	simm.s32 @p0 $0x1B8D  }
0xad: {  	_ =	swait.eq @p0 [sflag:s6], $0x1  }
0xae: {  	[sflag:s6] =	ssyncadd.s32 @p0 $0xFFFFFFFF  }
0xaf: {  	s7 =	sshll.u32 @!p0 s1, $0xE  }
0xb0: {  	s7 =	sor.u32 @!p0 $0x4000, s7;
	s6 =	simm.s32 @!p0 $0x1B8D  }
0xb1: {  	s5 =	sshll.u32 @!p0 s5, $0x11;
	s7 =	sadd.s32 @!p0 $0x11B8D, s7;
	_ =	swait.eq @!p0 [sflag:s6], $0x1  }
0xb2: {  	s5 =	sor.u32 @!p0 s5, s7;
	[sflag:s6] =	ssyncadd.s32 @!p0 $0xFFFFFFFF  }
0xb3: {  	s25 =	simm.s32 $0x1B8E;
	s24 =	sld [smem:$0x3FFE];
	[sflag:s5] =	ssyncadd.remote.s32 @!p0 $0x1  }
0xb4: {  	s26 =	simm.s32 $execute0_lowered;
	[smem:$0x3FD2] =	sst s25  }
0xb5: {  	s6 =	sshll.u32 s26, $0x1;
	_ =	strace $0x80000049;
	[dreg:$0x1] =	wrdreg $0xFFFFFFFF  }
0xb6: {  	s28 =	simm.s32 $_size_execute0_lowered;
	s4 =	sadd.s32 s4, s6;
	[dreg:$0x0] =	wrdreg $0x0  }
0xb7: {  	s6 =	sshll.u32 s28, $0x1;
	[dreg:$0x2] =	wrdreg s4  }
0xb8: {  	[dreg:$0x3] =	wrdreg s6  }
0xb9: {  	[dreg:$0x4] =	wrdreg $0xC0  }
0xba: {  	_ =	task [dreg:s22], $0x5FFFF  }
0xbb: {  	[dreg:$0x1] =	wrdreg $0xFFFFFFFF  }
0xbc: {  	[dreg:$0x0] =	wrdreg $0x60  }
0xbd: {  	[dreg:$0x2] =	wrdreg s24  }
0xbe: {  	[dreg:$0x3] =	wrdreg s18  }
0xbf: {  	[dreg:$0x4] =	wrdreg $0x0  }
0xc0: {  	[dreg:$0x5] =	wrdreg $0x9  }
0xc1: {  	_ =	task.clear_ibuf [dreg:s22], $0x6FFFF;
	_ =	strace $0x90000049  }
0xc2: {  	s29 =	simm.s32 $0x9;
	_ =	strace $0x8000004B  }
0xc3: {  	_ =	swait.ge [sflag:s29], $0x1  }
0xc4: {  	[sflag:s29] =	ssyncadd.s32 $0xFFFFFFFF  }
0xc5: {  	_ =	strace $0x9000004B  }
0xc6: {  	_ =	sfence  }
0xc7: {  	s30 =	sld [smem:$0x0];
	_ =	sdelay $0x2  }
0xc8: {  	s31 =	sshll.u32 s1, $0xD;
	s1 =	sshrl.u32 s1, $0x2  }
0xc9: {  	s4 =	sand.u32 $0x4000, s31;
	s1 =	sadd.s32 s1, s30  }
0xca: {  	s0 =	sor.u32 s4, s0;
	s1 =	sshll.u32 s1, $0x11  }
0xcb: {  	s0 =	sor.u32 s1, s0  }
0xcc: {  	s0 =	sadd.s32 $0x8F2B, s0  }
0xcd: {  	[sflag:s0] =	ssyncadd.remote.s32 $0x1  }
0xce: {  	_ =	sfence.sel $0xFFFF  }
0xcf: {  	[dreg:$0x0] =	wrdreg $0xFFFFFFFF;
	(pc) =	sbr.abs _section_cstart, $3  }
0xd0: {  	[dreg:$0x1] =	wrdreg $0xFFFFFFFF  }
0xd1: {  	_ =	task.clear_ibuf [dreg:s22], $0x2FFFF;
	_ =	strace $0x9FFFFFFF  }
0xd2: {  	(tm) =	ssettm $0x7FFFFFFF  }
0xd3: {  	_ =	shalt  }
tec
execute0_lowered:
.L_overlay_start_1:
0x0: {  	(tag) =	ssettag $0x1  }
0x1: {  	s6 =	rddreg [dreg:$0x0]  }
0x2: {  	s1 =	rddreg [dreg:$0x1]  }
0x3: {  	s2 =	rddreg [dreg:$0x2];
	s4 =	srdreg.scid  }
0x4: {  	s0 =	rddreg [dreg:$0x3];
	s7 =	sand.u32 $0x1, s4  }
0x5: {  	s3 =	simm.s32 $0x0;
	s4 =	stileid.u32;
	s5 =	smul.u32 $0x4F00, s7  }
0x6: {  	s21 =	simm.s32 $0x80;
	s22 =	simm.s32 $0x0;
	s8 =	smul.u32 $0x4F000, s4  }
0x7: {  	[smem:$0x7FF] =	sst s3;
	s15 =	sadd.s32 $0x65200, s6;
	s11 =	smul.u32 $0x13C00, s4  }
0x8: {  	_ =	strace $0x8000004A;
	s9 =	ssub.s32 $0x2, s7;
	s14 =	smul.u32 $0x13C000, s7  }
0x9: {  	s20 =	smul.u32 $0x4F0, s4;
	s10 =	sshrl.u32 s9, $0x1;
	s17 =	sadd.s32 s5, s6  }
0xa: {  	s5 =	sadd.s32 $0x15A00, s6;
	s8 =	sshrl.u32 s8, $0x2;
	s16 =	ssub.s32 s9, s10  }
0xb: {  	s12 =	sadd.s32 $0x4000, s11;
	s13 =	sadd.s32 $0x8000, s11;
	s18 =	sadd.s32 $0xC000, s11  }
0xc: {  	s19 =	sadd.s32 $0x10000, s11;
	s11 =	sadd.s32 s11, s14;
	s6 =	sadd.s32 s8, s2  }
0xd: {  	s7 =	sadd.s32 s12, s2;
	s8 =	sadd.s32 s13, s2;
	s9 =	sadd.s32 s18, s2  }
0xe: {  	s10 =	sadd.s32 s19, s2;
	s11 =	sshrl.u32 s11, $0x3;
	s12 =	sadd.s32 s14, s12  }
0xf: {  	s13 =	sadd.s32 s14, s13;
	s18 =	sadd.s32 s14, s18;
	s19 =	sadd.s32 s14, s19  }
0x10: {  	s16 =	smax.u32 s16, $0x1;
	s17 =	sadd.s32 s20, s17;
	s20 =	simm.s32 $0x13C00  }
0x11: {  	s11 =	sadd.s32 s15, s11;
	s12 =	sshrl.u32 s12, $0x3;
	s13 =	sshrl.u32 s13, $0x3  }
0x12: {  	s18 =	sshrl.u32 s18, $0x3;
	s31 =	sshrl.u32 s19, $0x3;
	s17 =	sadd.s32 $0x1E00, s17  }
0x13: {  	s19 =	simm.s32 $0x1;
	s12 =	sadd.s32 s15, s12;
	s13 =	sadd.s32 s15, s13  }
0x14: {  	s14 =	sadd.s32 s15, s18;
	s15 =	sadd.s32 s15, s31;
	s18 =	simm.s32 $0x13C80  }
.LBB2_1:
0x15: {  	[tilespmem:s18], [sflag:$0x1] =	stream.linear.gather [hbm4b:s5+s3], $0x4000, $0x38;
	[tilespmem:$0x17C80] =	vst v63  }
0x16: {  	_ =	swait.ge [sflag:s19], $0x4000  }
0x17: {  	[sflag:s19] =	ssyncset.done $0x0  }
0x18: {  	[sflag:s19] =	ssyncadd.s32 $0xFFFFC000  }
0x19: {  	[spmem:s6] =	stream.linear.scatter [tilespmem:s18], [sflag:$0x1], $0x4000, $0x38;
	[tilespmem:$0x17C80] =	vst v63  }
0x1a: {  	_ =	swait.ge [sflag:s19], $0x4000  }
0x1b: {  	[sflag:s19] =	ssyncset.done $0x0  }
0x1c: {  	[sflag:s19] =	ssyncadd.s32 $0xFFFFC000  }
0x1d: {  	[spmem:s7] =	stream.linear.scatter [tilespmem:s18], [sflag:$0x1], $0x4000, $0x38;
	[tilespmem:$0x17C80] =	vst v63  }
0x1e: {  	_ =	swait.ge [sflag:s19], $0x4000  }
0x1f: {  	[sflag:s19] =	ssyncset.done $0x0  }
0x20: {  	[sflag:s19] =	ssyncadd.s32 $0xFFFFC000  }
0x21: {  	[spmem:s8] =	stream.linear.scatter [tilespmem:s18], [sflag:$0x1], $0x4000, $0x38;
	[tilespmem:$0x17C80] =	vst v63  }
0x22: {  	_ =	swait.ge [sflag:s19], $0x4000  }
0x23: {  	[sflag:s19] =	ssyncset.done $0x0  }
0x24: {  	[sflag:s19] =	ssyncadd.s32 $0xFFFFC000  }
0x25: {  	[spmem:s9] =	stream.linear.scatter [tilespmem:s18], [sflag:$0x1], $0x4000, $0x38;
	[tilespmem:$0x17C80] =	vst v63  }
0x26: {  	_ =	swait.ge [sflag:s19], $0x4000  }
0x27: {  	[sflag:s19] =	ssyncset.done $0x0  }
0x28: {  	[sflag:s19] =	ssyncadd.s32 $0xFFFFC000  }
0x29: {  	[spmem:s10] =	stream.linear.scatter [tilespmem:s18], [sflag:$0x1], $0x3C00, $0x38;
	[tilespmem:$0x17C80] =	vst v63  }
0x2a: {  	_ =	swait.ge [sflag:s19], $0x3C00  }
0x2b: {  	[sflag:s19] =	ssyncset.done $0x0  }
0x2c: {  	[sflag:s19] =	ssyncadd.s32 $0xFFFFC400  }
0x2d: {  	[bflag:$0x0] =	sbarrier.arrive $0xFFFF  }
0x2e: {  	[tilespmem:s18], [sflag:$0x1] =	stream.linear.gather [hbm4b:s1+s3], $0x4000, $0x38;
	[tilespmem:$0x17C80] =	vst v63  }
0x2f: {  	_ =	swait.ge [sflag:s19], $0x4000  }
0x30: {  	[sflag:s19] =	ssyncset.done $0x0  }
0x31: {  	s23 =	sadd.s32 $0x0, s17;
	[sflag:s19] =	ssyncadd.s32 $0xFFFFC000  }
0x32: {  	[tilespmem:s20], [sflag:$0x1] =	stream.linear.gather [hbm4b:s23+s3], $0x80, $0x38;
	[tilespmem:$0x17C80] =	vst v63  }
0x33: {  	_ =	swait.ge [sflag:s19], $0x80  }
0x34: {  	[sflag:s19] =	ssyncset.done $0x0  }
0x35: {  	[sflag:s19] =	ssyncadd.s32 $0xFFFFFF80  }
0x36: {  	[spmem:s2] =	stream.indirect.scatter.add.f32 [tilespmem:s18], [sflag:$0x1], $0x80, s20, s21, $0xb8;
	[tilespmem:$0x17C80] =	vst v63  }
0x37: {  	_ =	swait.ge [sflag:s19], $0x4000  }
0x38: {  	s24 =	simm.s32 $0x20;
	s23 =	simm.s32 $0x10;
	[sflag:s19] =	ssyncset.done $0x0  }
.LBB2_2:
0x39: {  	s25 =	sadd.s32 s23, s17  }
0x3a: {  	[sflag:s19] =	ssyncadd.s32 $0xFFFFC000;
	s23 =	smov.u32 s24;
	s26 =	sadd.s32 $0x10, s24  }
0x3b: {  	[tilespmem:s20], [sflag:$0x1] =	stream.linear.gather [hbm4b:s25+s3], $0x80, $0x38;
	[tilespmem:$0x17C80] =	vst v63  }
0x3c: {  	p0 =	sne.s32 s24, $0x4E0;
	_ =	swait.ge [sflag:s19], $0x80  }
.Ltmp0:
0x3d: {  	[sflag:s19] =	ssyncset.done $0x0;
	(pc) =	sbr.rel @p0 .LBB2_2-.Ltmp0, $4  }
0x3e: {  	[sflag:s19] =	ssyncadd.s32 $0xFFFFFF80  }
0x3f: {  	[spmem:s2] =	stream.indirect.scatter.add.f32 [tilespmem:s18], [sflag:$0x1], $0x80, s20, s21, $0xb8;
	[tilespmem:$0x17C80] =	vst v63  }
0x40: {  	_ =	swait.ge [sflag:s19], $0x4000  }
0x41: {  	s24 =	smov.u32 s26;
	[sflag:s19] =	ssyncset.done $0x0  }
0x42: {  	s23 =	sadd.s32 s23, s17;
	[sflag:s19] =	ssyncadd.s32 $0xFFFFC000  }
0x43: {  	[tilespmem:s20], [sflag:$0x1] =	stream.linear.gather [hbm4b:s23+s3], $0x80, $0x38;
	[tilespmem:$0x17C80] =	vst v63  }
0x44: {  	_ =	swait.ge [sflag:s19], $0x80  }
0x45: {  	[sflag:s19] =	ssyncset.done $0x0  }
0x46: {  	[sflag:s19] =	ssyncadd.s32 $0xFFFFFF80  }
0x47: {  	[spmem:s2] =	stream.indirect.scatter.add.f32 [tilespmem:s18], [sflag:$0x1], $0x80, s20, s21, $0xb8;
	[tilespmem:$0x17C80] =	vst v63  }
0x48: {  	_ =	swait.ge [sflag:s19], $0x4000  }
0x49: {  	[sflag:s19] =	ssyncset.done $0x0  }
0x4a: {  	[sflag:s19] =	ssyncadd.s32 $0xFFFFC000  }
0x4b: {  	[bflag:$0x0] =	sbarrier.arrive $0xFFFF  }
0x4c: {  	[tilespmem:s18], [sflag:$0x1] =	stream.linear.gather [spmem:s6], $0x4000, $0x38;
	[tilespmem:$0x17C80] =	vst v63  }
0x4d: {  	_ =	swait.ge [sflag:s19], $0x4000  }
0x4e: {  	[sflag:s19] =	ssyncset.done $0x0  }
0x4f: {  	[sflag:s19] =	ssyncadd.s32 $0xFFFFC000  }
0x50: {  	[hbm4b:s11+s3] =	stream.linear.scatter [tilespmem:s18], [sflag:$0x1], $0x4000, $0x38;
	[tilespmem:$0x17C80] =	vst v63  }
0x51: {  	_ =	swait.ge [sflag:s19], $0x4000  }
0x52: {  	[sflag:s19] =	ssyncset.done $0x0  }
0x53: {  	[sflag:s19] =	ssyncadd.s32 $0xFFFFC000  }
0x54: {  	[tilespmem:s18], [sflag:$0x1] =	stream.linear.gather [spmem:s7], $0x4000, $0x38;
	[tilespmem:$0x17C80] =	vst v63  }
0x55: {  	_ =	swait.ge [sflag:s19], $0x4000  }
0x56: {  	[sflag:s19] =	ssyncset.done $0x0  }
0x57: {  	[sflag:s19] =	ssyncadd.s32 $0xFFFFC000  }
0x58: {  	[hbm4b:s12+s3] =	stream.linear.scatter [tilespmem:s18], [sflag:$0x1], $0x4000, $0x38;
	[tilespmem:$0x17C80] =	vst v63  }
0x59: {  	_ =	swait.ge [sflag:s19], $0x4000  }
0x5a: {  	[sflag:s19] =	ssyncset.done $0x0  }
0x5b: {  	[sflag:s19] =	ssyncadd.s32 $0xFFFFC000  }
0x5c: {  	[tilespmem:s18], [sflag:$0x1] =	stream.linear.gather [spmem:s8], $0x4000, $0x38;
	[tilespmem:$0x17C80] =	vst v63  }
0x5d: {  	_ =	swait.ge [sflag:s19], $0x4000  }
0x5e: {  	[sflag:s19] =	ssyncset.done $0x0  }
0x5f: {  	[sflag:s19] =	ssyncadd.s32 $0xFFFFC000  }
0x60: {  	[hbm4b:s13+s3] =	stream.linear.scatter [tilespmem:s18], [sflag:$0x1], $0x4000, $0x38;
	[tilespmem:$0x17C80] =	vst v63  }
0x61: {  	_ =	swait.ge [sflag:s19], $0x4000  }
0x62: {  	[sflag:s19] =	ssyncset.done $0x0  }
0x63: {  	[sflag:s19] =	ssyncadd.s32 $0xFFFFC000  }
0x64: {  	[tilespmem:s18], [sflag:$0x1] =	stream.linear.gather [spmem:s9], $0x4000, $0x38;
	[tilespmem:$0x17C80] =	vst v63  }
0x65: {  	_ =	swait.ge [sflag:s19], $0x4000  }
0x66: {  	[sflag:s19] =	ssyncset.done $0x0  }
0x67: {  	[sflag:s19] =	ssyncadd.s32 $0xFFFFC000  }
0x68: {  	[hbm4b:s14+s3] =	stream.linear.scatter [tilespmem:s18], [sflag:$0x1], $0x4000, $0x38;
	[tilespmem:$0x17C80] =	vst v63  }
0x69: {  	_ =	swait.ge [sflag:s19], $0x4000  }
0x6a: {  	[sflag:s19] =	ssyncset.done $0x0  }
0x6b: {  	[sflag:s19] =	ssyncadd.s32 $0xFFFFC000  }
0x6c: {  	[tilespmem:s18], [sflag:$0x1] =	stream.linear.gather [spmem:s10], $0x3C00, $0x38;
	[tilespmem:$0x17C80] =	vst v63  }
0x6d: {  	s22 =	sadd.s32 $0x1, s22;
	_ =	swait.ge [sflag:s19], $0x3C00  }
0x6e: {  	p0 =	sne.s32 s22, s16;
	[sflag:s19] =	ssyncset.done $0x0  }
.Ltmp1:
0x6f: {  	[sflag:s19] =	ssyncadd.s32 $0xFFFFC400;
	(pc) =	sbr.rel @p0 .LBB2_1-.Ltmp1, $4  }
0x70: {  	[hbm4b:s15+s3] =	stream.linear.scatter [tilespmem:s18], [sflag:$0x1], $0x3C00, $0x38;
	[tilespmem:$0x17C80] =	vst v63  }
0x71: {  	_ =	swait.ge [sflag:s19], $0x3C00  }
0x72: {  	[sflag:s19] =	ssyncset.done $0x0  }
0x73: {  	[sflag:s19] =	ssyncadd.s32 $0xFFFFC400  }
0x74: {  	_ =	sfence.sel $0x180000  }
0x75: {  	[bflag:$0x0] =	sbarrier.arrive $0xFFFF  }
0x76: {  	p0 =	sne.s32 s4, $0x0;
	_ =	strace $0x9000004A  }
0x77: {  	s0 =	sadd.s32 @!p0 $0x100000, s0;
	[bflag:$0x2] =	sbarrier.arrive $0xFFFF  }
0x78: {  	[sflag:s0] =	ssyncadd.tile.s32 @!p0 $0x1;
	_ =	shalt  }
.Lfunc_end2:
_tile_overlayer_lowered:
.L_overlay_start_2:
0x79: {  	(tag) =	ssettag $0x2  }
0x7a: {  	s0 =	rddreg [dreg:$0x0];
	s2 =	stileid.u32  }
0x7b: {  	s1 =	rddreg [dreg:$0x1];
	p0 =	sne.s32 s2, $0x0  }
0x7c: {  	s3 =	rddreg [dreg:$0x2];
	[bflag:$0x3] =	sbarrier.arrive $0xFFFF;
	s2 =	simm.s32 @!p0 $0x1C01  }
0x7d: {  	[timem:s3], [sflag:s2] =	dma.local @!p0 [hbm:s0], s1  }
0x7e: {  	s0 =	simm.s32 @!p0 $0x1  }
0x7f: {  	_ =	swait.ge @!p0 [sflag:s0], s1  }
0x80: {  	s1 =	ssub.s32 @!p0 $0x0, s1;
	[sflag:s0] =	ssyncset.done @!p0 $0x0  }
0x81: {  	[sflag:s0] =	ssyncadd.s32 @!p0 s1  }
0x82: {  	[bflag:$0x3] =	sbarrier.arrive $0xFFFF  }
0x83: {  	_ =	shalt  }

</sc_bundles>
